<compile_context>
chip_gen: v7x
topology: tpu7x:2x2x1
jax: 0.10.2.dev20260603
libtpu: 0.0.44.dev20260713+nightly
codegen_flags: <defaults>
</compile_context>

<pallas_src>
import jax
import jax.numpy as jnp
from jax import lax
from jax.experimental import pallas as pl
from jax.experimental.pallas import tpu as pltpu
from jax.experimental.pallas import tpu_sc as plsc

N_NODES = 100000
N_EDGES = 6400000

NC = 2
NS = 16
NW = NC * NS
CHUNK = 128
G = 4
GD = 8
N_PAD = 100352
DUMMY = N_NODES

E_PAD = 6488064
C_TOTAL = E_PAD // CHUNK
C_TILE = C_TOTAL // NW
ITERS = C_TILE // G
ITERS_D = C_TILE // GD

F = 16
BLK = 2048
GRID = N_PAD // BLK

_sc_params = pltpu.CompilerParams(use_tc_tiling_on_sc=False)


def _sc_mesh():
    return plsc.VectorSubcoreMesh(core_axis_name="c", subcore_axis_name="s",
                                  num_cores=NC, num_subcores=NS)


def _make_edge_pass_body(width, g, iters):
    gc = g * CHUNK

    def _edge_pass_body(table, srcf, dstf, zeros, out,
                        src_v, dst_v, rows, acc,
                        gsem0, gsem1, ssem0, ssem1, is0, is1, is2, is3):
        c = lax.axis_index("c")
        s = lax.axis_index("s")
        wid = s * NC + c
        rps = N_PAD // NS
        pltpu.sync_copy(zeros.at[pl.ds(s * rps, rps)],
                        acc.at[pl.ds(s * rps, rps)])
        plsc.subcore_barrier()
        base = wid * C_TILE
        gsems = (gsem0, gsem1)
        ssems = (ssem0, ssem1)
        isems = (is0, is1, is2, is3)

        def fire_idx(b, islot):
            off = (base + b * g) * CHUNK
            pltpu.async_copy(srcf.at[pl.ds(off, gc)], src_v.at[islot],
                             isems[islot])
            pltpu.async_copy(dstf.at[pl.ds(off, gc)], dst_v.at[islot],
                             isems[islot])

        def wait_idx(b, islot):
            off = (base + b * g) * CHUNK
            pltpu.make_async_copy(srcf.at[pl.ds(off, gc)], src_v.at[islot],
                                  isems[islot]).wait()
            pltpu.make_async_copy(dstf.at[pl.ds(off, gc)], dst_v.at[islot],
                                  isems[islot]).wait()

        def fire_gather(islot, rslot):
            pltpu.async_copy(table.at[src_v.at[islot]], rows.at[rslot],
                             gsems[rslot])

        def wait_gather(islot, rslot):
            pltpu.make_async_copy(table.at[src_v.at[islot]], rows.at[rslot],
                                  gsems[rslot]).wait()

        def fire_scatter(islot, rslot):
            pltpu.async_copy(rows.at[rslot], acc.at[dst_v.at[islot]],
                             ssems[rslot], add=True)

        def wait_scatter(islot, rslot):
            pltpu.make_async_copy(rows.at[rslot], acc.at[dst_v.at[islot]],
                                  ssems[rslot]).wait()

        fire_idx(0, 0)
        fire_idx(1, 1)
        last = iters // 4 - 1

        def body(it4, carry):
            b0 = 4 * it4

            @pl.when(it4 > 0)
            def _():
                wait_scatter(2, 0)
            fire_idx(b0 + 2, 2)
            wait_idx(b0, 0)
            fire_gather(0, 0)

            @pl.when(it4 > 0)
            def _():
                wait_scatter(3, 1)
            fire_idx(b0 + 3, 3)
            wait_idx(b0 + 1, 1)
            fire_gather(1, 1)

            wait_gather(0, 0)
            fire_scatter(0, 0)
            wait_gather(1, 1)
            fire_scatter(1, 1)

            wait_scatter(0, 0)

            @pl.when(it4 < last)
            def _():
                fire_idx(b0 + 4, 0)
            wait_idx(b0 + 2, 2)
            fire_gather(2, 0)

            wait_scatter(1, 1)

            @pl.when(it4 < last)
            def _():
                fire_idx(b0 + 5, 1)
            wait_idx(b0 + 3, 3)
            fire_gather(3, 1)

            wait_gather(2, 0)
            fire_scatter(2, 0)
            wait_gather(3, 1)
            fire_scatter(3, 1)
            return carry

        lax.fori_loop(0, iters // 4, body, 0)
        wait_scatter(2, 0)
        wait_scatter(3, 1)
        plsc.subcore_barrier()
        pltpu.sync_copy(acc.at[pl.ds(s * rps, rps)],
                        out.at[c, pl.ds(s * rps, rps)])

    return _edge_pass_body


_lazy_cache = {}


def _edge_pass(width, g, *args):
    key = ("edge", width)
    if key not in _lazy_cache:
        _lazy_cache[key] = pl.kernel(
            _make_edge_pass_body(width, g, C_TILE // g),
            out_type=jax.ShapeDtypeStruct((NC, N_PAD, width), jnp.float32),
            mesh=_sc_mesh(),
            compiler_params=_sc_params,
            scratch_types=[
                pltpu.VMEM((4, g * CHUNK), jnp.int32),
                pltpu.VMEM((4, g * CHUNK), jnp.int32),
                pltpu.VMEM((2, g * CHUNK, width), jnp.float32),
                pltpu.VMEM_SHARED((N_PAD, width), jnp.float32),
                pltpu.SemaphoreType.DMA,
                pltpu.SemaphoreType.DMA,
                pltpu.SemaphoreType.DMA,
                pltpu.SemaphoreType.DMA,
                pltpu.SemaphoreType.DMA,
                pltpu.SemaphoreType.DMA,
                pltpu.SemaphoreType.DMA,
                pltpu.SemaphoreType.DMA,
            ],
        )
    return _lazy_cache[key](*args)


DW = 8


def _degrees_body(srcf, dstf, ones_hbm, zerosd, deg_out,
                  src_v, dst_v, ones_v, deg, sem0, sem1):
    c = lax.axis_index("c")
    s = lax.axis_index("s")
    wid = s * NC + c
    rps = N_PAD // NS
    pltpu.sync_copy(zerosd.at[pl.ds(s * rps, rps)], deg.at[pl.ds(s * rps, rps)])
    pltpu.sync_copy(ones_hbm, ones_v)
    plsc.subcore_barrier()
    base = wid * C_TILE
    sems = (sem0, sem1)
    gcd_ = GD * CHUNK

    def fire_batch(b, slot):
        off = (base + b * GD) * CHUNK
        pltpu.sync_copy(srcf.at[pl.ds(off, gcd_)], src_v.at[slot])
        pltpu.sync_copy(dstf.at[pl.ds(off, gcd_)], dst_v.at[slot])
        pltpu.async_copy(ones_v.at[0], deg.at[src_v.at[slot]],
                         sems[slot], add=True)
        pltpu.async_copy(ones_v.at[1], deg.at[dst_v.at[slot]],
                         sems[slot], add=True)

    def wait_batch(slot):
        pltpu.make_async_copy(ones_v.at[0], deg.at[src_v.at[slot]],
                              sems[slot]).wait()
        pltpu.make_async_copy(ones_v.at[1], deg.at[dst_v.at[slot]],
                              sems[slot]).wait()

    def body(it2, carry):
        b0 = 2 * it2

        @pl.when(it2 > 0)
        def _():
            wait_batch(0)
        fire_batch(b0, 0)

        @pl.when(it2 > 0)
        def _():
            wait_batch(1)
        fire_batch(b0 + 1, 1)
        return carry

    lax.fori_loop(0, ITERS_D // 2, body, 0)
    wait_batch(0)
    wait_batch(1)
    plsc.subcore_barrier()
    pltpu.sync_copy(deg.at[pl.ds(s * rps, rps)], deg_out.at[c, pl.ds(s * rps, rps)])


def _degrees(*args):
    if "deg" not in _lazy_cache:
        _lazy_cache["deg"] = pl.kernel(
            _degrees_body,
            out_type=jax.ShapeDtypeStruct((NC, N_PAD, DW), jnp.float32),
            mesh=_sc_mesh(),
            compiler_params=_sc_params,
            scratch_types=[
                pltpu.VMEM((2, GD * CHUNK), jnp.int32),
                pltpu.VMEM((2, GD * CHUNK), jnp.int32),
                pltpu.VMEM((2, GD * CHUNK, DW), jnp.float32),
                pltpu.VMEM_SHARED((N_PAD, DW), jnp.float32),
                pltpu.SemaphoreType.DMA,
                pltpu.SemaphoreType.DMA,
            ],
        )
    return _lazy_cache["deg"](*args)


def _tc1_body(deg_ref, h_ref, y1_ref, ns_ref, nd_ref):
    deg_o = deg_ref[0, :, 0:1] + deg_ref[1, :, 0:1]
    deg_i = deg_ref[0, :, 4:5] + deg_ref[1, :, 4:5]
    ns = jnp.where(deg_o > 0, lax.rsqrt(jnp.maximum(deg_o, 1.0)), 0.0)
    nd = jnp.where(deg_i > 0, lax.rsqrt(jnp.maximum(deg_i, 1.0)), 0.0)
    y1_ref[...] = h_ref[...] * ns
    ns_ref[...] = ns
    nd_ref[...] = nd


def _tc2_body(agg_ref, nd_ref, b1_ref, ns_ref, w1_ref, y2_ref):
    x = jnp.dot((agg_ref[0] + agg_ref[1]) * nd_ref[...], w1_ref[...],
                preferred_element_type=jnp.float32) + b1_ref[...]
    x = jnp.maximum(x, 0.0)
    y2_ref[...] = x * ns_ref[...]


def _tc3_body(agg_ref, nd_ref, b2_ref, w2_ref, w3_ref, b3_ref, o_ref):
    x = jnp.dot((agg_ref[0] + agg_ref[1]) * nd_ref[...], w2_ref[...],
                preferred_element_type=jnp.float32) + b2_ref[...]
    x = jnp.maximum(x, 0.0)
    o_ref[...] = jnp.dot(x, w3_ref[...],
                         preferred_element_type=jnp.float32) + b3_ref[...]


def _part_spec(width):
    return pl.BlockSpec((NC, BLK, width), lambda i: (0, i, 0))


def _row_spec(width):
    return pl.BlockSpec((BLK, width), lambda i: (i, 0))


def _full_spec(shape):
    return pl.BlockSpec(shape, lambda i: tuple(0 for _ in shape))


def kernel(h, edge_index, W1, b1, W2, b2, W3, b3):
    src = edge_index[0]
    dst = edge_index[1]
    pad = E_PAD - N_EDGES
    pad_idx = (N_NODES + jnp.arange(pad, dtype=jnp.int32)
               % (N_PAD - N_NODES)).astype(src.dtype)
    srcf = jnp.concatenate([src, pad_idx]).astype(jnp.int32)
    dstf = jnp.concatenate([dst, pad_idx]).astype(jnp.int32)

    h8 = jnp.pad(h, ((0, N_PAD - N_NODES), (0, 2)))
    W1p = jnp.pad(W1, ((0, 2), (0, 0)))
    zeros16 = jnp.zeros((N_PAD, F), jnp.float32)
    zeros8 = jnp.zeros((N_PAD, 8), jnp.float32)
    zerosd = jnp.zeros((N_PAD, DW), jnp.float32)
    onesd = (jnp.zeros((2, GD * CHUNK, DW), jnp.float32)
             .at[0, :, 0].set(1.0).at[1, :, 4].set(1.0))

    deg = _degrees(srcf, dstf, onesd, zerosd)

    y1, ns, nd = pl.pallas_call(
        _tc1_body,
        grid=(GRID,),
        in_specs=[_part_spec(DW), _row_spec(8)],
        out_specs=[_row_spec(8), _row_spec(1), _row_spec(1)],
        out_shape=[jax.ShapeDtypeStruct((N_PAD, 8), jnp.float32),
                   jax.ShapeDtypeStruct((N_PAD, 1), jnp.float32),
                   jax.ShapeDtypeStruct((N_PAD, 1), jnp.float32)],
    )(deg, h8)

    agg1 = _edge_pass(8, G, y1, srcf, dstf, zeros8)

    y2 = pl.pallas_call(
        _tc2_body,
        grid=(GRID,),
        in_specs=[_part_spec(8), _row_spec(1), _full_spec((1, F)),
                  _row_spec(1), _full_spec((8, F))],
        out_specs=_row_spec(F),
        out_shape=jax.ShapeDtypeStruct((N_PAD, F), jnp.float32),
    )(agg1, nd, b1.reshape(1, F), ns, W1p)

    agg2 = _edge_pass(F, G, y2, srcf, dstf, zeros16)

    o = pl.pallas_call(
        _tc3_body,
        grid=(GRID,),
        in_specs=[_part_spec(F), _row_spec(1), _full_spec((1, F)),
                  _full_spec((F, F)), _full_spec((F, 1)), _full_spec((1, 1))],
        out_specs=_row_spec(1),
        out_shape=jax.ShapeDtypeStruct((N_PAD, 1), jnp.float32),
    )(agg2, nd, b2.reshape(1, F), W2, W3, b3.reshape(1, 1))

    return o[:N_NODES, 0]

# --- scband reference (transcript-rebuilt; emitter-appended) ---
"""Pipeline reference for scband-gnnmodel-21002390078175 (READ-ONLY COPY).

The authoritative reference and input builder live on the scoring server;
editing this copy changes nothing except your own understanding.
"""

import jax, jax.numpy as jnp
import numpy as np

N_NODES = 100000
N_EDGES = 6400000


def _graph_conv(h, src, dst, W, b, n_nodes):
    # DGL GraphConv with norm='both': D_dst^{-1/2} A D_src^{-1/2} X W + b
    deg_out = jnp.bincount(src, length=n_nodes).astype(jnp.float32)
    deg_in = jnp.bincount(dst, length=n_nodes).astype(jnp.float32)
    norm_src = jnp.where(deg_out > 0, 1.0 / jnp.sqrt(jnp.maximum(deg_out, 1.0)), 0.0)
    norm_dst = jnp.where(deg_in > 0, 1.0 / jnp.sqrt(jnp.maximum(deg_in, 1.0)), 0.0)
    hs = h * norm_src[:, None]
    msgs = hs[src]  # gather over edges
    agg = jax.ops.segment_sum(msgs, dst, num_segments=n_nodes)  # scatter-add
    agg = agg * norm_dst[:, None]
    return agg @ W + b


def setup_inputs(seed: int = 0) -> dict:
    key = jax.random.key(seed)
    k1, k2, k3, k4, k5, k6, k7, k8 = jax.random.split(key, 8)
    h = jax.random.normal(k1, (N_NODES, 6), dtype=jnp.float32)
    edge_index = jax.random.randint(k2, (2, N_EDGES), 0, N_NODES)
    W1 = jax.random.normal(k3, (6, 16), dtype=jnp.float32) * (1.0 / np.sqrt(6))
    b1 = jnp.zeros((16,), dtype=jnp.float32)
    W2 = jax.random.normal(k4, (16, 16), dtype=jnp.float32) * (1.0 / np.sqrt(16))
    b2 = jnp.zeros((16,), dtype=jnp.float32)
    W3 = jax.random.normal(k5, (16, 1), dtype=jnp.float32) * (1.0 / np.sqrt(16))
    b3 = jnp.zeros((1,), dtype=jnp.float32)
    return {"h": h, "edge_index": edge_index, "W1": W1, "b1": b1, "W2": W2, "b2": b2, "W3": W3, "b3": b3}


def reference(h, edge_index, W1, b1, W2, b2, W3, b3):
    src = edge_index[0]
    dst = edge_index[1]
    x = jnp.maximum(_graph_conv(h, src, dst, W1, b1, N_NODES), 0.0)
    x = jnp.maximum(_graph_conv(x, src, dst, W2, b2, N_NODES), 0.0)
    x = x @ W3 + b3
    return x.squeeze(1)

if __name__ == "__main__":
    import jax
    _d = setup_inputs()
    print(jax.jit(kernel)(*tuple(_d.values())))

</pallas_src>

<mosaic_0001>
#map = affine_map<(d0, d1) -> (0)>
#map1 = affine_map<(d0, d1) -> (0, 0, 0)>
#map2 = affine_map<(d0, d1) -> (0, 0)>
module attributes {stable_mosaic.version = 14 : i64} {
  func.func @_degrees_body(%arg0: i32, %arg1: i32, %arg2: memref<6488064xi32, #tpu.memory_space<hbm>>, %arg3: memref<6488064xi32, #tpu.memory_space<hbm>>, %arg4: memref<2x1024x8xf32, #tpu.memory_space<hbm>>, %arg5: memref<100352x8xf32, #tpu.memory_space<hbm>>, %arg6: memref<2x100352x8xf32, #tpu.memory_space<hbm>>, %arg7: memref<2x1024xi32, #tpu.memory_space<vmem>>, %arg8: memref<2x1024xi32, #tpu.memory_space<vmem>>, %arg9: memref<2x1024x8xf32, #tpu.memory_space<vmem>>, %arg10: memref<100352x8xf32, #tpu.memory_space<vmem_shared>>, %arg11: memref<!tpu.dma_semaphore, #tpu.memory_space<semaphore_mem>>, %arg12: memref<!tpu.dma_semaphore, #tpu.memory_space<semaphore_mem>>) attributes {dimension_semantics = [#tpu.dimension_semantics<core_parallel>, #tpu.dimension_semantics<subcore_parallel>], iteration_bounds = array<i64: 2, 16>, scalar_prefetch = 0 : i64, scratch_operands = 6 : i64, tpu.core_type = #tpu.core_type<sc_vector_subcore>, window_params = [{transform_indices = #map}, {transform_indices = #map}, {transform_indices = #map1}, {transform_indices = #map2}, {transform_indices = #map1}]} {
    %mul3A = arith.constant 2 : i32
    %mul3A_0 = arith.muli %arg1, %mul3A : i32
    %add3A = arith.addi %mul3A_0, %arg0 : i32
    %mul3A_1 = arith.constant 6272 : i32
    %mul3A_2 = arith.muli %arg1, %mul3A_1 : i32
    %mul3A_3 = arith.constant 6272 : i32
    %mul3A_4 = arith.muli %arg1, %mul3A_3 : i32
    "tpu.region"() ({
      %run_scoped3A = tpu.sem_alloc : memref<!tpu.dma_semaphore, #tpu.memory_space<semaphore_mem>>
      %dma_start3A = arith.constant 0 : i32
      %dma_start3A_64 = tpu.memref_slice %arg10[%mul3A_4, %dma_start3A] : memref<100352x8xf32, #tpu.memory_space<vmem_shared>> -> memref<6272x8xf32, #tpu.memory_space<vmem_shared>>
      %dma_start3A_65 = arith.constant 0 : i32
      %dma_start3A_66 = tpu.memref_slice %arg5[%mul3A_2, %dma_start3A_65] : memref<100352x8xf32, #tpu.memory_space<hbm>> -> memref<6272x8xf32, #tpu.memory_space<hbm>>
      tpu.enqueue_dma source(%dma_start3A_66 : memref<6272x8xf32, #tpu.memory_space<hbm>>) target(%dma_start3A_64 : memref<6272x8xf32, #tpu.memory_space<vmem_shared>>) target_semaphore(%run_scoped3A : memref<!tpu.dma_semaphore, #tpu.memory_space<semaphore_mem>>)
      %dma_wait3A_67 = arith.constant 0 : i32
      %dma_wait3A_68 = tpu.memref_slice %arg10[%mul3A_4, %dma_wait3A_67] : memref<100352x8xf32, #tpu.memory_space<vmem_shared>> -> memref<6272x8xf32, #tpu.memory_space<vmem_shared>>
      %dma_wait3A_69 = arith.constant 0 : i32
      %dma_wait3A_70 = tpu.memref_slice %arg5[%mul3A_2, %dma_wait3A_69] : memref<100352x8xf32, #tpu.memory_space<hbm>> -> memref<6272x8xf32, #tpu.memory_space<hbm>>
      tpu.wait_dma2 semaphore(%run_scoped3A : memref<!tpu.dma_semaphore, #tpu.memory_space<semaphore_mem>>) src(%dma_wait3A_70 : memref<6272x8xf32, #tpu.memory_space<hbm>>) dst(%dma_wait3A_68 : memref<6272x8xf32, #tpu.memory_space<vmem_shared>>)
      tpu.yield
    }) : () -> ()
    "tpu.region"() ({
      %run_scoped3A = tpu.sem_alloc : memref<!tpu.dma_semaphore, #tpu.memory_space<semaphore_mem>>
      tpu.enqueue_dma source(%arg4 : memref<2x1024x8xf32, #tpu.memory_space<hbm>>) target(%arg9 : memref<2x1024x8xf32, #tpu.memory_space<vmem>>) target_semaphore(%run_scoped3A : memref<!tpu.dma_semaphore, #tpu.memory_space<semaphore_mem>>)
      tpu.wait_dma2 semaphore(%run_scoped3A : memref<!tpu.dma_semaphore, #tpu.memory_space<semaphore_mem>>) src(%arg4 : memref<2x1024x8xf32, #tpu.memory_space<hbm>>) dst(%arg9 : memref<2x1024x8xf32, #tpu.memory_space<vmem>>)
      tpu.yield
    }) : () -> ()
    %barrier3A = arith.constant 0 : index
    tpu.barrier barrier_id(%barrier3A)
    %mul3A_5 = arith.constant 1584 : i32
    %mul3A_6 = arith.muli %add3A, %mul3A_5 : i32
    %scan3A = arith.constant 0 : i32
    %scan3A_7 = arith.constant 0 : i32
    %scan3A_8 = arith.constant 99 : i32
    %scan3A_9 = arith.addi %scan3A_7, %scan3A_8 : i32
    %scan3A_10 = arith.constant 1 : i32
    scf.for %scan3A_64 = %scan3A_7 to %scan3A_9 step %scan3A_10  : i32 {
      %mul3A_65 = arith.constant 2 : i32
      %mul3A_66 = arith.muli %mul3A_65, %scan3A_64 : i32
      %gt3A = arith.constant 0 : i32
      %gt3A_67 = arith.cmpi sgt, %scan3A_64, %gt3A : i32
      %convert_element_type3A = arith.extui %gt3A_67 : i1 to i32
      %cond3A = arith.constant 0 : i32
      %cond3A_68 = arith.cmpi ne, %convert_element_type3A, %cond3A : i32
      scf.if %cond3A_68 {
        %dma_wait3A_136 = arith.constant 0 : i32
        %dma_wait3A_137 = arith.constant 0 : i32
        %dma_wait3A_138 = arith.constant 0 : i32
        %dma_wait3A_139 = arith.constant 0 : i32
        %dma_wait3A_140 = tpu.memref_slice %arg9[%dma_wait3A_136, %dma_wait3A_138, %dma_wait3A_139] : memref<2x1024x8xf32, #tpu.memory_space<vmem>> -> memref<1x1024x8xf32, #tpu.memory_space<vmem>>
        %dma_wait3A_141 = tpu.memref_squeeze %dma_wait3A_140 : memref<1x1024x8xf32, #tpu.memory_space<vmem>> -> memref<1024x8xf32, #tpu.memory_space<vmem>>
        %dma_wait3A_142 = arith.constant 0 : i32
        %dma_wait3A_143 = tpu.memref_slice %arg7[%dma_wait3A_137, %dma_wait3A_142] : memref<2x1024xi32, #tpu.memory_space<vmem>> -> memref<1x1024xi32, #tpu.memory_space<vmem>>
        %dma_wait3A_144 = tpu.memref_squeeze %dma_wait3A_143 : memref<1x1024xi32, #tpu.memory_space<vmem>> -> memref<1024xi32, #tpu.memory_space<vmem>>
        %dma_wait3A_145 = arith.constant 0 : i32
        %dma_wait3A_146 = arith.constant 0 : i32
        %dma_wait3A_147 = tpu.memref_slice %arg10[%dma_wait3A_145, %dma_wait3A_146] : memref<100352x8xf32, #tpu.memory_space<vmem_shared>> -> memref<100352x8xf32, #tpu.memory_space<vmem_shared>>
        tpu.wait_indirect_dma semaphore(%arg11 : memref<!tpu.dma_semaphore, #tpu.memory_space<semaphore_mem>>) src(%dma_wait3A_141 : memref<1024x8xf32, #tpu.memory_space<vmem>>) dst(%dma_wait3A_147 : memref<100352x8xf32, #tpu.memory_space<vmem_shared>>)
        %dma_wait3A_148 = arith.constant 1 : i32
        %dma_wait3A_149 = arith.constant 0 : i32
        %dma_wait3A_150 = arith.constant 0 : i32
        %dma_wait3A_151 = arith.constant 0 : i32
        %dma_wait3A_152 = tpu.memref_slice %arg9[%dma_wait3A_148, %dma_wait3A_150, %dma_wait3A_151] : memref<2x1024x8xf32, #tpu.memory_space<vmem>> -> memref<1x1024x8xf32, #tpu.memory_space<vmem>>
        %dma_wait3A_153 = tpu.memref_squeeze %dma_wait3A_152 : memref<1x1024x8xf32, #tpu.memory_space<vmem>> -> memref<1024x8xf32, #tpu.memory_space<vmem>>
        %dma_wait3A_154 = arith.constant 0 : i32
        %dma_wait3A_155 = tpu.memref_slice %arg8[%dma_wait3A_149, %dma_wait3A_154] : memref<2x1024xi32, #tpu.memory_space<vmem>> -> memref<1x1024xi32, #tpu.memory_space<vmem>>
        %dma_wait3A_156 = tpu.memref_squeeze %dma_wait3A_155 : memref<1x1024xi32, #tpu.memory_space<vmem>> -> memref<1024xi32, #tpu.memory_space<vmem>>
        %dma_wait3A_157 = arith.constant 0 : i32
        %dma_wait3A_158 = arith.constant 0 : i32
        %dma_wait3A_159 = tpu.memref_slice %arg10[%dma_wait3A_157, %dma_wait3A_158] : memref<100352x8xf32, #tpu.memory_space<vmem_shared>> -> memref<100352x8xf32, #tpu.memory_space<vmem_shared>>
        tpu.wait_indirect_dma semaphore(%arg11 : memref<!tpu.dma_semaphore, #tpu.memory_space<semaphore_mem>>) src(%dma_wait3A_153 : memref<1024x8xf32, #tpu.memory_space<vmem>>) dst(%dma_wait3A_159 : memref<100352x8xf32, #tpu.memory_space<vmem_shared>>)
      } else {
      }
      %mul3A_69 = arith.constant 8 : i32
      %mul3A_70 = arith.muli %mul3A_66, %mul3A_69 : i32
      %add3A_71 = arith.addi %mul3A_6, %mul3A_70 : i32
      %mul3A_72 = arith.constant 128 : i32
      %mul3A_73 = arith.muli %add3A_71, %mul3A_72 : i32
      %run_scoped3A = arith.constant 0 : i32
      "tpu.region"() ({
        %run_scoped3A_136 = tpu.sem_alloc : memref<!tpu.dma_semaphore, #tpu.memory_space<semaphore_mem>>
        %dma_start3A_137 = arith.constant 0 : i32
        %dma_start3A_138 = tpu.memref_slice %arg7[%run_scoped3A, %dma_start3A_137] : memref<2x1024xi32, #tpu.memory_space<vmem>> -> memref<1x1024xi32, #tpu.memory_space<vmem>>
        %dma_start3A_139 = tpu.memref_squeeze %dma_start3A_138 : memref<1x1024xi32, #tpu.memory_space<vmem>> -> memref<1024xi32, #tpu.memory_space<vmem>>
        %dma_start3A_140 = tpu.memref_slice %arg2[%mul3A_73] : memref<6488064xi32, #tpu.memory_space<hbm>> -> memref<1024xi32, #tpu.memory_space<hbm>>
        %dma_start3A_141 = arith.constant 0 : i32
        %dma_start3A_142 = tpu.memref_slice %arg7[%run_scoped3A, %dma_start3A_141] : memref<2x1024xi32, #tpu.memory_space<vmem>> -> memref<1x1024xi32, #tpu.memory_space<vmem>>
        %dma_start3A_143 = tpu.memref_squeeze %dma_start3A_142 : memref<1x1024xi32, #tpu.memory_space<vmem>> -> memref<1024xi32, #tpu.memory_space<vmem>>
        %dma_start3A_144 = tpu.memref_slice %arg2[%mul3A_73] : memref<6488064xi32, #tpu.memory_space<hbm>> -> memref<1024xi32, #tpu.memory_space<hbm>>
        tpu.enqueue_dma source(%dma_start3A_144 : memref<1024xi32, #tpu.memory_space<hbm>>) target(%dma_start3A_143 : memref<1024xi32, #tpu.memory_space<vmem>>) target_semaphore(%run_scoped3A_136 : memref<!tpu.dma_semaphore, #tpu.memory_space<semaphore_mem>>)
        %dma_wait3A_145 = arith.constant 0 : i32
        %dma_wait3A_146 = tpu.memref_slice %arg7[%run_scoped3A, %dma_wait3A_145] : memref<2x1024xi32, #tpu.memory_space<vmem>> -> memref<1x1024xi32, #tpu.memory_space<vmem>>
        %dma_wait3A_147 = tpu.memref_squeeze %dma_wait3A_146 : memref<1x1024xi32, #tpu.memory_space<vmem>> -> memref<1024xi32, #tpu.memory_space<vmem>>
        %dma_wait3A_148 = tpu.memref_slice %arg2[%mul3A_73] : memref<6488064xi32, #tpu.memory_space<hbm>> -> memref<1024xi32, #tpu.memory_space<hbm>>
        %dma_wait3A_149 = arith.constant 0 : i32
        %dma_wait3A_150 = tpu.memref_slice %arg7[%run_scoped3A, %dma_wait3A_149] : memref<2x1024xi32, #tpu.memory_space<vmem>> -> memref<1x1024xi32, #tpu.memory_space<vmem>>
        %dma_wait3A_151 = tpu.memref_squeeze %dma_wait3A_150 : memref<1x1024xi32, #tpu.memory_space<vmem>> -> memref<1024xi32, #tpu.memory_space<vmem>>
        %dma_wait3A_152 = tpu.memref_slice %arg2[%mul3A_73] : memref<6488064xi32, #tpu.memory_space<hbm>> -> memref<1024xi32, #tpu.memory_space<hbm>>
        tpu.wait_dma2 semaphore(%run_scoped3A_136 : memref<!tpu.dma_semaphore, #tpu.memory_space<semaphore_mem>>) src(%dma_wait3A_152 : memref<1024xi32, #tpu.memory_space<hbm>>) dst(%dma_wait3A_151 : memref<1024xi32, #tpu.memory_space<vmem>>)
        tpu.yield
      }) : () -> ()
      %run_scoped3A_74 = arith.constant 0 : i32
      "tpu.region"() ({
        %run_scoped3A_136 = tpu.sem_alloc : memref<!tpu.dma_semaphore, #tpu.memory_space<semaphore_mem>>
        %dma_start3A_137 = arith.constant 0 : i32
        %dma_start3A_138 = tpu.memref_slice %arg8[%run_scoped3A_74, %dma_start3A_137] : memref<2x1024xi32, #tpu.memory_space<vmem>> -> memref<1x1024xi32, #tpu.memory_space<vmem>>
        %dma_start3A_139 = tpu.memref_squeeze %dma_start3A_138 : memref<1x1024xi32, #tpu.memory_space<vmem>> -> memref<1024xi32, #tpu.memory_space<vmem>>
        %dma_start3A_140 = tpu.memref_slice %arg3[%mul3A_73] : memref<6488064xi32, #tpu.memory_space<hbm>> -> memref<1024xi32, #tpu.memory_space<hbm>>
        %dma_start3A_141 = arith.constant 0 : i32
        %dma_start3A_142 = tpu.memref_slice %arg8[%run_scoped3A_74, %dma_start3A_141] : memref<2x1024xi32, #tpu.memory_space<vmem>> -> memref<1x1024xi32, #tpu.memory_space<vmem>>
        %dma_start3A_143 = tpu.memref_squeeze %dma_start3A_142 : memref<1x1024xi32, #tpu.memory_space<vmem>> -> memref<1024xi32, #tpu.memory_space<vmem>>
        %dma_start3A_144 = tpu.memref_slice %arg3[%mul3A_73] : memref<6488064xi32, #tpu.memory_space<hbm>> -> memref<1024xi32, #tpu.memory_space<hbm>>
        tpu.enqueue_dma source(%dma_start3A_144 : memref<1024xi32, #tpu.memory_space<hbm>>) target(%dma_start3A_143 : memref<1024xi32, #tpu.memory_space<vmem>>) target_semaphore(%run_scoped3A_136 : memref<!tpu.dma_semaphore, #tpu.memory_space<semaphore_mem>>)
        %dma_wait3A_145 = arith.constant 0 : i32
        %dma_wait3A_146 = tpu.memref_slice %arg8[%run_scoped3A_74, %dma_wait3A_145] : memref<2x1024xi32, #tpu.memory_space<vmem>> -> memref<1x1024xi32, #tpu.memory_space<vmem>>
        %dma_wait3A_147 = tpu.memref_squeeze %dma_wait3A_146 : memref<1x1024xi32, #tpu.memory_space<vmem>> -> memref<1024xi32, #tpu.memory_space<vmem>>
        %dma_wait3A_148 = tpu.memref_slice %arg3[%mul3A_73] : memref<6488064xi32, #tpu.memory_space<hbm>> -> memref<1024xi32, #tpu.memory_space<hbm>>
        %dma_wait3A_149 = arith.constant 0 : i32
        %dma_wait3A_150 = tpu.memref_slice %arg8[%run_scoped3A_74, %dma_wait3A_149] : memref<2x1024xi32, #tpu.memory_space<vmem>> -> memref<1x1024xi32, #tpu.memory_space<vmem>>
        %dma_wait3A_151 = tpu.memref_squeeze %dma_wait3A_150 : memref<1x1024xi32, #tpu.memory_space<vmem>> -> memref<1024xi32, #tpu.memory_space<vmem>>
        %dma_wait3A_152 = tpu.memref_slice %arg3[%mul3A_73] : memref<6488064xi32, #tpu.memory_space<hbm>> -> memref<1024xi32, #tpu.memory_space<hbm>>
        tpu.wait_dma2 semaphore(%run_scoped3A_136 : memref<!tpu.dma_semaphore, #tpu.memory_space<semaphore_mem>>) src(%dma_wait3A_152 : memref<1024xi32, #tpu.memory_space<hbm>>) dst(%dma_wait3A_151 : memref<1024xi32, #tpu.memory_space<vmem>>)
        tpu.yield
      }) : () -> ()
      %dma_start3A = arith.constant 0 : i32
      %dma_start3A_75 = arith.constant 0 : i32
      %dma_start3A_76 = arith.constant 0 : i32
      %dma_start3A_77 = arith.constant 0 : i32
      %dma_start3A_78 = tpu.memref_slice %arg9[%dma_start3A, %dma_start3A_76, %dma_start3A_77] : memref<2x1024x8xf32, #tpu.memory_space<vmem>> -> memref<1x1024x8xf32, #tpu.memory_space<vmem>>
      %dma_start3A_79 = tpu.memref_squeeze %dma_start3A_78 : memref<1x1024x8xf32, #tpu.memory_space<vmem>> -> memref<1024x8xf32, #tpu.memory_space<vmem>>
      %dma_start3A_80 = arith.constant 0 : i32
      %dma_start3A_81 = tpu.memref_slice %arg7[%dma_start3A_75, %dma_start3A_80] : memref<2x1024xi32, #tpu.memory_space<vmem>> -> memref<1x1024xi32, #tpu.memory_space<vmem>>
      %dma_start3A_82 = tpu.memref_squeeze %dma_start3A_81 : memref<1x1024xi32, #tpu.memory_space<vmem>> -> memref<1024xi32, #tpu.memory_space<vmem>>
      %dma_start3A_83 = arith.constant 0 : i32
      %dma_start3A_84 = arith.constant 0 : i32
      %dma_start3A_85 = tpu.memref_slice %arg10[%dma_start3A_83, %dma_start3A_84] : memref<100352x8xf32, #tpu.memory_space<vmem_shared>> -> memref<100352x8xf32, #tpu.memory_space<vmem_shared>>
      tpu.enqueue_indirect_dma source(%dma_start3A_79 : memref<1024x8xf32, #tpu.memory_space<vmem>>) target(%dma_start3A_85 : memref<100352x8xf32, #tpu.memory_space<vmem_shared>>) offsets(%dma_start3A_82 : memref<1024xi32, #tpu.memory_space<vmem>>) semaphore(%arg11 : memref<!tpu.dma_semaphore, #tpu.memory_space<semaphore_mem>>) {add = true}
      %dma_start3A_86 = arith.constant 1 : i32
      %dma_start3A_87 = arith.constant 0 : i32
      %dma_start3A_88 = arith.constant 0 : i32
      %dma_start3A_89 = arith.constant 0 : i32
      %dma_start3A_90 = tpu.memref_slice %arg9[%dma_start3A_86, %dma_start3A_88, %dma_start3A_89] : memref<2x1024x8xf32, #tpu.memory_space<vmem>> -> memref<1x1024x8xf32, #tpu.memory_space<vmem>>
      %dma_start3A_91 = tpu.memref_squeeze %dma_start3A_90 : memref<1x1024x8xf32, #tpu.memory_space<vmem>> -> memref<1024x8xf32, #tpu.memory_space<vmem>>
      %dma_start3A_92 = arith.constant 0 : i32
      %dma_start3A_93 = tpu.memref_slice %arg8[%dma_start3A_87, %dma_start3A_92] : memref<2x1024xi32, #tpu.memory_space<vmem>> -> memref<1x1024xi32, #tpu.memory_space<vmem>>
      %dma_start3A_94 = tpu.memref_squeeze %dma_start3A_93 : memref<1x1024xi32, #tpu.memory_space<vmem>> -> memref<1024xi32, #tpu.memory_space<vmem>>
      %dma_start3A_95 = arith.constant 0 : i32
      %dma_start3A_96 = arith.constant 0 : i32
      %dma_start3A_97 = tpu.memref_slice %arg10[%dma_start3A_95, %dma_start3A_96] : memref<100352x8xf32, #tpu.memory_space<vmem_shared>> -> memref<100352x8xf32, #tpu.memory_space<vmem_shared>>
      tpu.enqueue_indirect_dma source(%dma_start3A_91 : memref<1024x8xf32, #tpu.memory_space<vmem>>) target(%dma_start3A_97 : memref<100352x8xf32, #tpu.memory_space<vmem_shared>>) offsets(%dma_start3A_94 : memref<1024xi32, #tpu.memory_space<vmem>>) semaphore(%arg11 : memref<!tpu.dma_semaphore, #tpu.memory_space<semaphore_mem>>) {add = true}
      %gt3A_98 = arith.constant 0 : i32
      %gt3A_99 = arith.cmpi sgt, %scan3A_64, %gt3A_98 : i32
      %convert_element_type3A_100 = arith.extui %gt3A_99 : i1 to i32
      %cond3A_101 = arith.constant 0 : i32
      %cond3A_102 = arith.cmpi ne, %convert_element_type3A_100, %cond3A_101 : i32
      scf.if %cond3A_102 {
        %dma_wait3A_136 = arith.constant 0 : i32
        %dma_wait3A_137 = arith.constant 1 : i32
        %dma_wait3A_138 = arith.constant 0 : i32
        %dma_wait3A_139 = arith.constant 0 : i32
        %dma_wait3A_140 = tpu.memref_slice %arg9[%dma_wait3A_136, %dma_wait3A_138, %dma_wait3A_139] : memref<2x1024x8xf32, #tpu.memory_space<vmem>> -> memref<1x1024x8xf32, #tpu.memory_space<vmem>>
        %dma_wait3A_141 = tpu.memref_squeeze %dma_wait3A_140 : memref<1x1024x8xf32, #tpu.memory_space<vmem>> -> memref<1024x8xf32, #tpu.memory_space<vmem>>
        %dma_wait3A_142 = arith.constant 0 : i32
        %dma_wait3A_143 = tpu.memref_slice %arg7[%dma_wait3A_137, %dma_wait3A_142] : memref<2x1024xi32, #tpu.memory_space<vmem>> -> memref<1x1024xi32, #tpu.memory_space<vmem>>
        %dma_wait3A_144 = tpu.memref_squeeze %dma_wait3A_143 : memref<1x1024xi32, #tpu.memory_space<vmem>> -> memref<1024xi32, #tpu.memory_space<vmem>>
        %dma_wait3A_145 = arith.constant 0 : i32
        %dma_wait3A_146 = arith.constant 0 : i32
        %dma_wait3A_147 = tpu.memref_slice %arg10[%dma_wait3A_145, %dma_wait3A_146] : memref<100352x8xf32, #tpu.memory_space<vmem_shared>> -> memref<100352x8xf32, #tpu.memory_space<vmem_shared>>
        tpu.wait_indirect_dma semaphore(%arg12 : memref<!tpu.dma_semaphore, #tpu.memory_space<semaphore_mem>>) src(%dma_wait3A_141 : memref<1024x8xf32, #tpu.memory_space<vmem>>) dst(%dma_wait3A_147 : memref<100352x8xf32, #tpu.memory_space<vmem_shared>>)
        %dma_wait3A_148 = arith.constant 1 : i32
        %dma_wait3A_149 = arith.constant 1 : i32
        %dma_wait3A_150 = arith.constant 0 : i32
        %dma_wait3A_151 = arith.constant 0 : i32
        %dma_wait3A_152 = tpu.memref_slice %arg9[%dma_wait3A_148, %dma_wait3A_150, %dma_wait3A_151] : memref<2x1024x8xf32, #tpu.memory_space<vmem>> -> memref<1x1024x8xf32, #tpu.memory_space<vmem>>
        %dma_wait3A_153 = tpu.memref_squeeze %dma_wait3A_152 : memref<1x1024x8xf32, #tpu.memory_space<vmem>> -> memref<1024x8xf32, #tpu.memory_space<vmem>>
        %dma_wait3A_154 = arith.constant 0 : i32
        %dma_wait3A_155 = tpu.memref_slice %arg8[%dma_wait3A_149, %dma_wait3A_154] : memref<2x1024xi32, #tpu.memory_space<vmem>> -> memref<1x1024xi32, #tpu.memory_space<vmem>>
        %dma_wait3A_156 = tpu.memref_squeeze %dma_wait3A_155 : memref<1x1024xi32, #tpu.memory_space<vmem>> -> memref<1024xi32, #tpu.memory_space<vmem>>
        %dma_wait3A_157 = arith.constant 0 : i32
        %dma_wait3A_158 = arith.constant 0 : i32
        %dma_wait3A_159 = tpu.memref_slice %arg10[%dma_wait3A_157, %dma_wait3A_158] : memref<100352x8xf32, #tpu.memory_space<vmem_shared>> -> memref<100352x8xf32, #tpu.memory_space<vmem_shared>>
        tpu.wait_indirect_dma semaphore(%arg12 : memref<!tpu.dma_semaphore, #tpu.memory_space<semaphore_mem>>) src(%dma_wait3A_153 : memref<1024x8xf32, #tpu.memory_space<vmem>>) dst(%dma_wait3A_159 : memref<100352x8xf32, #tpu.memory_space<vmem_shared>>)
      } else {
      }
      %add3A_103 = arith.constant 1 : i32
      %add3A_104 = arith.addi %mul3A_66, %add3A_103 : i32
      %mul3A_105 = arith.constant 8 : i32
      %mul3A_106 = arith.muli %add3A_104, %mul3A_105 : i32
      %add3A_107 = arith.addi %mul3A_6, %mul3A_106 : i32
      %mul3A_108 = arith.constant 128 : i32
      %mul3A_109 = arith.muli %add3A_107, %mul3A_108 : i32
      %run_scoped3A_110 = arith.constant 1 : i32
      "tpu.region"() ({
        %run_scoped3A_136 = tpu.sem_alloc : memref<!tpu.dma_semaphore, #tpu.memory_space<semaphore_mem>>
        %dma_start3A_137 = arith.constant 0 : i32
        %dma_start3A_138 = tpu.memref_slice %arg7[%run_scoped3A_110, %dma_start3A_137] : memref<2x1024xi32, #tpu.memory_space<vmem>> -> memref<1x1024xi32, #tpu.memory_space<vmem>>
        %dma_start3A_139 = tpu.memref_squeeze %dma_start3A_138 : memref<1x1024xi32, #tpu.memory_space<vmem>> -> memref<1024xi32, #tpu.memory_space<vmem>>
        %dma_start3A_140 = tpu.memref_slice %arg2[%mul3A_109] : memref<6488064xi32, #tpu.memory_space<hbm>> -> memref<1024xi32, #tpu.memory_space<hbm>>
        %dma_start3A_141 = arith.constant 0 : i32
        %dma_start3A_142 = tpu.memref_slice %arg7[%run_scoped3A_110, %dma_start3A_141] : memref<2x1024xi32, #tpu.memory_space<vmem>> -> memref<1x1024xi32, #tpu.memory_space<vmem>>
        %dma_start3A_143 = tpu.memref_squeeze %dma_start3A_142 : memref<1x1024xi32, #tpu.memory_space<vmem>> -> memref<1024xi32, #tpu.memory_space<vmem>>
        %dma_start3A_144 = tpu.memref_slice %arg2[%mul3A_109] : memref<6488064xi32, #tpu.memory_space<hbm>> -> memref<1024xi32, #tpu.memory_space<hbm>>
        tpu.enqueue_dma source(%dma_start3A_144 : memref<1024xi32, #tpu.memory_space<hbm>>) target(%dma_start3A_143 : memref<1024xi32, #tpu.memory_space<vmem>>) target_semaphore(%run_scoped3A_136 : memref<!tpu.dma_semaphore, #tpu.memory_space<semaphore_mem>>)
        %dma_wait3A_145 = arith.constant 0 : i32
        %dma_wait3A_146 = tpu.memref_slice %arg7[%run_scoped3A_110, %dma_wait3A_145] : memref<2x1024xi32, #tpu.memory_space<vmem>> -> memref<1x1024xi32, #tpu.memory_space<vmem>>
        %dma_wait3A_147 = tpu.memref_squeeze %dma_wait3A_146 : memref<1x1024xi32, #tpu.memory_space<vmem>> -> memref<1024xi32, #tpu.memory_space<vmem>>
        %dma_wait3A_148 = tpu.memref_slice %arg2[%mul3A_109] : memref<6488064xi32, #tpu.memory_space<hbm>> -> memref<1024xi32, #tpu.memory_space<hbm>>
        %dma_wait3A_149 = arith.constant 0 : i32
        %dma_wait3A_150 = tpu.memref_slice %arg7[%run_scoped3A_110, %dma_wait3A_149] : memref<2x1024xi32, #tpu.memory_space<vmem>> -> memref<1x1024xi32, #tpu.memory_space<vmem>>
        %dma_wait3A_151 = tpu.memref_squeeze %dma_wait3A_150 : memref<1x1024xi32, #tpu.memory_space<vmem>> -> memref<1024xi32, #tpu.memory_space<vmem>>
        %dma_wait3A_152 = tpu.memref_slice %arg2[%mul3A_109] : memref<6488064xi32, #tpu.memory_space<hbm>> -> memref<1024xi32, #tpu.memory_space<hbm>>
        tpu.wait_dma2 semaphore(%run_scoped3A_136 : memref<!tpu.dma_semaphore, #tpu.memory_space<semaphore_mem>>) src(%dma_wait3A_152 : memref<1024xi32, #tpu.memory_space<hbm>>) dst(%dma_wait3A_151 : memref<1024xi32, #tpu.memory_space<vmem>>)
        tpu.yield
      }) : () -> ()
      %run_scoped3A_111 = arith.constant 1 : i32
      "tpu.region"() ({
        %run_scoped3A_136 = tpu.sem_alloc : memref<!tpu.dma_semaphore, #tpu.memory_space<semaphore_mem>>
        %dma_start3A_137 = arith.constant 0 : i32
        %dma_start3A_138 = tpu.memref_slice %arg8[%run_scoped3A_111, %dma_start3A_137] : memref<2x1024xi32, #tpu.memory_space<vmem>> -> memref<1x1024xi32, #tpu.memory_space<vmem>>
        %dma_start3A_139 = tpu.memref_squeeze %dma_start3A_138 : memref<1x1024xi32, #tpu.memory_space<vmem>> -> memref<1024xi32, #tpu.memory_space<vmem>>
        %dma_start3A_140 = tpu.memref_slice %arg3[%mul3A_109] : memref<6488064xi32, #tpu.memory_space<hbm>> -> memref<1024xi32, #tpu.memory_space<hbm>>
        %dma_start3A_141 = arith.constant 0 : i32
        %dma_start3A_142 = tpu.memref_slice %arg8[%run_scoped3A_111, %dma_start3A_141] : memref<2x1024xi32, #tpu.memory_space<vmem>> -> memref<1x1024xi32, #tpu.memory_space<vmem>>
        %dma_start3A_143 = tpu.memref_squeeze %dma_start3A_142 : memref<1x1024xi32, #tpu.memory_space<vmem>> -> memref<1024xi32, #tpu.memory_space<vmem>>
        %dma_start3A_144 = tpu.memref_slice %arg3[%mul3A_109] : memref<6488064xi32, #tpu.memory_space<hbm>> -> memref<1024xi32, #tpu.memory_space<hbm>>
        tpu.enqueue_dma source(%dma_start3A_144 : memref<1024xi32, #tpu.memory_space<hbm>>) target(%dma_start3A_143 : memref<1024xi32, #tpu.memory_space<vmem>>) target_semaphore(%run_scoped3A_136 : memref<!tpu.dma_semaphore, #tpu.memory_space<semaphore_mem>>)
        %dma_wait3A_145 = arith.constant 0 : i32
        %dma_wait3A_146 = tpu.memref_slice %arg8[%run_scoped3A_111, %dma_wait3A_145] : memref<2x1024xi32, #tpu.memory_space<vmem>> -> memref<1x1024xi32, #tpu.memory_space<vmem>>
        %dma_wait3A_147 = tpu.memref_squeeze %dma_wait3A_146 : memref<1x1024xi32, #tpu.memory_space<vmem>> -> memref<1024xi32, #tpu.memory_space<vmem>>
        %dma_wait3A_148 = tpu.memref_slice %arg3[%mul3A_109] : memref<6488064xi32, #tpu.memory_space<hbm>> -> memref<1024xi32, #tpu.memory_space<hbm>>
        %dma_wait3A_149 = arith.constant 0 : i32
        %dma_wait3A_150 = tpu.memref_slice %arg8[%run_scoped3A_111, %dma_wait3A_149] : memref<2x1024xi32, #tpu.memory_space<vmem>> -> memref<1x1024xi32, #tpu.memory_space<vmem>>
        %dma_wait3A_151 = tpu.memref_squeeze %dma_wait3A_150 : memref<1x1024xi32, #tpu.memory_space<vmem>> -> memref<1024xi32, #tpu.memory_space<vmem>>
        %dma_wait3A_152 = tpu.memref_slice %arg3[%mul3A_109] : memref<6488064xi32, #tpu.memory_space<hbm>> -> memref<1024xi32, #tpu.memory_space<hbm>>
        tpu.wait_dma2 semaphore(%run_scoped3A_136 : memref<!tpu.dma_semaphore, #tpu.memory_space<semaphore_mem>>) src(%dma_wait3A_152 : memref<1024xi32, #tpu.memory_space<hbm>>) dst(%dma_wait3A_151 : memref<1024xi32, #tpu.memory_space<vmem>>)
        tpu.yield
      }) : () -> ()
      %dma_start3A_112 = arith.constant 0 : i32
      %dma_start3A_113 = arith.constant 1 : i32
      %dma_start3A_114 = arith.constant 0 : i32
      %dma_start3A_115 = arith.constant 0 : i32
      %dma_start3A_116 = tpu.memref_slice %arg9[%dma_start3A_112, %dma_start3A_114, %dma_start3A_115] : memref<2x1024x8xf32, #tpu.memory_space<vmem>> -> memref<1x1024x8xf32, #tpu.memory_space<vmem>>
      %dma_start3A_117 = tpu.memref_squeeze %dma_start3A_116 : memref<1x1024x8xf32, #tpu.memory_space<vmem>> -> memref<1024x8xf32, #tpu.memory_space<vmem>>
      %dma_start3A_118 = arith.constant 0 : i32
      %dma_start3A_119 = tpu.memref_slice %arg7[%dma_start3A_113, %dma_start3A_118] : memref<2x1024xi32, #tpu.memory_space<vmem>> -> memref<1x1024xi32, #tpu.memory_space<vmem>>
      %dma_start3A_120 = tpu.memref_squeeze %dma_start3A_119 : memref<1x1024xi32, #tpu.memory_space<vmem>> -> memref<1024xi32, #tpu.memory_space<vmem>>
      %dma_start3A_121 = arith.constant 0 : i32
      %dma_start3A_122 = arith.constant 0 : i32
      %dma_start3A_123 = tpu.memref_slice %arg10[%dma_start3A_121, %dma_start3A_122] : memref<100352x8xf32, #tpu.memory_space<vmem_shared>> -> memref<100352x8xf32, #tpu.memory_space<vmem_shared>>
      tpu.enqueue_indirect_dma source(%dma_start3A_117 : memref<1024x8xf32, #tpu.memory_space<vmem>>) target(%dma_start3A_123 : memref<100352x8xf32, #tpu.memory_space<vmem_shared>>) offsets(%dma_start3A_120 : memref<1024xi32, #tpu.memory_space<vmem>>) semaphore(%arg12 : memref<!tpu.dma_semaphore, #tpu.memory_space<semaphore_mem>>) {add = true}
      %dma_start3A_124 = arith.constant 1 : i32
      %dma_start3A_125 = arith.constant 1 : i32
      %dma_start3A_126 = arith.constant 0 : i32
      %dma_start3A_127 = arith.constant 0 : i32
      %dma_start3A_128 = tpu.memref_slice %arg9[%dma_start3A_124, %dma_start3A_126, %dma_start3A_127] : memref<2x1024x8xf32, #tpu.memory_space<vmem>> -> memref<1x1024x8xf32, #tpu.memory_space<vmem>>
      %dma_start3A_129 = tpu.memref_squeeze %dma_start3A_128 : memref<1x1024x8xf32, #tpu.memory_space<vmem>> -> memref<1024x8xf32, #tpu.memory_space<vmem>>
      %dma_start3A_130 = arith.constant 0 : i32
      %dma_start3A_131 = tpu.memref_slice %arg8[%dma_start3A_125, %dma_start3A_130] : memref<2x1024xi32, #tpu.memory_space<vmem>> -> memref<1x1024xi32, #tpu.memory_space<vmem>>
      %dma_start3A_132 = tpu.memref_squeeze %dma_start3A_131 : memref<1x1024xi32, #tpu.memory_space<vmem>> -> memref<1024xi32, #tpu.memory_space<vmem>>
      %dma_start3A_133 = arith.constant 0 : i32
      %dma_start3A_134 = arith.constant 0 : i32
      %dma_start3A_135 = tpu.memref_slice %arg10[%dma_start3A_133, %dma_start3A_134] : memref<100352x8xf32, #tpu.memory_space<vmem_shared>> -> memref<100352x8xf32, #tpu.memory_space<vmem_shared>>
      tpu.enqueue_indirect_dma source(%dma_start3A_129 : memref<1024x8xf32, #tpu.memory_space<vmem>>) target(%dma_start3A_135 : memref<100352x8xf32, #tpu.memory_space<vmem_shared>>) offsets(%dma_start3A_132 : memref<1024xi32, #tpu.memory_space<vmem>>) semaphore(%arg12 : memref<!tpu.dma_semaphore, #tpu.memory_space<semaphore_mem>>) {add = true}
    }
    %scan3A_11 = arith.constant 99 : i32
    %dma_wait3A = arith.constant 0 : i32
    %dma_wait3A_12 = arith.constant 0 : i32
    %dma_wait3A_13 = arith.constant 0 : i32
    %dma_wait3A_14 = arith.constant 0 : i32
    %dma_wait3A_15 = tpu.memref_slice %arg9[%dma_wait3A, %dma_wait3A_13, %dma_wait3A_14] : memref<2x1024x8xf32, #tpu.memory_space<vmem>> -> memref<1x1024x8xf32, #tpu.memory_space<vmem>>
    %dma_wait3A_16 = tpu.memref_squeeze %dma_wait3A_15 : memref<1x1024x8xf32, #tpu.memory_space<vmem>> -> memref<1024x8xf32, #tpu.memory_space<vmem>>
    %dma_wait3A_17 = arith.constant 0 : i32
    %dma_wait3A_18 = tpu.memref_slice %arg7[%dma_wait3A_12, %dma_wait3A_17] : memref<2x1024xi32, #tpu.memory_space<vmem>> -> memref<1x1024xi32, #tpu.memory_space<vmem>>
    %dma_wait3A_19 = tpu.memref_squeeze %dma_wait3A_18 : memref<1x1024xi32, #tpu.memory_space<vmem>> -> memref<1024xi32, #tpu.memory_space<vmem>>
    %dma_wait3A_20 = arith.constant 0 : i32
    %dma_wait3A_21 = arith.constant 0 : i32
    %dma_wait3A_22 = tpu.memref_slice %arg10[%dma_wait3A_20, %dma_wait3A_21] : memref<100352x8xf32, #tpu.memory_space<vmem_shared>> -> memref<100352x8xf32, #tpu.memory_space<vmem_shared>>
    tpu.wait_indirect_dma semaphore(%arg11 : memref<!tpu.dma_semaphore, #tpu.memory_space<semaphore_mem>>) src(%dma_wait3A_16 : memref<1024x8xf32, #tpu.memory_space<vmem>>) dst(%dma_wait3A_22 : memref<100352x8xf32, #tpu.memory_space<vmem_shared>>)
    %dma_wait3A_23 = arith.constant 1 : i32
    %dma_wait3A_24 = arith.constant 0 : i32
    %dma_wait3A_25 = arith.constant 0 : i32
    %dma_wait3A_26 = arith.constant 0 : i32
    %dma_wait3A_27 = tpu.memref_slice %arg9[%dma_wait3A_23, %dma_wait3A_25, %dma_wait3A_26] : memref<2x1024x8xf32, #tpu.memory_space<vmem>> -> memref<1x1024x8xf32, #tpu.memory_space<vmem>>
    %dma_wait3A_28 = tpu.memref_squeeze %dma_wait3A_27 : memref<1x1024x8xf32, #tpu.memory_space<vmem>> -> memref<1024x8xf32, #tpu.memory_space<vmem>>
    %dma_wait3A_29 = arith.constant 0 : i32
    %dma_wait3A_30 = tpu.memref_slice %arg8[%dma_wait3A_24, %dma_wait3A_29] : memref<2x1024xi32, #tpu.memory_space<vmem>> -> memref<1x1024xi32, #tpu.memory_space<vmem>>
    %dma_wait3A_31 = tpu.memref_squeeze %dma_wait3A_30 : memref<1x1024xi32, #tpu.memory_space<vmem>> -> memref<1024xi32, #tpu.memory_space<vmem>>
    %dma_wait3A_32 = arith.constant 0 : i32
    %dma_wait3A_33 = arith.constant 0 : i32
    %dma_wait3A_34 = tpu.memref_slice %arg10[%dma_wait3A_32, %dma_wait3A_33] : memref<100352x8xf32, #tpu.memory_space<vmem_shared>> -> memref<100352x8xf32, #tpu.memory_space<vmem_shared>>
    tpu.wait_indirect_dma semaphore(%arg11 : memref<!tpu.dma_semaphore, #tpu.memory_space<semaphore_mem>>) src(%dma_wait3A_28 : memref<1024x8xf32, #tpu.memory_space<vmem>>) dst(%dma_wait3A_34 : memref<100352x8xf32, #tpu.memory_space<vmem_shared>>)
    %dma_wait3A_35 = arith.constant 0 : i32
    %dma_wait3A_36 = arith.constant 1 : i32
    %dma_wait3A_37 = arith.constant 0 : i32
    %dma_wait3A_38 = arith.constant 0 : i32
    %dma_wait3A_39 = tpu.memref_slice %arg9[%dma_wait3A_35, %dma_wait3A_37, %dma_wait3A_38] : memref<2x1024x8xf32, #tpu.memory_space<vmem>> -> memref<1x1024x8xf32, #tpu.memory_space<vmem>>
    %dma_wait3A_40 = tpu.memref_squeeze %dma_wait3A_39 : memref<1x1024x8xf32, #tpu.memory_space<vmem>> -> memref<1024x8xf32, #tpu.memory_space<vmem>>
    %dma_wait3A_41 = arith.constant 0 : i32
    %dma_wait3A_42 = tpu.memref_slice %arg7[%dma_wait3A_36, %dma_wait3A_41] : memref<2x1024xi32, #tpu.memory_space<vmem>> -> memref<1x1024xi32, #tpu.memory_space<vmem>>
    %dma_wait3A_43 = tpu.memref_squeeze %dma_wait3A_42 : memref<1x1024xi32, #tpu.memory_space<vmem>> -> memref<1024xi32, #tpu.memory_space<vmem>>
    %dma_wait3A_44 = arith.constant 0 : i32
    %dma_wait3A_45 = arith.constant 0 : i32
    %dma_wait3A_46 = tpu.memref_slice %arg10[%dma_wait3A_44, %dma_wait3A_45] : memref<100352x8xf32, #tpu.memory_space<vmem_shared>> -> memref<100352x8xf32, #tpu.memory_space<vmem_shared>>
    tpu.wait_indirect_dma semaphore(%arg12 : memref<!tpu.dma_semaphore, #tpu.memory_space<semaphore_mem>>) src(%dma_wait3A_40 : memref<1024x8xf32, #tpu.memory_space<vmem>>) dst(%dma_wait3A_46 : memref<100352x8xf32, #tpu.memory_space<vmem_shared>>)
    %dma_wait3A_47 = arith.constant 1 : i32
    %dma_wait3A_48 = arith.constant 1 : i32
    %dma_wait3A_49 = arith.constant 0 : i32
    %dma_wait3A_50 = arith.constant 0 : i32
    %dma_wait3A_51 = tpu.memref_slice %arg9[%dma_wait3A_47, %dma_wait3A_49, %dma_wait3A_50] : memref<2x1024x8xf32, #tpu.memory_space<vmem>> -> memref<1x1024x8xf32, #tpu.memory_space<vmem>>
    %dma_wait3A_52 = tpu.memref_squeeze %dma_wait3A_51 : memref<1x1024x8xf32, #tpu.memory_space<vmem>> -> memref<1024x8xf32, #tpu.memory_space<vmem>>
    %dma_wait3A_53 = arith.constant 0 : i32
    %dma_wait3A_54 = tpu.memref_slice %arg8[%dma_wait3A_48, %dma_wait3A_53] : memref<2x1024xi32, #tpu.memory_space<vmem>> -> memref<1x1024xi32, #tpu.memory_space<vmem>>
    %dma_wait3A_55 = tpu.memref_squeeze %dma_wait3A_54 : memref<1x1024xi32, #tpu.memory_space<vmem>> -> memref<1024xi32, #tpu.memory_space<vmem>>
    %dma_wait3A_56 = arith.constant 0 : i32
    %dma_wait3A_57 = arith.constant 0 : i32
    %dma_wait3A_58 = tpu.memref_slice %arg10[%dma_wait3A_56, %dma_wait3A_57] : memref<100352x8xf32, #tpu.memory_space<vmem_shared>> -> memref<100352x8xf32, #tpu.memory_space<vmem_shared>>
    tpu.wait_indirect_dma semaphore(%arg12 : memref<!tpu.dma_semaphore, #tpu.memory_space<semaphore_mem>>) src(%dma_wait3A_52 : memref<1024x8xf32, #tpu.memory_space<vmem>>) dst(%dma_wait3A_58 : memref<100352x8xf32, #tpu.memory_space<vmem_shared>>)
    %barrier3A_59 = arith.constant 0 : index
    tpu.barrier barrier_id(%barrier3A_59)
    %mul3A_60 = arith.constant 6272 : i32
    %mul3A_61 = arith.muli %arg1, %mul3A_60 : i32
    %mul3A_62 = arith.constant 6272 : i32
    %mul3A_63 = arith.muli %arg1, %mul3A_62 : i32
    "tpu.region"() ({
      %run_scoped3A = tpu.sem_alloc : memref<!tpu.dma_semaphore, #tpu.memory_space<semaphore_mem>>
      %dma_start3A = arith.constant 0 : i32
      %dma_start3A_64 = tpu.memref_slice %arg6[%arg0, %mul3A_63, %dma_start3A] : memref<2x100352x8xf32, #tpu.memory_space<hbm>> -> memref<1x6272x8xf32, #tpu.memory_space<hbm>>
      %dma_start3A_65 = tpu.memref_squeeze %dma_start3A_64 : memref<1x6272x8xf32, #tpu.memory_space<hbm>> -> memref<6272x8xf32, #tpu.memory_space<hbm>>
      %dma_start3A_66 = arith.constant 0 : i32
      %dma_start3A_67 = tpu.memref_slice %arg10[%mul3A_61, %dma_start3A_66] : memref<100352x8xf32, #tpu.memory_space<vmem_shared>> -> memref<6272x8xf32, #tpu.memory_space<vmem_shared>>
      tpu.enqueue_dma source(%dma_start3A_67 : memref<6272x8xf32, #tpu.memory_space<vmem_shared>>) target(%dma_start3A_65 : memref<6272x8xf32, #tpu.memory_space<hbm>>) target_semaphore(%run_scoped3A : memref<!tpu.dma_semaphore, #tpu.memory_space<semaphore_mem>>)
      %dma_wait3A_68 = arith.constant 0 : i32
      %dma_wait3A_69 = tpu.memref_slice %arg6[%arg0, %mul3A_63, %dma_wait3A_68] : memref<2x100352x8xf32, #tpu.memory_space<hbm>> -> memref<1x6272x8xf32, #tpu.memory_space<hbm>>
      %dma_wait3A_70 = tpu.memref_squeeze %dma_wait3A_69 : memref<1x6272x8xf32, #tpu.memory_space<hbm>> -> memref<6272x8xf32, #tpu.memory_space<hbm>>
      %dma_wait3A_71 = arith.constant 0 : i32
      %dma_wait3A_72 = tpu.memref_slice %arg10[%mul3A_61, %dma_wait3A_71] : memref<100352x8xf32, #tpu.memory_space<vmem_shared>> -> memref<6272x8xf32, #tpu.memory_space<vmem_shared>>
      tpu.wait_dma2 semaphore(%run_scoped3A : memref<!tpu.dma_semaphore, #tpu.memory_space<semaphore_mem>>) src(%dma_wait3A_72 : memref<6272x8xf32, #tpu.memory_space<vmem_shared>>) dst(%dma_wait3A_70 : memref<6272x8xf32, #tpu.memory_space<hbm>>)
      tpu.yield
    }) : () -> ()
    return
  }
}

#map = affine_map<(d0, d1) -> (0, 0)>
#map1 = affine_map<(d0, d1) -> (0)>
#map2 = affine_map<(d0, d1) -> (0, 0, 0)>
module attributes {stable_mosaic.version = 14 : i64} {
  func.func @_edge_pass_body(%arg0: i32, %arg1: i32, %arg2: memref<100352x8xf32, #tpu.memory_space<hbm>>, %arg3: memref<6488064xi32, #tpu.memory_space<hbm>>, %arg4: memref<6488064xi32, #tpu.memory_space<hbm>>, %arg5: memref<100352x8xf32, #tpu.memory_space<hbm>>, %arg6: memref<2x100352x8xf32, #tpu.memory_space<hbm>>, %arg7: memref<4x512xi32, #tpu.memory_space<vmem>>, %arg8: memref<4x512xi32, #tpu.memory_space<vmem>>, %arg9: memref<2x512x8xf32, #tpu.memory_space<vmem>>, %arg10: memref<100352x8xf32, #tpu.memory_space<vmem_shared>>, %arg11: memref<!tpu.dma_semaphore, #tpu.memory_space<semaphore_mem>>, %arg12: memref<!tpu.dma_semaphore, #tpu.memory_space<semaphore_mem>>, %arg13: memref<!tpu.dma_semaphore, #tpu.memory_space<semaphore_mem>>, %arg14: memref<!tpu.dma_semaphore, #tpu.memory_space<semaphore_mem>>, %arg15: memref<!tpu.dma_semaphore, #tpu.memory_space<semaphore_mem>>, %arg16: memref<!tpu.dma_semaphore, #tpu.memory_space<semaphore_mem>>, %arg17: memref<!tpu.dma_semaphore, #tpu.memory_space<semaphore_mem>>, %arg18: memref<!tpu.dma_semaphore, #tpu.memory_space<semaphore_mem>>) attributes {dimension_semantics = [#tpu.dimension_semantics<core_parallel>, #tpu.dimension_semantics<subcore_parallel>], iteration_bounds = array<i64: 2, 16>, scalar_prefetch = 0 : i64, scratch_operands = 12 : i64, tpu.core_type = #tpu.core_type<sc_vector_subcore>, window_params = [{transform_indices = #map}, {transform_indices = #map1}, {transform_indices = #map1}, {transform_indices = #map}, {transform_indices = #map2}]} {
    %mul3A = arith.constant 2 : i32
    %mul3A_0 = arith.muli %arg1, %mul3A : i32
    %add3A = arith.addi %mul3A_0, %arg0 : i32
    %mul3A_1 = arith.constant 6272 : i32
    %mul3A_2 = arith.muli %arg1, %mul3A_1 : i32
    %mul3A_3 = arith.constant 6272 : i32
    %mul3A_4 = arith.muli %arg1, %mul3A_3 : i32
    "tpu.region"() ({
      %run_scoped3A = tpu.sem_alloc : memref<!tpu.dma_semaphore, #tpu.memory_space<semaphore_mem>>
      %dma_start3A_83 = arith.constant 0 : i32
      %dma_start3A_84 = tpu.memref_slice %arg10[%mul3A_4, %dma_start3A_83] : memref<100352x8xf32, #tpu.memory_space<vmem_shared>> -> memref<6272x8xf32, #tpu.memory_space<vmem_shared>>
      %dma_start3A_85 = arith.constant 0 : i32
      %dma_start3A_86 = tpu.memref_slice %arg5[%mul3A_2, %dma_start3A_85] : memref<100352x8xf32, #tpu.memory_space<hbm>> -> memref<6272x8xf32, #tpu.memory_space<hbm>>
      tpu.enqueue_dma source(%dma_start3A_86 : memref<6272x8xf32, #tpu.memory_space<hbm>>) target(%dma_start3A_84 : memref<6272x8xf32, #tpu.memory_space<vmem_shared>>) target_semaphore(%run_scoped3A : memref<!tpu.dma_semaphore, #tpu.memory_space<semaphore_mem>>)
      %dma_wait3A_87 = arith.constant 0 : i32
      %dma_wait3A_88 = tpu.memref_slice %arg10[%mul3A_4, %dma_wait3A_87] : memref<100352x8xf32, #tpu.memory_space<vmem_shared>> -> memref<6272x8xf32, #tpu.memory_space<vmem_shared>>
      %dma_wait3A_89 = arith.constant 0 : i32
      %dma_wait3A_90 = tpu.memref_slice %arg5[%mul3A_2, %dma_wait3A_89] : memref<100352x8xf32, #tpu.memory_space<hbm>> -> memref<6272x8xf32, #tpu.memory_space<hbm>>
      tpu.wait_dma2 semaphore(%run_scoped3A : memref<!tpu.dma_semaphore, #tpu.memory_space<semaphore_mem>>) src(%dma_wait3A_90 : memref<6272x8xf32, #tpu.memory_space<hbm>>) dst(%dma_wait3A_88 : memref<6272x8xf32, #tpu.memory_space<vmem_shared>>)
      tpu.yield
    }) : () -> ()
    %barrier3A = arith.constant 0 : index
    tpu.barrier barrier_id(%barrier3A)
    %mul3A_5 = arith.constant 1584 : i32
    %mul3A_6 = arith.muli %add3A, %mul3A_5 : i32
    %add3A_7 = arith.constant 0 : i32
    %add3A_8 = arith.addi %mul3A_6, %add3A_7 : i32
    %mul3A_9 = arith.constant 128 : i32
    %mul3A_10 = arith.muli %add3A_8, %mul3A_9 : i32
    %dma_start3A = arith.constant 0 : i32
    %dma_start3A_11 = arith.constant 0 : i32
    %dma_start3A_12 = tpu.memref_slice %arg7[%dma_start3A, %dma_start3A_11] : memref<4x512xi32, #tpu.memory_space<vmem>> -> memref<1x512xi32, #tpu.memory_space<vmem>>
    %dma_start3A_13 = tpu.memref_squeeze %dma_start3A_12 : memref<1x512xi32, #tpu.memory_space<vmem>> -> memref<512xi32, #tpu.memory_space<vmem>>
    %dma_start3A_14 = tpu.memref_slice %arg3[%mul3A_10] : memref<6488064xi32, #tpu.memory_space<hbm>> -> memref<512xi32, #tpu.memory_space<hbm>>
    %dma_start3A_15 = arith.constant 0 : i32
    %dma_start3A_16 = tpu.memref_slice %arg7[%dma_start3A, %dma_start3A_15] : memref<4x512xi32, #tpu.memory_space<vmem>> -> memref<1x512xi32, #tpu.memory_space<vmem>>
    %dma_start3A_17 = tpu.memref_squeeze %dma_start3A_16 : memref<1x512xi32, #tpu.memory_space<vmem>> -> memref<512xi32, #tpu.memory_space<vmem>>
    %dma_start3A_18 = tpu.memref_slice %arg3[%mul3A_10] : memref<6488064xi32, #tpu.memory_space<hbm>> -> memref<512xi32, #tpu.memory_space<hbm>>
    tpu.enqueue_dma source(%dma_start3A_18 : memref<512xi32, #tpu.memory_space<hbm>>) target(%dma_start3A_17 : memref<512xi32, #tpu.memory_space<vmem>>) target_semaphore(%arg15 : memref<!tpu.dma_semaphore, #tpu.memory_space<semaphore_mem>>)
    %dma_start3A_19 = arith.constant 0 : i32
    %dma_start3A_20 = arith.constant 0 : i32
    %dma_start3A_21 = tpu.memref_slice %arg8[%dma_start3A_19, %dma_start3A_20] : memref<4x512xi32, #tpu.memory_space<vmem>> -> memref<1x512xi32, #tpu.memory_space<vmem>>
    %dma_start3A_22 = tpu.memref_squeeze %dma_start3A_21 : memref<1x512xi32, #tpu.memory_space<vmem>> -> memref<512xi32, #tpu.memory_space<vmem>>
    %dma_start3A_23 = tpu.memref_slice %arg4[%mul3A_10] : memref<6488064xi32, #tpu.memory_space<hbm>> -> memref<512xi32, #tpu.memory_space<hbm>>
    %dma_start3A_24 = arith.constant 0 : i32
    %dma_start3A_25 = tpu.memref_slice %arg8[%dma_start3A_19, %dma_start3A_24] : memref<4x512xi32, #tpu.memory_space<vmem>> -> memref<1x512xi32, #tpu.memory_space<vmem>>
    %dma_start3A_26 = tpu.memref_squeeze %dma_start3A_25 : memref<1x512xi32, #tpu.memory_space<vmem>> -> memref<512xi32, #tpu.memory_space<vmem>>
    %dma_start3A_27 = tpu.memref_slice %arg4[%mul3A_10] : memref<6488064xi32, #tpu.memory_space<hbm>> -> memref<512xi32, #tpu.memory_space<hbm>>
    tpu.enqueue_dma source(%dma_start3A_27 : memref<512xi32, #tpu.memory_space<hbm>>) target(%dma_start3A_26 : memref<512xi32, #tpu.memory_space<vmem>>) target_semaphore(%arg15 : memref<!tpu.dma_semaphore, #tpu.memory_space<semaphore_mem>>)
    %add3A_28 = arith.constant 4 : i32
    %add3A_29 = arith.addi %mul3A_6, %add3A_28 : i32
    %mul3A_30 = arith.constant 128 : i32
    %mul3A_31 = arith.muli %add3A_29, %mul3A_30 : i32
    %dma_start3A_32 = arith.constant 1 : i32
    %dma_start3A_33 = arith.constant 0 : i32
    %dma_start3A_34 = tpu.memref_slice %arg7[%dma_start3A_32, %dma_start3A_33] : memref<4x512xi32, #tpu.memory_space<vmem>> -> memref<1x512xi32, #tpu.memory_space<vmem>>
    %dma_start3A_35 = tpu.memref_squeeze %dma_start3A_34 : memref<1x512xi32, #tpu.memory_space<vmem>> -> memref<512xi32, #tpu.memory_space<vmem>>
    %dma_start3A_36 = tpu.memref_slice %arg3[%mul3A_31] : memref<6488064xi32, #tpu.memory_space<hbm>> -> memref<512xi32, #tpu.memory_space<hbm>>
    %dma_start3A_37 = arith.constant 0 : i32
    %dma_start3A_38 = tpu.memref_slice %arg7[%dma_start3A_32, %dma_start3A_37] : memref<4x512xi32, #tpu.memory_space<vmem>> -> memref<1x512xi32, #tpu.memory_space<vmem>>
    %dma_start3A_39 = tpu.memref_squeeze %dma_start3A_38 : memref<1x512xi32, #tpu.memory_space<vmem>> -> memref<512xi32, #tpu.memory_space<vmem>>
    %dma_start3A_40 = tpu.memref_slice %arg3[%mul3A_31] : memref<6488064xi32, #tpu.memory_space<hbm>> -> memref<512xi32, #tpu.memory_space<hbm>>
    tpu.enqueue_dma source(%dma_start3A_40 : memref<512xi32, #tpu.memory_space<hbm>>) target(%dma_start3A_39 : memref<512xi32, #tpu.memory_space<vmem>>) target_semaphore(%arg16 : memref<!tpu.dma_semaphore, #tpu.memory_space<semaphore_mem>>)
    %dma_start3A_41 = arith.constant 1 : i32
    %dma_start3A_42 = arith.constant 0 : i32
    %dma_start3A_43 = tpu.memref_slice %arg8[%dma_start3A_41, %dma_start3A_42] : memref<4x512xi32, #tpu.memory_space<vmem>> -> memref<1x512xi32, #tpu.memory_space<vmem>>
    %dma_start3A_44 = tpu.memref_squeeze %dma_start3A_43 : memref<1x512xi32, #tpu.memory_space<vmem>> -> memref<512xi32, #tpu.memory_space<vmem>>
    %dma_start3A_45 = tpu.memref_slice %arg4[%mul3A_31] : memref<6488064xi32, #tpu.memory_space<hbm>> -> memref<512xi32, #tpu.memory_space<hbm>>
    %dma_start3A_46 = arith.constant 0 : i32
    %dma_start3A_47 = tpu.memref_slice %arg8[%dma_start3A_41, %dma_start3A_46] : memref<4x512xi32, #tpu.memory_space<vmem>> -> memref<1x512xi32, #tpu.memory_space<vmem>>
    %dma_start3A_48 = tpu.memref_squeeze %dma_start3A_47 : memref<1x512xi32, #tpu.memory_space<vmem>> -> memref<512xi32, #tpu.memory_space<vmem>>
    %dma_start3A_49 = tpu.memref_slice %arg4[%mul3A_31] : memref<6488064xi32, #tpu.memory_space<hbm>> -> memref<512xi32, #tpu.memory_space<hbm>>
    tpu.enqueue_dma source(%dma_start3A_49 : memref<512xi32, #tpu.memory_space<hbm>>) target(%dma_start3A_48 : memref<512xi32, #tpu.memory_space<vmem>>) target_semaphore(%arg16 : memref<!tpu.dma_semaphore, #tpu.memory_space<semaphore_mem>>)
    %scan3A = arith.constant 0 : i32
    %scan3A_50 = arith.constant 0 : i32
    %scan3A_51 = arith.constant 99 : i32
    %scan3A_52 = arith.addi %scan3A_50, %scan3A_51 : i32
    %scan3A_53 = arith.constant 1 : i32
    scf.for %scan3A_83 = %scan3A_50 to %scan3A_52 step %scan3A_53  : i32 {
      %mul3A_84 = arith.constant 4 : i32
      %mul3A_85 = arith.muli %mul3A_84, %scan3A_83 : i32
      %gt3A = arith.constant 0 : i32
      %gt3A_86 = arith.cmpi sgt, %scan3A_83, %gt3A : i32
      %convert_element_type3A = arith.extui %gt3A_86 : i1 to i32
      %cond3A = arith.constant 0 : i32
      %cond3A_87 = arith.cmpi ne, %convert_element_type3A, %cond3A : i32
      scf.if %cond3A_87 {
        %dma_wait3A_418 = arith.constant 0 : i32
        %dma_wait3A_419 = arith.constant 2 : i32
        %dma_wait3A_420 = arith.constant 0 : i32
        %dma_wait3A_421 = arith.constant 0 : i32
        %dma_wait3A_422 = tpu.memref_slice %arg9[%dma_wait3A_418, %dma_wait3A_420, %dma_wait3A_421] : memref<2x512x8xf32, #tpu.memory_space<vmem>> -> memref<1x512x8xf32, #tpu.memory_space<vmem>>
        %dma_wait3A_423 = tpu.memref_squeeze %dma_wait3A_422 : memref<1x512x8xf32, #tpu.memory_space<vmem>> -> memref<512x8xf32, #tpu.memory_space<vmem>>
        %dma_wait3A_424 = arith.constant 0 : i32
        %dma_wait3A_425 = tpu.memref_slice %arg8[%dma_wait3A_419, %dma_wait3A_424] : memref<4x512xi32, #tpu.memory_space<vmem>> -> memref<1x512xi32, #tpu.memory_space<vmem>>
        %dma_wait3A_426 = tpu.memref_squeeze %dma_wait3A_425 : memref<1x512xi32, #tpu.memory_space<vmem>> -> memref<512xi32, #tpu.memory_space<vmem>>
        %dma_wait3A_427 = arith.constant 0 : i32
        %dma_wait3A_428 = arith.constant 0 : i32
        %dma_wait3A_429 = tpu.memref_slice %arg10[%dma_wait3A_427, %dma_wait3A_428] : memref<100352x8xf32, #tpu.memory_space<vmem_shared>> -> memref<100352x8xf32, #tpu.memory_space<vmem_shared>>
        tpu.wait_indirect_dma semaphore(%arg13 : memref<!tpu.dma_semaphore, #tpu.memory_space<semaphore_mem>>) src(%dma_wait3A_423 : memref<512x8xf32, #tpu.memory_space<vmem>>) dst(%dma_wait3A_429 : memref<100352x8xf32, #tpu.memory_space<vmem_shared>>)
      } else {
      }
      %add3A_88 = arith.constant 2 : i32
      %add3A_89 = arith.addi %mul3A_85, %add3A_88 : i32
      %mul3A_90 = arith.constant 4 : i32
      %mul3A_91 = arith.muli %add3A_89, %mul3A_90 : i32
      %add3A_92 = arith.addi %mul3A_6, %mul3A_91 : i32
      %mul3A_93 = arith.constant 128 : i32
      %mul3A_94 = arith.muli %add3A_92, %mul3A_93 : i32
      %dma_start3A_95 = arith.constant 2 : i32
      %dma_start3A_96 = arith.constant 0 : i32
      %dma_start3A_97 = tpu.memref_slice %arg7[%dma_start3A_95, %dma_start3A_96] : memref<4x512xi32, #tpu.memory_space<vmem>> -> memref<1x512xi32, #tpu.memory_space<vmem>>
      %dma_start3A_98 = tpu.memref_squeeze %dma_start3A_97 : memref<1x512xi32, #tpu.memory_space<vmem>> -> memref<512xi32, #tpu.memory_space<vmem>>
      %dma_start3A_99 = tpu.memref_slice %arg3[%mul3A_94] : memref<6488064xi32, #tpu.memory_space<hbm>> -> memref<512xi32, #tpu.memory_space<hbm>>
      %dma_start3A_100 = arith.constant 0 : i32
      %dma_start3A_101 = tpu.memref_slice %arg7[%dma_start3A_95, %dma_start3A_100] : memref<4x512xi32, #tpu.memory_space<vmem>> -> memref<1x512xi32, #tpu.memory_space<vmem>>
      %dma_start3A_102 = tpu.memref_squeeze %dma_start3A_101 : memref<1x512xi32, #tpu.memory_space<vmem>> -> memref<512xi32, #tpu.memory_space<vmem>>
      %dma_start3A_103 = tpu.memref_slice %arg3[%mul3A_94] : memref<6488064xi32, #tpu.memory_space<hbm>> -> memref<512xi32, #tpu.memory_space<hbm>>
      tpu.enqueue_dma source(%dma_start3A_103 : memref<512xi32, #tpu.memory_space<hbm>>) target(%dma_start3A_102 : memref<512xi32, #tpu.memory_space<vmem>>) target_semaphore(%arg17 : memref<!tpu.dma_semaphore, #tpu.memory_space<semaphore_mem>>)
      %dma_start3A_104 = arith.constant 2 : i32
      %dma_start3A_105 = arith.constant 0 : i32
      %dma_start3A_106 = tpu.memref_slice %arg8[%dma_start3A_104, %dma_start3A_105] : memref<4x512xi32, #tpu.memory_space<vmem>> -> memref<1x512xi32, #tpu.memory_space<vmem>>
      %dma_start3A_107 = tpu.memref_squeeze %dma_start3A_106 : memref<1x512xi32, #tpu.memory_space<vmem>> -> memref<512xi32, #tpu.memory_space<vmem>>
      %dma_start3A_108 = tpu.memref_slice %arg4[%mul3A_94] : memref<6488064xi32, #tpu.memory_space<hbm>> -> memref<512xi32, #tpu.memory_space<hbm>>
      %dma_start3A_109 = arith.constant 0 : i32
      %dma_start3A_110 = tpu.memref_slice %arg8[%dma_start3A_104, %dma_start3A_109] : memref<4x512xi32, #tpu.memory_space<vmem>> -> memref<1x512xi32, #tpu.memory_space<vmem>>
      %dma_start3A_111 = tpu.memref_squeeze %dma_start3A_110 : memref<1x512xi32, #tpu.memory_space<vmem>> -> memref<512xi32, #tpu.memory_space<vmem>>
      %dma_start3A_112 = tpu.memref_slice %arg4[%mul3A_94] : memref<6488064xi32, #tpu.memory_space<hbm>> -> memref<512xi32, #tpu.memory_space<hbm>>
      tpu.enqueue_dma source(%dma_start3A_112 : memref<512xi32, #tpu.memory_space<hbm>>) target(%dma_start3A_111 : memref<512xi32, #tpu.memory_space<vmem>>) target_semaphore(%arg17 : memref<!tpu.dma_semaphore, #tpu.memory_space<semaphore_mem>>)
      %mul3A_113 = arith.constant 4 : i32
      %mul3A_114 = arith.muli %mul3A_85, %mul3A_113 : i32
      %add3A_115 = arith.addi %mul3A_6, %mul3A_114 : i32
      %mul3A_116 = arith.constant 128 : i32
      %mul3A_117 = arith.muli %add3A_115, %mul3A_116 : i32
      %dma_wait3A_118 = arith.constant 0 : i32
      %dma_wait3A_119 = arith.constant 0 : i32
      %dma_wait3A_120 = tpu.memref_slice %arg7[%dma_wait3A_118, %dma_wait3A_119] : memref<4x512xi32, #tpu.memory_space<vmem>> -> memref<1x512xi32, #tpu.memory_space<vmem>>
      %dma_wait3A_121 = tpu.memref_squeeze %dma_wait3A_120 : memref<1x512xi32, #tpu.memory_space<vmem>> -> memref<512xi32, #tpu.memory_space<vmem>>
      %dma_wait3A_122 = tpu.memref_slice %arg3[%mul3A_117] : memref<6488064xi32, #tpu.memory_space<hbm>> -> memref<512xi32, #tpu.memory_space<hbm>>
      %dma_wait3A_123 = arith.constant 0 : i32
      %dma_wait3A_124 = tpu.memref_slice %arg7[%dma_wait3A_118, %dma_wait3A_123] : memref<4x512xi32, #tpu.memory_space<vmem>> -> memref<1x512xi32, #tpu.memory_space<vmem>>
      %dma_wait3A_125 = tpu.memref_squeeze %dma_wait3A_124 : memref<1x512xi32, #tpu.memory_space<vmem>> -> memref<512xi32, #tpu.memory_space<vmem>>
      %dma_wait3A_126 = tpu.memref_slice %arg3[%mul3A_117] : memref<6488064xi32, #tpu.memory_space<hbm>> -> memref<512xi32, #tpu.memory_space<hbm>>
      tpu.wait_dma2 semaphore(%arg15 : memref<!tpu.dma_semaphore, #tpu.memory_space<semaphore_mem>>) src(%dma_wait3A_126 : memref<512xi32, #tpu.memory_space<hbm>>) dst(%dma_wait3A_125 : memref<512xi32, #tpu.memory_space<vmem>>)
      %dma_wait3A_127 = arith.constant 0 : i32
      %dma_wait3A_128 = arith.constant 0 : i32
      %dma_wait3A_129 = tpu.memref_slice %arg8[%dma_wait3A_127, %dma_wait3A_128] : memref<4x512xi32, #tpu.memory_space<vmem>> -> memref<1x512xi32, #tpu.memory_space<vmem>>
      %dma_wait3A_130 = tpu.memref_squeeze %dma_wait3A_129 : memref<1x512xi32, #tpu.memory_space<vmem>> -> memref<512xi32, #tpu.memory_space<vmem>>
      %dma_wait3A_131 = tpu.memref_slice %arg4[%mul3A_117] : memref<6488064xi32, #tpu.memory_space<hbm>> -> memref<512xi32, #tpu.memory_space<hbm>>
      %dma_wait3A_132 = arith.constant 0 : i32
      %dma_wait3A_133 = tpu.memref_slice %arg8[%dma_wait3A_127, %dma_wait3A_132] : memref<4x512xi32, #tpu.memory_space<vmem>> -> memref<1x512xi32, #tpu.memory_space<vmem>>
      %dma_wait3A_134 = tpu.memref_squeeze %dma_wait3A_133 : memref<1x512xi32, #tpu.memory_space<vmem>> -> memref<512xi32, #tpu.memory_space<vmem>>
      %dma_wait3A_135 = tpu.memref_slice %arg4[%mul3A_117] : memref<6488064xi32, #tpu.memory_space<hbm>> -> memref<512xi32, #tpu.memory_space<hbm>>
      tpu.wait_dma2 semaphore(%arg15 : memref<!tpu.dma_semaphore, #tpu.memory_space<semaphore_mem>>) src(%dma_wait3A_135 : memref<512xi32, #tpu.memory_space<hbm>>) dst(%dma_wait3A_134 : memref<512xi32, #tpu.memory_space<vmem>>)
      %dma_start3A_136 = arith.constant 0 : i32
      %dma_start3A_137 = arith.constant 0 : i32
      %dma_start3A_138 = arith.constant 0 : i32
      %dma_start3A_139 = arith.constant 0 : i32
      %dma_start3A_140 = tpu.memref_slice %arg9[%dma_start3A_137, %dma_start3A_138, %dma_start3A_139] : memref<2x512x8xf32, #tpu.memory_space<vmem>> -> memref<1x512x8xf32, #tpu.memory_space<vmem>>
      %dma_start3A_141 = tpu.memref_squeeze %dma_start3A_140 : memref<1x512x8xf32, #tpu.memory_space<vmem>> -> memref<512x8xf32, #tpu.memory_space<vmem>>
      %dma_start3A_142 = arith.constant 0 : i32
      %dma_start3A_143 = tpu.memref_slice %arg7[%dma_start3A_136, %dma_start3A_142] : memref<4x512xi32, #tpu.memory_space<vmem>> -> memref<1x512xi32, #tpu.memory_space<vmem>>
      %dma_start3A_144 = tpu.memref_squeeze %dma_start3A_143 : memref<1x512xi32, #tpu.memory_space<vmem>> -> memref<512xi32, #tpu.memory_space<vmem>>
      %dma_start3A_145 = arith.constant 0 : i32
      %dma_start3A_146 = arith.constant 0 : i32
      %dma_start3A_147 = tpu.memref_slice %arg2[%dma_start3A_145, %dma_start3A_146] : memref<100352x8xf32, #tpu.memory_space<hbm>> -> memref<100352x8xf32, #tpu.memory_space<hbm>>
      tpu.enqueue_indirect_dma source(%dma_start3A_147 : memref<100352x8xf32, #tpu.memory_space<hbm>>) target(%dma_start3A_141 : memref<512x8xf32, #tpu.memory_space<vmem>>) offsets(%dma_start3A_144 : memref<512xi32, #tpu.memory_space<vmem>>) semaphore(%arg11 : memref<!tpu.dma_semaphore, #tpu.memory_space<semaphore_mem>>)
      %gt3A_148 = arith.constant 0 : i32
      %gt3A_149 = arith.cmpi sgt, %scan3A_83, %gt3A_148 : i32
      %convert_element_type3A_150 = arith.extui %gt3A_149 : i1 to i32
      %cond3A_151 = arith.constant 0 : i32
      %cond3A_152 = arith.cmpi ne, %convert_element_type3A_150, %cond3A_151 : i32
      scf.if %cond3A_152 {
        %dma_wait3A_418 = arith.constant 1 : i32
        %dma_wait3A_419 = arith.constant 3 : i32
        %dma_wait3A_420 = arith.constant 0 : i32
        %dma_wait3A_421 = arith.constant 0 : i32
        %dma_wait3A_422 = tpu.memref_slice %arg9[%dma_wait3A_418, %dma_wait3A_420, %dma_wait3A_421] : memref<2x512x8xf32, #tpu.memory_space<vmem>> -> memref<1x512x8xf32, #tpu.memory_space<vmem>>
        %dma_wait3A_423 = tpu.memref_squeeze %dma_wait3A_422 : memref<1x512x8xf32, #tpu.memory_space<vmem>> -> memref<512x8xf32, #tpu.memory_space<vmem>>
        %dma_wait3A_424 = arith.constant 0 : i32
        %dma_wait3A_425 = tpu.memref_slice %arg8[%dma_wait3A_419, %dma_wait3A_424] : memref<4x512xi32, #tpu.memory_space<vmem>> -> memref<1x512xi32, #tpu.memory_space<vmem>>
        %dma_wait3A_426 = tpu.memref_squeeze %dma_wait3A_425 : memref<1x512xi32, #tpu.memory_space<vmem>> -> memref<512xi32, #tpu.memory_space<vmem>>
        %dma_wait3A_427 = arith.constant 0 : i32
        %dma_wait3A_428 = arith.constant 0 : i32
        %dma_wait3A_429 = tpu.memref_slice %arg10[%dma_wait3A_427, %dma_wait3A_428] : memref<100352x8xf32, #tpu.memory_space<vmem_shared>> -> memref<100352x8xf32, #tpu.memory_space<vmem_shared>>
        tpu.wait_indirect_dma semaphore(%arg14 : memref<!tpu.dma_semaphore, #tpu.memory_space<semaphore_mem>>) src(%dma_wait3A_423 : memref<512x8xf32, #tpu.memory_space<vmem>>) dst(%dma_wait3A_429 : memref<100352x8xf32, #tpu.memory_space<vmem_shared>>)
      } else {
      }
      %add3A_153 = arith.constant 3 : i32
      %add3A_154 = arith.addi %mul3A_85, %add3A_153 : i32
      %mul3A_155 = arith.constant 4 : i32
      %mul3A_156 = arith.muli %add3A_154, %mul3A_155 : i32
      %add3A_157 = arith.addi %mul3A_6, %mul3A_156 : i32
      %mul3A_158 = arith.constant 128 : i32
      %mul3A_159 = arith.muli %add3A_157, %mul3A_158 : i32
      %dma_start3A_160 = arith.constant 3 : i32
      %dma_start3A_161 = arith.constant 0 : i32
      %dma_start3A_162 = tpu.memref_slice %arg7[%dma_start3A_160, %dma_start3A_161] : memref<4x512xi32, #tpu.memory_space<vmem>> -> memref<1x512xi32, #tpu.memory_space<vmem>>
      %dma_start3A_163 = tpu.memref_squeeze %dma_start3A_162 : memref<1x512xi32, #tpu.memory_space<vmem>> -> memref<512xi32, #tpu.memory_space<vmem>>
      %dma_start3A_164 = tpu.memref_slice %arg3[%mul3A_159] : memref<6488064xi32, #tpu.memory_space<hbm>> -> memref<512xi32, #tpu.memory_space<hbm>>
      %dma_start3A_165 = arith.constant 0 : i32
      %dma_start3A_166 = tpu.memref_slice %arg7[%dma_start3A_160, %dma_start3A_165] : memref<4x512xi32, #tpu.memory_space<vmem>> -> memref<1x512xi32, #tpu.memory_space<vmem>>
      %dma_start3A_167 = tpu.memref_squeeze %dma_start3A_166 : memref<1x512xi32, #tpu.memory_space<vmem>> -> memref<512xi32, #tpu.memory_space<vmem>>
      %dma_start3A_168 = tpu.memref_slice %arg3[%mul3A_159] : memref<6488064xi32, #tpu.memory_space<hbm>> -> memref<512xi32, #tpu.memory_space<hbm>>
      tpu.enqueue_dma source(%dma_start3A_168 : memref<512xi32, #tpu.memory_space<hbm>>) target(%dma_start3A_167 : memref<512xi32, #tpu.memory_space<vmem>>) target_semaphore(%arg18 : memref<!tpu.dma_semaphore, #tpu.memory_space<semaphore_mem>>)
      %dma_start3A_169 = arith.constant 3 : i32
      %dma_start3A_170 = arith.constant 0 : i32
      %dma_start3A_171 = tpu.memref_slice %arg8[%dma_start3A_169, %dma_start3A_170] : memref<4x512xi32, #tpu.memory_space<vmem>> -> memref<1x512xi32, #tpu.memory_space<vmem>>
      %dma_start3A_172 = tpu.memref_squeeze %dma_start3A_171 : memref<1x512xi32, #tpu.memory_space<vmem>> -> memref<512xi32, #tpu.memory_space<vmem>>
      %dma_start3A_173 = tpu.memref_slice %arg4[%mul3A_159] : memref<6488064xi32, #tpu.memory_space<hbm>> -> memref<512xi32, #tpu.memory_space<hbm>>
      %dma_start3A_174 = arith.constant 0 : i32
      %dma_start3A_175 = tpu.memref_slice %arg8[%dma_start3A_169, %dma_start3A_174] : memref<4x512xi32, #tpu.memory_space<vmem>> -> memref<1x512xi32, #tpu.memory_space<vmem>>
      %dma_start3A_176 = tpu.memref_squeeze %dma_start3A_175 : memref<1x512xi32, #tpu.memory_space<vmem>> -> memref<512xi32, #tpu.memory_space<vmem>>
      %dma_start3A_177 = tpu.memref_slice %arg4[%mul3A_159] : memref<6488064xi32, #tpu.memory_space<hbm>> -> memref<512xi32, #tpu.memory_space<hbm>>
      tpu.enqueue_dma source(%dma_start3A_177 : memref<512xi32, #tpu.memory_space<hbm>>) target(%dma_start3A_176 : memref<512xi32, #tpu.memory_space<vmem>>) target_semaphore(%arg18 : memref<!tpu.dma_semaphore, #tpu.memory_space<semaphore_mem>>)
      %add3A_178 = arith.constant 1 : i32
      %add3A_179 = arith.addi %mul3A_85, %add3A_178 : i32
      %mul3A_180 = arith.constant 4 : i32
      %mul3A_181 = arith.muli %add3A_179, %mul3A_180 : i32
      %add3A_182 = arith.addi %mul3A_6, %mul3A_181 : i32
      %mul3A_183 = arith.constant 128 : i32
      %mul3A_184 = arith.muli %add3A_182, %mul3A_183 : i32
      %dma_wait3A_185 = arith.constant 1 : i32
      %dma_wait3A_186 = arith.constant 0 : i32
      %dma_wait3A_187 = tpu.memref_slice %arg7[%dma_wait3A_185, %dma_wait3A_186] : memref<4x512xi32, #tpu.memory_space<vmem>> -> memref<1x512xi32, #tpu.memory_space<vmem>>
      %dma_wait3A_188 = tpu.memref_squeeze %dma_wait3A_187 : memref<1x512xi32, #tpu.memory_space<vmem>> -> memref<512xi32, #tpu.memory_space<vmem>>
      %dma_wait3A_189 = tpu.memref_slice %arg3[%mul3A_184] : memref<6488064xi32, #tpu.memory_space<hbm>> -> memref<512xi32, #tpu.memory_space<hbm>>
      %dma_wait3A_190 = arith.constant 0 : i32
      %dma_wait3A_191 = tpu.memref_slice %arg7[%dma_wait3A_185, %dma_wait3A_190] : memref<4x512xi32, #tpu.memory_space<vmem>> -> memref<1x512xi32, #tpu.memory_space<vmem>>
      %dma_wait3A_192 = tpu.memref_squeeze %dma_wait3A_191 : memref<1x512xi32, #tpu.memory_space<vmem>> -> memref<512xi32, #tpu.memory_space<vmem>>
      %dma_wait3A_193 = tpu.memref_slice %arg3[%mul3A_184] : memref<6488064xi32, #tpu.memory_space<hbm>> -> memref<512xi32, #tpu.memory_space<hbm>>
      tpu.wait_dma2 semaphore(%arg16 : memref<!tpu.dma_semaphore, #tpu.memory_space<semaphore_mem>>) src(%dma_wait3A_193 : memref<512xi32, #tpu.memory_space<hbm>>) dst(%dma_wait3A_192 : memref<512xi32, #tpu.memory_space<vmem>>)
      %dma_wait3A_194 = arith.constant 1 : i32
      %dma_wait3A_195 = arith.constant 0 : i32
      %dma_wait3A_196 = tpu.memref_slice %arg8[%dma_wait3A_194, %dma_wait3A_195] : memref<4x512xi32, #tpu.memory_space<vmem>> -> memref<1x512xi32, #tpu.memory_space<vmem>>
      %dma_wait3A_197 = tpu.memref_squeeze %dma_wait3A_196 : memref<1x512xi32, #tpu.memory_space<vmem>> -> memref<512xi32, #tpu.memory_space<vmem>>
      %dma_wait3A_198 = tpu.memref_slice %arg4[%mul3A_184] : memref<6488064xi32, #tpu.memory_space<hbm>> -> memref<512xi32, #tpu.memory_space<hbm>>
      %dma_wait3A_199 = arith.constant 0 : i32
      %dma_wait3A_200 = tpu.memref_slice %arg8[%dma_wait3A_194, %dma_wait3A_199] : memref<4x512xi32, #tpu.memory_space<vmem>> -> memref<1x512xi32, #tpu.memory_space<vmem>>
      %dma_wait3A_201 = tpu.memref_squeeze %dma_wait3A_200 : memref<1x512xi32, #tpu.memory_space<vmem>> -> memref<512xi32, #tpu.memory_space<vmem>>
      %dma_wait3A_202 = tpu.memref_slice %arg4[%mul3A_184] : memref<6488064xi32, #tpu.memory_space<hbm>> -> memref<512xi32, #tpu.memory_space<hbm>>
      tpu.wait_dma2 semaphore(%arg16 : memref<!tpu.dma_semaphore, #tpu.memory_space<semaphore_mem>>) src(%dma_wait3A_202 : memref<512xi32, #tpu.memory_space<hbm>>) dst(%dma_wait3A_201 : memref<512xi32, #tpu.memory_space<vmem>>)
      %dma_start3A_203 = arith.constant 1 : i32
      %dma_start3A_204 = arith.constant 1 : i32
      %dma_start3A_205 = arith.constant 0 : i32
      %dma_start3A_206 = arith.constant 0 : i32
      %dma_start3A_207 = tpu.memref_slice %arg9[%dma_start3A_204, %dma_start3A_205, %dma_start3A_206] : memref<2x512x8xf32, #tpu.memory_space<vmem>> -> memref<1x512x8xf32, #tpu.memory_space<vmem>>
      %dma_start3A_208 = tpu.memref_squeeze %dma_start3A_207 : memref<1x512x8xf32, #tpu.memory_space<vmem>> -> memref<512x8xf32, #tpu.memory_space<vmem>>
      %dma_start3A_209 = arith.constant 0 : i32
      %dma_start3A_210 = tpu.memref_slice %arg7[%dma_start3A_203, %dma_start3A_209] : memref<4x512xi32, #tpu.memory_space<vmem>> -> memref<1x512xi32, #tpu.memory_space<vmem>>
      %dma_start3A_211 = tpu.memref_squeeze %dma_start3A_210 : memref<1x512xi32, #tpu.memory_space<vmem>> -> memref<512xi32, #tpu.memory_space<vmem>>
      %dma_start3A_212 = arith.constant 0 : i32
      %dma_start3A_213 = arith.constant 0 : i32
      %dma_start3A_214 = tpu.memref_slice %arg2[%dma_start3A_212, %dma_start3A_213] : memref<100352x8xf32, #tpu.memory_space<hbm>> -> memref<100352x8xf32, #tpu.memory_space<hbm>>
      tpu.enqueue_indirect_dma source(%dma_start3A_214 : memref<100352x8xf32, #tpu.memory_space<hbm>>) target(%dma_start3A_208 : memref<512x8xf32, #tpu.memory_space<vmem>>) offsets(%dma_start3A_211 : memref<512xi32, #tpu.memory_space<vmem>>) semaphore(%arg12 : memref<!tpu.dma_semaphore, #tpu.memory_space<semaphore_mem>>)
      %dma_wait3A_215 = arith.constant 0 : i32
      %dma_wait3A_216 = arith.constant 0 : i32
      %dma_wait3A_217 = arith.constant 0 : i32
      %dma_wait3A_218 = arith.constant 0 : i32
      %dma_wait3A_219 = tpu.memref_slice %arg9[%dma_wait3A_216, %dma_wait3A_217, %dma_wait3A_218] : memref<2x512x8xf32, #tpu.memory_space<vmem>> -> memref<1x512x8xf32, #tpu.memory_space<vmem>>
      %dma_wait3A_220 = tpu.memref_squeeze %dma_wait3A_219 : memref<1x512x8xf32, #tpu.memory_space<vmem>> -> memref<512x8xf32, #tpu.memory_space<vmem>>
      %dma_wait3A_221 = arith.constant 0 : i32
      %dma_wait3A_222 = tpu.memref_slice %arg7[%dma_wait3A_215, %dma_wait3A_221] : memref<4x512xi32, #tpu.memory_space<vmem>> -> memref<1x512xi32, #tpu.memory_space<vmem>>
      %dma_wait3A_223 = tpu.memref_squeeze %dma_wait3A_222 : memref<1x512xi32, #tpu.memory_space<vmem>> -> memref<512xi32, #tpu.memory_space<vmem>>
      %dma_wait3A_224 = arith.constant 0 : i32
      %dma_wait3A_225 = arith.constant 0 : i32
      %dma_wait3A_226 = tpu.memref_slice %arg2[%dma_wait3A_224, %dma_wait3A_225] : memref<100352x8xf32, #tpu.memory_space<hbm>> -> memref<100352x8xf32, #tpu.memory_space<hbm>>
      tpu.wait_indirect_dma semaphore(%arg11 : memref<!tpu.dma_semaphore, #tpu.memory_space<semaphore_mem>>) src(%dma_wait3A_226 : memref<100352x8xf32, #tpu.memory_space<hbm>>) dst(%dma_wait3A_220 : memref<512x8xf32, #tpu.memory_space<vmem>>)
      %dma_start3A_227 = arith.constant 0 : i32
      %dma_start3A_228 = arith.constant 0 : i32
      %dma_start3A_229 = arith.constant 0 : i32
      %dma_start3A_230 = arith.constant 0 : i32
      %dma_start3A_231 = tpu.memref_slice %arg9[%dma_start3A_227, %dma_start3A_229, %dma_start3A_230] : memref<2x512x8xf32, #tpu.memory_space<vmem>> -> memref<1x512x8xf32, #tpu.memory_space<vmem>>
      %dma_start3A_232 = tpu.memref_squeeze %dma_start3A_231 : memref<1x512x8xf32, #tpu.memory_space<vmem>> -> memref<512x8xf32, #tpu.memory_space<vmem>>
      %dma_start3A_233 = arith.constant 0 : i32
      %dma_start3A_234 = tpu.memref_slice %arg8[%dma_start3A_228, %dma_start3A_233] : memref<4x512xi32, #tpu.memory_space<vmem>> -> memref<1x512xi32, #tpu.memory_space<vmem>>
      %dma_start3A_235 = tpu.memref_squeeze %dma_start3A_234 : memref<1x512xi32, #tpu.memory_space<vmem>> -> memref<512xi32, #tpu.memory_space<vmem>>
      %dma_start3A_236 = arith.constant 0 : i32
      %dma_start3A_237 = arith.constant 0 : i32
      %dma_start3A_238 = tpu.memref_slice %arg10[%dma_start3A_236, %dma_start3A_237] : memref<100352x8xf32, #tpu.memory_space<vmem_shared>> -> memref<100352x8xf32, #tpu.memory_space<vmem_shared>>
      tpu.enqueue_indirect_dma source(%dma_start3A_232 : memref<512x8xf32, #tpu.memory_space<vmem>>) target(%dma_start3A_238 : memref<100352x8xf32, #tpu.memory_space<vmem_shared>>) offsets(%dma_start3A_235 : memref<512xi32, #tpu.memory_space<vmem>>) semaphore(%arg13 : memref<!tpu.dma_semaphore, #tpu.memory_space<semaphore_mem>>) {add = true}
      %dma_wait3A_239 = arith.constant 1 : i32
      %dma_wait3A_240 = arith.constant 1 : i32
      %dma_wait3A_241 = arith.constant 0 : i32
      %dma_wait3A_242 = arith.constant 0 : i32
      %dma_wait3A_243 = tpu.memref_slice %arg9[%dma_wait3A_240, %dma_wait3A_241, %dma_wait3A_242] : memref<2x512x8xf32, #tpu.memory_space<vmem>> -> memref<1x512x8xf32, #tpu.memory_space<vmem>>
      %dma_wait3A_244 = tpu.memref_squeeze %dma_wait3A_243 : memref<1x512x8xf32, #tpu.memory_space<vmem>> -> memref<512x8xf32, #tpu.memory_space<vmem>>
      %dma_wait3A_245 = arith.constant 0 : i32
      %dma_wait3A_246 = tpu.memref_slice %arg7[%dma_wait3A_239, %dma_wait3A_245] : memref<4x512xi32, #tpu.memory_space<vmem>> -> memref<1x512xi32, #tpu.memory_space<vmem>>
      %dma_wait3A_247 = tpu.memref_squeeze %dma_wait3A_246 : memref<1x512xi32, #tpu.memory_space<vmem>> -> memref<512xi32, #tpu.memory_space<vmem>>
      %dma_wait3A_248 = arith.constant 0 : i32
      %dma_wait3A_249 = arith.constant 0 : i32
      %dma_wait3A_250 = tpu.memref_slice %arg2[%dma_wait3A_248, %dma_wait3A_249] : memref<100352x8xf32, #tpu.memory_space<hbm>> -> memref<100352x8xf32, #tpu.memory_space<hbm>>
      tpu.wait_indirect_dma semaphore(%arg12 : memref<!tpu.dma_semaphore, #tpu.memory_space<semaphore_mem>>) src(%dma_wait3A_250 : memref<100352x8xf32, #tpu.memory_space<hbm>>) dst(%dma_wait3A_244 : memref<512x8xf32, #tpu.memory_space<vmem>>)
      %dma_start3A_251 = arith.constant 1 : i32
      %dma_start3A_252 = arith.constant 1 : i32
      %dma_start3A_253 = arith.constant 0 : i32
      %dma_start3A_254 = arith.constant 0 : i32
      %dma_start3A_255 = tpu.memref_slice %arg9[%dma_start3A_251, %dma_start3A_253, %dma_start3A_254] : memref<2x512x8xf32, #tpu.memory_space<vmem>> -> memref<1x512x8xf32, #tpu.memory_space<vmem>>
      %dma_start3A_256 = tpu.memref_squeeze %dma_start3A_255 : memref<1x512x8xf32, #tpu.memory_space<vmem>> -> memref<512x8xf32, #tpu.memory_space<vmem>>
      %dma_start3A_257 = arith.constant 0 : i32
      %dma_start3A_258 = tpu.memref_slice %arg8[%dma_start3A_252, %dma_start3A_257] : memref<4x512xi32, #tpu.memory_space<vmem>> -> memref<1x512xi32, #tpu.memory_space<vmem>>
      %dma_start3A_259 = tpu.memref_squeeze %dma_start3A_258 : memref<1x512xi32, #tpu.memory_space<vmem>> -> memref<512xi32, #tpu.memory_space<vmem>>
      %dma_start3A_260 = arith.constant 0 : i32
      %dma_start3A_261 = arith.constant 0 : i32
      %dma_start3A_262 = tpu.memref_slice %arg10[%dma_start3A_260, %dma_start3A_261] : memref<100352x8xf32, #tpu.memory_space<vmem_shared>> -> memref<100352x8xf32, #tpu.memory_space<vmem_shared>>
      tpu.enqueue_indirect_dma source(%dma_start3A_256 : memref<512x8xf32, #tpu.memory_space<vmem>>) target(%dma_start3A_262 : memref<100352x8xf32, #tpu.memory_space<vmem_shared>>) offsets(%dma_start3A_259 : memref<512xi32, #tpu.memory_space<vmem>>) semaphore(%arg14 : memref<!tpu.dma_semaphore, #tpu.memory_space<semaphore_mem>>) {add = true}
      %dma_wait3A_263 = arith.constant 0 : i32
      %dma_wait3A_264 = arith.constant 0 : i32
      %dma_wait3A_265 = arith.constant 0 : i32
      %dma_wait3A_266 = arith.constant 0 : i32
      %dma_wait3A_267 = tpu.memref_slice %arg9[%dma_wait3A_263, %dma_wait3A_265, %dma_wait3A_266] : memref<2x512x8xf32, #tpu.memory_space<vmem>> -> memref<1x512x8xf32, #tpu.memory_space<vmem>>
      %dma_wait3A_268 = tpu.memref_squeeze %dma_wait3A_267 : memref<1x512x8xf32, #tpu.memory_space<vmem>> -> memref<512x8xf32, #tpu.memory_space<vmem>>
      %dma_wait3A_269 = arith.constant 0 : i32
      %dma_wait3A_270 = tpu.memref_slice %arg8[%dma_wait3A_264, %dma_wait3A_269] : memref<4x512xi32, #tpu.memory_space<vmem>> -> memref<1x512xi32, #tpu.memory_space<vmem>>
      %dma_wait3A_271 = tpu.memref_squeeze %dma_wait3A_270 : memref<1x512xi32, #tpu.memory_space<vmem>> -> memref<512xi32, #tpu.memory_space<vmem>>
      %dma_wait3A_272 = arith.constant 0 : i32
      %dma_wait3A_273 = arith.constant 0 : i32
      %dma_wait3A_274 = tpu.memref_slice %arg10[%dma_wait3A_272, %dma_wait3A_273] : memref<100352x8xf32, #tpu.memory_space<vmem_shared>> -> memref<100352x8xf32, #tpu.memory_space<vmem_shared>>
      tpu.wait_indirect_dma semaphore(%arg13 : memref<!tpu.dma_semaphore, #tpu.memory_space<semaphore_mem>>) src(%dma_wait3A_268 : memref<512x8xf32, #tpu.memory_space<vmem>>) dst(%dma_wait3A_274 : memref<100352x8xf32, #tpu.memory_space<vmem_shared>>)
      %lt3A = arith.constant 98 : i32
      %lt3A_275 = arith.cmpi slt, %scan3A_83, %lt3A : i32
      %convert_element_type3A_276 = arith.extui %lt3A_275 : i1 to i32
      %cond3A_277 = arith.constant 0 : i32
      %cond3A_278 = arith.cmpi ne, %convert_element_type3A_276, %cond3A_277 : i32
      scf.if %cond3A_278 {
        %add3A_418 = arith.constant 4 : i32
        %add3A_419 = arith.addi %mul3A_85, %add3A_418 : i32
        %mul3A_420 = arith.constant 4 : i32
        %mul3A_421 = arith.muli %add3A_419, %mul3A_420 : i32
        %add3A_422 = arith.addi %mul3A_6, %mul3A_421 : i32
        %mul3A_423 = arith.constant 128 : i32
        %mul3A_424 = arith.muli %add3A_422, %mul3A_423 : i32
        %dma_start3A_425 = arith.constant 0 : i32
        %dma_start3A_426 = arith.constant 0 : i32
        %dma_start3A_427 = tpu.memref_slice %arg7[%dma_start3A_425, %dma_start3A_426] : memref<4x512xi32, #tpu.memory_space<vmem>> -> memref<1x512xi32, #tpu.memory_space<vmem>>
        %dma_start3A_428 = tpu.memref_squeeze %dma_start3A_427 : memref<1x512xi32, #tpu.memory_space<vmem>> -> memref<512xi32, #tpu.memory_space<vmem>>
        %dma_start3A_429 = tpu.memref_slice %arg3[%mul3A_424] : memref<6488064xi32, #tpu.memory_space<hbm>> -> memref<512xi32, #tpu.memory_space<hbm>>
        %dma_start3A_430 = arith.constant 0 : i32
        %dma_start3A_431 = tpu.memref_slice %arg7[%dma_start3A_425, %dma_start3A_430] : memref<4x512xi32, #tpu.memory_space<vmem>> -> memref<1x512xi32, #tpu.memory_space<vmem>>
        %dma_start3A_432 = tpu.memref_squeeze %dma_start3A_431 : memref<1x512xi32, #tpu.memory_space<vmem>> -> memref<512xi32, #tpu.memory_space<vmem>>
        %dma_start3A_433 = tpu.memref_slice %arg3[%mul3A_424] : memref<6488064xi32, #tpu.memory_space<hbm>> -> memref<512xi32, #tpu.memory_space<hbm>>
        tpu.enqueue_dma source(%dma_start3A_433 : memref<512xi32, #tpu.memory_space<hbm>>) target(%dma_start3A_432 : memref<512xi32, #tpu.memory_space<vmem>>) target_semaphore(%arg15 : memref<!tpu.dma_semaphore, #tpu.memory_space<semaphore_mem>>)
        %dma_start3A_434 = arith.constant 0 : i32
        %dma_start3A_435 = arith.constant 0 : i32
        %dma_start3A_436 = tpu.memref_slice %arg8[%dma_start3A_434, %dma_start3A_435] : memref<4x512xi32, #tpu.memory_space<vmem>> -> memref<1x512xi32, #tpu.memory_space<vmem>>
        %dma_start3A_437 = tpu.memref_squeeze %dma_start3A_436 : memref<1x512xi32, #tpu.memory_space<vmem>> -> memref<512xi32, #tpu.memory_space<vmem>>
        %dma_start3A_438 = tpu.memref_slice %arg4[%mul3A_424] : memref<6488064xi32, #tpu.memory_space<hbm>> -> memref<512xi32, #tpu.memory_space<hbm>>
        %dma_start3A_439 = arith.constant 0 : i32
        %dma_start3A_440 = tpu.memref_slice %arg8[%dma_start3A_434, %dma_start3A_439] : memref<4x512xi32, #tpu.memory_space<vmem>> -> memref<1x512xi32, #tpu.memory_space<vmem>>
        %dma_start3A_441 = tpu.memref_squeeze %dma_start3A_440 : memref<1x512xi32, #tpu.memory_space<vmem>> -> memref<512xi32, #tpu.memory_space<vmem>>
        %dma_start3A_442 = tpu.memref_slice %arg4[%mul3A_424] : memref<6488064xi32, #tpu.memory_space<hbm>> -> memref<512xi32, #tpu.memory_space<hbm>>
        tpu.enqueue_dma source(%dma_start3A_442 : memref<512xi32, #tpu.memory_space<hbm>>) target(%dma_start3A_441 : memref<512xi32, #tpu.memory_space<vmem>>) target_semaphore(%arg15 : memref<!tpu.dma_semaphore, #tpu.memory_space<semaphore_mem>>)
      } else {
      }
      %add3A_279 = arith.constant 2 : i32
      %add3A_280 = arith.addi %mul3A_85, %add3A_279 : i32
      %mul3A_281 = arith.constant 4 : i32
      %mul3A_282 = arith.muli %add3A_280, %mul3A_281 : i32
      %add3A_283 = arith.addi %mul3A_6, %mul3A_282 : i32
      %mul3A_284 = arith.constant 128 : i32
      %mul3A_285 = arith.muli %add3A_283, %mul3A_284 : i32
      %dma_wait3A_286 = arith.constant 2 : i32
      %dma_wait3A_287 = arith.constant 0 : i32
      %dma_wait3A_288 = tpu.memref_slice %arg7[%dma_wait3A_286, %dma_wait3A_287] : memref<4x512xi32, #tpu.memory_space<vmem>> -> memref<1x512xi32, #tpu.memory_space<vmem>>
      %dma_wait3A_289 = tpu.memref_squeeze %dma_wait3A_288 : memref<1x512xi32, #tpu.memory_space<vmem>> -> memref<512xi32, #tpu.memory_space<vmem>>
      %dma_wait3A_290 = tpu.memref_slice %arg3[%mul3A_285] : memref<6488064xi32, #tpu.memory_space<hbm>> -> memref<512xi32, #tpu.memory_space<hbm>>
      %dma_wait3A_291 = arith.constant 0 : i32
      %dma_wait3A_292 = tpu.memref_slice %arg7[%dma_wait3A_286, %dma_wait3A_291] : memref<4x512xi32, #tpu.memory_space<vmem>> -> memref<1x512xi32, #tpu.memory_space<vmem>>
      %dma_wait3A_293 = tpu.memref_squeeze %dma_wait3A_292 : memref<1x512xi32, #tpu.memory_space<vmem>> -> memref<512xi32, #tpu.memory_space<vmem>>
      %dma_wait3A_294 = tpu.memref_slice %arg3[%mul3A_285] : memref<6488064xi32, #tpu.memory_space<hbm>> -> memref<512xi32, #tpu.memory_space<hbm>>
      tpu.wait_dma2 semaphore(%arg17 : memref<!tpu.dma_semaphore, #tpu.memory_space<semaphore_mem>>) src(%dma_wait3A_294 : memref<512xi32, #tpu.memory_space<hbm>>) dst(%dma_wait3A_293 : memref<512xi32, #tpu.memory_space<vmem>>)
      %dma_wait3A_295 = arith.constant 2 : i32
      %dma_wait3A_296 = arith.constant 0 : i32
      %dma_wait3A_297 = tpu.memref_slice %arg8[%dma_wait3A_295, %dma_wait3A_296] : memref<4x512xi32, #tpu.memory_space<vmem>> -> memref<1x512xi32, #tpu.memory_space<vmem>>
      %dma_wait3A_298 = tpu.memref_squeeze %dma_wait3A_297 : memref<1x512xi32, #tpu.memory_space<vmem>> -> memref<512xi32, #tpu.memory_space<vmem>>
      %dma_wait3A_299 = tpu.memref_slice %arg4[%mul3A_285] : memref<6488064xi32, #tpu.memory_space<hbm>> -> memref<512xi32, #tpu.memory_space<hbm>>
      %dma_wait3A_300 = arith.constant 0 : i32
      %dma_wait3A_301 = tpu.memref_slice %arg8[%dma_wait3A_295, %dma_wait3A_300] : memref<4x512xi32, #tpu.memory_space<vmem>> -> memref<1x512xi32, #tpu.memory_space<vmem>>
      %dma_wait3A_302 = tpu.memref_squeeze %dma_wait3A_301 : memref<1x512xi32, #tpu.memory_space<vmem>> -> memref<512xi32, #tpu.memory_space<vmem>>
      %dma_wait3A_303 = tpu.memref_slice %arg4[%mul3A_285] : memref<6488064xi32, #tpu.memory_space<hbm>> -> memref<512xi32, #tpu.memory_space<hbm>>
      tpu.wait_dma2 semaphore(%arg17 : memref<!tpu.dma_semaphore, #tpu.memory_space<semaphore_mem>>) src(%dma_wait3A_303 : memref<512xi32, #tpu.memory_space<hbm>>) dst(%dma_wait3A_302 : memref<512xi32, #tpu.memory_space<vmem>>)
      %dma_start3A_304 = arith.constant 2 : i32
      %dma_start3A_305 = arith.constant 0 : i32
      %dma_start3A_306 = arith.constant 0 : i32
      %dma_start3A_307 = arith.constant 0 : i32
      %dma_start3A_308 = tpu.memref_slice %arg9[%dma_start3A_305, %dma_start3A_306, %dma_start3A_307] : memref<2x512x8xf32, #tpu.memory_space<vmem>> -> memref<1x512x8xf32, #tpu.memory_space<vmem>>
      %dma_start3A_309 = tpu.memref_squeeze %dma_start3A_308 : memref<1x512x8xf32, #tpu.memory_space<vmem>> -> memref<512x8xf32, #tpu.memory_space<vmem>>
      %dma_start3A_310 = arith.constant 0 : i32
      %dma_start3A_311 = tpu.memref_slice %arg7[%dma_start3A_304, %dma_start3A_310] : memref<4x512xi32, #tpu.memory_space<vmem>> -> memref<1x512xi32, #tpu.memory_space<vmem>>
      %dma_start3A_312 = tpu.memref_squeeze %dma_start3A_311 : memref<1x512xi32, #tpu.memory_space<vmem>> -> memref<512xi32, #tpu.memory_space<vmem>>
      %dma_start3A_313 = arith.constant 0 : i32
      %dma_start3A_314 = arith.constant 0 : i32
      %dma_start3A_315 = tpu.memref_slice %arg2[%dma_start3A_313, %dma_start3A_314] : memref<100352x8xf32, #tpu.memory_space<hbm>> -> memref<100352x8xf32, #tpu.memory_space<hbm>>
      tpu.enqueue_indirect_dma source(%dma_start3A_315 : memref<100352x8xf32, #tpu.memory_space<hbm>>) target(%dma_start3A_309 : memref<512x8xf32, #tpu.memory_space<vmem>>) offsets(%dma_start3A_312 : memref<512xi32, #tpu.memory_space<vmem>>) semaphore(%arg11 : memref<!tpu.dma_semaphore, #tpu.memory_space<semaphore_mem>>)
      %dma_wait3A_316 = arith.constant 1 : i32
      %dma_wait3A_317 = arith.constant 1 : i32
      %dma_wait3A_318 = arith.constant 0 : i32
      %dma_wait3A_319 = arith.constant 0 : i32
      %dma_wait3A_320 = tpu.memref_slice %arg9[%dma_wait3A_316, %dma_wait3A_318, %dma_wait3A_319] : memref<2x512x8xf32, #tpu.memory_space<vmem>> -> memref<1x512x8xf32, #tpu.memory_space<vmem>>
      %dma_wait3A_321 = tpu.memref_squeeze %dma_wait3A_320 : memref<1x512x8xf32, #tpu.memory_space<vmem>> -> memref<512x8xf32, #tpu.memory_space<vmem>>
      %dma_wait3A_322 = arith.constant 0 : i32
      %dma_wait3A_323 = tpu.memref_slice %arg8[%dma_wait3A_317, %dma_wait3A_322] : memref<4x512xi32, #tpu.memory_space<vmem>> -> memref<1x512xi32, #tpu.memory_space<vmem>>
      %dma_wait3A_324 = tpu.memref_squeeze %dma_wait3A_323 : memref<1x512xi32, #tpu.memory_space<vmem>> -> memref<512xi32, #tpu.memory_space<vmem>>
      %dma_wait3A_325 = arith.constant 0 : i32
      %dma_wait3A_326 = arith.constant 0 : i32
      %dma_wait3A_327 = tpu.memref_slice %arg10[%dma_wait3A_325, %dma_wait3A_326] : memref<100352x8xf32, #tpu.memory_space<vmem_shared>> -> memref<100352x8xf32, #tpu.memory_space<vmem_shared>>
      tpu.wait_indirect_dma semaphore(%arg14 : memref<!tpu.dma_semaphore, #tpu.memory_space<semaphore_mem>>) src(%dma_wait3A_321 : memref<512x8xf32, #tpu.memory_space<vmem>>) dst(%dma_wait3A_327 : memref<100352x8xf32, #tpu.memory_space<vmem_shared>>)
      %lt3A_328 = arith.constant 98 : i32
      %lt3A_329 = arith.cmpi slt, %scan3A_83, %lt3A_328 : i32
      %convert_element_type3A_330 = arith.extui %lt3A_329 : i1 to i32
      %cond3A_331 = arith.constant 0 : i32
      %cond3A_332 = arith.cmpi ne, %convert_element_type3A_330, %cond3A_331 : i32
      scf.if %cond3A_332 {
        %add3A_418 = arith.constant 5 : i32
        %add3A_419 = arith.addi %mul3A_85, %add3A_418 : i32
        %mul3A_420 = arith.constant 4 : i32
        %mul3A_421 = arith.muli %add3A_419, %mul3A_420 : i32
        %add3A_422 = arith.addi %mul3A_6, %mul3A_421 : i32
        %mul3A_423 = arith.constant 128 : i32
        %mul3A_424 = arith.muli %add3A_422, %mul3A_423 : i32
        %dma_start3A_425 = arith.constant 1 : i32
        %dma_start3A_426 = arith.constant 0 : i32
        %dma_start3A_427 = tpu.memref_slice %arg7[%dma_start3A_425, %dma_start3A_426] : memref<4x512xi32, #tpu.memory_space<vmem>> -> memref<1x512xi32, #tpu.memory_space<vmem>>
        %dma_start3A_428 = tpu.memref_squeeze %dma_start3A_427 : memref<1x512xi32, #tpu.memory_space<vmem>> -> memref<512xi32, #tpu.memory_space<vmem>>
        %dma_start3A_429 = tpu.memref_slice %arg3[%mul3A_424] : memref<6488064xi32, #tpu.memory_space<hbm>> -> memref<512xi32, #tpu.memory_space<hbm>>
        %dma_start3A_430 = arith.constant 0 : i32
        %dma_start3A_431 = tpu.memref_slice %arg7[%dma_start3A_425, %dma_start3A_430] : memref<4x512xi32, #tpu.memory_space<vmem>> -> memref<1x512xi32, #tpu.memory_space<vmem>>
        %dma_start3A_432 = tpu.memref_squeeze %dma_start3A_431 : memref<1x512xi32, #tpu.memory_space<vmem>> -> memref<512xi32, #tpu.memory_space<vmem>>
        %dma_start3A_433 = tpu.memref_slice %arg3[%mul3A_424] : memref<6488064xi32, #tpu.memory_space<hbm>> -> memref<512xi32, #tpu.memory_space<hbm>>
        tpu.enqueue_dma source(%dma_start3A_433 : memref<512xi32, #tpu.memory_space<hbm>>) target(%dma_start3A_432 : memref<512xi32, #tpu.memory_space<vmem>>) target_semaphore(%arg16 : memref<!tpu.dma_semaphore, #tpu.memory_space<semaphore_mem>>)
        %dma_start3A_434 = arith.constant 1 : i32
        %dma_start3A_435 = arith.constant 0 : i32
        %dma_start3A_436 = tpu.memref_slice %arg8[%dma_start3A_434, %dma_start3A_435] : memref<4x512xi32, #tpu.memory_space<vmem>> -> memref<1x512xi32, #tpu.memory_space<vmem>>
        %dma_start3A_437 = tpu.memref_squeeze %dma_start3A_436 : memref<1x512xi32, #tpu.memory_space<vmem>> -> memref<512xi32, #tpu.memory_space<vmem>>
        %dma_start3A_438 = tpu.memref_slice %arg4[%mul3A_424] : memref<6488064xi32, #tpu.memory_space<hbm>> -> memref<512xi32, #tpu.memory_space<hbm>>
        %dma_start3A_439 = arith.constant 0 : i32
        %dma_start3A_440 = tpu.memref_slice %arg8[%dma_start3A_434, %dma_start3A_439] : memref<4x512xi32, #tpu.memory_space<vmem>> -> memref<1x512xi32, #tpu.memory_space<vmem>>
        %dma_start3A_441 = tpu.memref_squeeze %dma_start3A_440 : memref<1x512xi32, #tpu.memory_space<vmem>> -> memref<512xi32, #tpu.memory_space<vmem>>
        %dma_start3A_442 = tpu.memref_slice %arg4[%mul3A_424] : memref<6488064xi32, #tpu.memory_space<hbm>> -> memref<512xi32, #tpu.memory_space<hbm>>
        tpu.enqueue_dma source(%dma_start3A_442 : memref<512xi32, #tpu.memory_space<hbm>>) target(%dma_start3A_441 : memref<512xi32, #tpu.memory_space<vmem>>) target_semaphore(%arg16 : memref<!tpu.dma_semaphore, #tpu.memory_space<semaphore_mem>>)
      } else {
      }
      %add3A_333 = arith.constant 3 : i32
      %add3A_334 = arith.addi %mul3A_85, %add3A_333 : i32
      %mul3A_335 = arith.constant 4 : i32
      %mul3A_336 = arith.muli %add3A_334, %mul3A_335 : i32
      %add3A_337 = arith.addi %mul3A_6, %mul3A_336 : i32
      %mul3A_338 = arith.constant 128 : i32
      %mul3A_339 = arith.muli %add3A_337, %mul3A_338 : i32
      %dma_wait3A_340 = arith.constant 3 : i32
      %dma_wait3A_341 = arith.constant 0 : i32
      %dma_wait3A_342 = tpu.memref_slice %arg7[%dma_wait3A_340, %dma_wait3A_341] : memref<4x512xi32, #tpu.memory_space<vmem>> -> memref<1x512xi32, #tpu.memory_space<vmem>>
      %dma_wait3A_343 = tpu.memref_squeeze %dma_wait3A_342 : memref<1x512xi32, #tpu.memory_space<vmem>> -> memref<512xi32, #tpu.memory_space<vmem>>
      %dma_wait3A_344 = tpu.memref_slice %arg3[%mul3A_339] : memref<6488064xi32, #tpu.memory_space<hbm>> -> memref<512xi32, #tpu.memory_space<hbm>>
      %dma_wait3A_345 = arith.constant 0 : i32
      %dma_wait3A_346 = tpu.memref_slice %arg7[%dma_wait3A_340, %dma_wait3A_345] : memref<4x512xi32, #tpu.memory_space<vmem>> -> memref<1x512xi32, #tpu.memory_space<vmem>>
      %dma_wait3A_347 = tpu.memref_squeeze %dma_wait3A_346 : memref<1x512xi32, #tpu.memory_space<vmem>> -> memref<512xi32, #tpu.memory_space<vmem>>
      %dma_wait3A_348 = tpu.memref_slice %arg3[%mul3A_339] : memref<6488064xi32, #tpu.memory_space<hbm>> -> memref<512xi32, #tpu.memory_space<hbm>>
      tpu.wait_dma2 semaphore(%arg18 : memref<!tpu.dma_semaphore, #tpu.memory_space<semaphore_mem>>) src(%dma_wait3A_348 : memref<512xi32, #tpu.memory_space<hbm>>) dst(%dma_wait3A_347 : memref<512xi32, #tpu.memory_space<vmem>>)
      %dma_wait3A_349 = arith.constant 3 : i32
      %dma_wait3A_350 = arith.constant 0 : i32
      %dma_wait3A_351 = tpu.memref_slice %arg8[%dma_wait3A_349, %dma_wait3A_350] : memref<4x512xi32, #tpu.memory_space<vmem>> -> memref<1x512xi32, #tpu.memory_space<vmem>>
      %dma_wait3A_352 = tpu.memref_squeeze %dma_wait3A_351 : memref<1x512xi32, #tpu.memory_space<vmem>> -> memref<512xi32, #tpu.memory_space<vmem>>
      %dma_wait3A_353 = tpu.memref_slice %arg4[%mul3A_339] : memref<6488064xi32, #tpu.memory_space<hbm>> -> memref<512xi32, #tpu.memory_space<hbm>>
      %dma_wait3A_354 = arith.constant 0 : i32
      %dma_wait3A_355 = tpu.memref_slice %arg8[%dma_wait3A_349, %dma_wait3A_354] : memref<4x512xi32, #tpu.memory_space<vmem>> -> memref<1x512xi32, #tpu.memory_space<vmem>>
      %dma_wait3A_356 = tpu.memref_squeeze %dma_wait3A_355 : memref<1x512xi32, #tpu.memory_space<vmem>> -> memref<512xi32, #tpu.memory_space<vmem>>
      %dma_wait3A_357 = tpu.memref_slice %arg4[%mul3A_339] : memref<6488064xi32, #tpu.memory_space<hbm>> -> memref<512xi32, #tpu.memory_space<hbm>>
      tpu.wait_dma2 semaphore(%arg18 : memref<!tpu.dma_semaphore, #tpu.memory_space<semaphore_mem>>) src(%dma_wait3A_357 : memref<512xi32, #tpu.memory_space<hbm>>) dst(%dma_wait3A_356 : memref<512xi32, #tpu.memory_space<vmem>>)
      %dma_start3A_358 = arith.constant 3 : i32
      %dma_start3A_359 = arith.constant 1 : i32
      %dma_start3A_360 = arith.constant 0 : i32
      %dma_start3A_361 = arith.constant 0 : i32
      %dma_start3A_362 = tpu.memref_slice %arg9[%dma_start3A_359, %dma_start3A_360, %dma_start3A_361] : memref<2x512x8xf32, #tpu.memory_space<vmem>> -> memref<1x512x8xf32, #tpu.memory_space<vmem>>
      %dma_start3A_363 = tpu.memref_squeeze %dma_start3A_362 : memref<1x512x8xf32, #tpu.memory_space<vmem>> -> memref<512x8xf32, #tpu.memory_space<vmem>>
      %dma_start3A_364 = arith.constant 0 : i32
      %dma_start3A_365 = tpu.memref_slice %arg7[%dma_start3A_358, %dma_start3A_364] : memref<4x512xi32, #tpu.memory_space<vmem>> -> memref<1x512xi32, #tpu.memory_space<vmem>>
      %dma_start3A_366 = tpu.memref_squeeze %dma_start3A_365 : memref<1x512xi32, #tpu.memory_space<vmem>> -> memref<512xi32, #tpu.memory_space<vmem>>
      %dma_start3A_367 = arith.constant 0 : i32
      %dma_start3A_368 = arith.constant 0 : i32
      %dma_start3A_369 = tpu.memref_slice %arg2[%dma_start3A_367, %dma_start3A_368] : memref<100352x8xf32, #tpu.memory_space<hbm>> -> memref<100352x8xf32, #tpu.memory_space<hbm>>
      tpu.enqueue_indirect_dma source(%dma_start3A_369 : memref<100352x8xf32, #tpu.memory_space<hbm>>) target(%dma_start3A_363 : memref<512x8xf32, #tpu.memory_space<vmem>>) offsets(%dma_start3A_366 : memref<512xi32, #tpu.memory_space<vmem>>) semaphore(%arg12 : memref<!tpu.dma_semaphore, #tpu.memory_space<semaphore_mem>>)
      %dma_wait3A_370 = arith.constant 2 : i32
      %dma_wait3A_371 = arith.constant 0 : i32
      %dma_wait3A_372 = arith.constant 0 : i32
      %dma_wait3A_373 = arith.constant 0 : i32
      %dma_wait3A_374 = tpu.memref_slice %arg9[%dma_wait3A_371, %dma_wait3A_372, %dma_wait3A_373] : memref<2x512x8xf32, #tpu.memory_space<vmem>> -> memref<1x512x8xf32, #tpu.memory_space<vmem>>
      %dma_wait3A_375 = tpu.memref_squeeze %dma_wait3A_374 : memref<1x512x8xf32, #tpu.memory_space<vmem>> -> memref<512x8xf32, #tpu.memory_space<vmem>>
      %dma_wait3A_376 = arith.constant 0 : i32
      %dma_wait3A_377 = tpu.memref_slice %arg7[%dma_wait3A_370, %dma_wait3A_376] : memref<4x512xi32, #tpu.memory_space<vmem>> -> memref<1x512xi32, #tpu.memory_space<vmem>>
      %dma_wait3A_378 = tpu.memref_squeeze %dma_wait3A_377 : memref<1x512xi32, #tpu.memory_space<vmem>> -> memref<512xi32, #tpu.memory_space<vmem>>
      %dma_wait3A_379 = arith.constant 0 : i32
      %dma_wait3A_380 = arith.constant 0 : i32
      %dma_wait3A_381 = tpu.memref_slice %arg2[%dma_wait3A_379, %dma_wait3A_380] : memref<100352x8xf32, #tpu.memory_space<hbm>> -> memref<100352x8xf32, #tpu.memory_space<hbm>>
      tpu.wait_indirect_dma semaphore(%arg11 : memref<!tpu.dma_semaphore, #tpu.memory_space<semaphore_mem>>) src(%dma_wait3A_381 : memref<100352x8xf32, #tpu.memory_space<hbm>>) dst(%dma_wait3A_375 : memref<512x8xf32, #tpu.memory_space<vmem>>)
      %dma_start3A_382 = arith.constant 0 : i32
      %dma_start3A_383 = arith.constant 2 : i32
      %dma_start3A_384 = arith.constant 0 : i32
      %dma_start3A_385 = arith.constant 0 : i32
      %dma_start3A_386 = tpu.memref_slice %arg9[%dma_start3A_382, %dma_start3A_384, %dma_start3A_385] : memref<2x512x8xf32, #tpu.memory_space<vmem>> -> memref<1x512x8xf32, #tpu.memory_space<vmem>>
      %dma_start3A_387 = tpu.memref_squeeze %dma_start3A_386 : memref<1x512x8xf32, #tpu.memory_space<vmem>> -> memref<512x8xf32, #tpu.memory_space<vmem>>
      %dma_start3A_388 = arith.constant 0 : i32
      %dma_start3A_389 = tpu.memref_slice %arg8[%dma_start3A_383, %dma_start3A_388] : memref<4x512xi32, #tpu.memory_space<vmem>> -> memref<1x512xi32, #tpu.memory_space<vmem>>
      %dma_start3A_390 = tpu.memref_squeeze %dma_start3A_389 : memref<1x512xi32, #tpu.memory_space<vmem>> -> memref<512xi32, #tpu.memory_space<vmem>>
      %dma_start3A_391 = arith.constant 0 : i32
      %dma_start3A_392 = arith.constant 0 : i32
      %dma_start3A_393 = tpu.memref_slice %arg10[%dma_start3A_391, %dma_start3A_392] : memref<100352x8xf32, #tpu.memory_space<vmem_shared>> -> memref<100352x8xf32, #tpu.memory_space<vmem_shared>>
      tpu.enqueue_indirect_dma source(%dma_start3A_387 : memref<512x8xf32, #tpu.memory_space<vmem>>) target(%dma_start3A_393 : memref<100352x8xf32, #tpu.memory_space<vmem_shared>>) offsets(%dma_start3A_390 : memref<512xi32, #tpu.memory_space<vmem>>) semaphore(%arg13 : memref<!tpu.dma_semaphore, #tpu.memory_space<semaphore_mem>>) {add = true}
      %dma_wait3A_394 = arith.constant 3 : i32
      %dma_wait3A_395 = arith.constant 1 : i32
      %dma_wait3A_396 = arith.constant 0 : i32
      %dma_wait3A_397 = arith.constant 0 : i32
      %dma_wait3A_398 = tpu.memref_slice %arg9[%dma_wait3A_395, %dma_wait3A_396, %dma_wait3A_397] : memref<2x512x8xf32, #tpu.memory_space<vmem>> -> memref<1x512x8xf32, #tpu.memory_space<vmem>>
      %dma_wait3A_399 = tpu.memref_squeeze %dma_wait3A_398 : memref<1x512x8xf32, #tpu.memory_space<vmem>> -> memref<512x8xf32, #tpu.memory_space<vmem>>
      %dma_wait3A_400 = arith.constant 0 : i32
      %dma_wait3A_401 = tpu.memref_slice %arg7[%dma_wait3A_394, %dma_wait3A_400] : memref<4x512xi32, #tpu.memory_space<vmem>> -> memref<1x512xi32, #tpu.memory_space<vmem>>
      %dma_wait3A_402 = tpu.memref_squeeze %dma_wait3A_401 : memref<1x512xi32, #tpu.memory_space<vmem>> -> memref<512xi32, #tpu.memory_space<vmem>>
      %dma_wait3A_403 = arith.constant 0 : i32
      %dma_wait3A_404 = arith.constant 0 : i32
      %dma_wait3A_405 = tpu.memref_slice %arg2[%dma_wait3A_403, %dma_wait3A_404] : memref<100352x8xf32, #tpu.memory_space<hbm>> -> memref<100352x8xf32, #tpu.memory_space<hbm>>
      tpu.wait_indirect_dma semaphore(%arg12 : memref<!tpu.dma_semaphore, #tpu.memory_space<semaphore_mem>>) src(%dma_wait3A_405 : memref<100352x8xf32, #tpu.memory_space<hbm>>) dst(%dma_wait3A_399 : memref<512x8xf32, #tpu.memory_space<vmem>>)
      %dma_start3A_406 = arith.constant 1 : i32
      %dma_start3A_407 = arith.constant 3 : i32
      %dma_start3A_408 = arith.constant 0 : i32
      %dma_start3A_409 = arith.constant 0 : i32
      %dma_start3A_410 = tpu.memref_slice %arg9[%dma_start3A_406, %dma_start3A_408, %dma_start3A_409] : memref<2x512x8xf32, #tpu.memory_space<vmem>> -> memref<1x512x8xf32, #tpu.memory_space<vmem>>
      %dma_start3A_411 = tpu.memref_squeeze %dma_start3A_410 : memref<1x512x8xf32, #tpu.memory_space<vmem>> -> memref<512x8xf32, #tpu.memory_space<vmem>>
      %dma_start3A_412 = arith.constant 0 : i32
      %dma_start3A_413 = tpu.memref_slice %arg8[%dma_start3A_407, %dma_start3A_412] : memref<4x512xi32, #tpu.memory_space<vmem>> -> memref<1x512xi32, #tpu.memory_space<vmem>>
      %dma_start3A_414 = tpu.memref_squeeze %dma_start3A_413 : memref<1x512xi32, #tpu.memory_space<vmem>> -> memref<512xi32, #tpu.memory_space<vmem>>
      %dma_start3A_415 = arith.constant 0 : i32
      %dma_start3A_416 = arith.constant 0 : i32
      %dma_start3A_417 = tpu.memref_slice %arg10[%dma_start3A_415, %dma_start3A_416] : memref<100352x8xf32, #tpu.memory_space<vmem_shared>> -> memref<100352x8xf32, #tpu.memory_space<vmem_shared>>
      tpu.enqueue_indirect_dma source(%dma_start3A_411 : memref<512x8xf32, #tpu.memory_space<vmem>>) target(%dma_start3A_417 : memref<100352x8xf32, #tpu.memory_space<vmem_shared>>) offsets(%dma_start3A_414 : memref<512xi32, #tpu.memory_space<vmem>>) semaphore(%arg14 : memref<!tpu.dma_semaphore, #tpu.memory_space<semaphore_mem>>) {add = true}
    }
    %scan3A_54 = arith.constant 99 : i32
    %dma_wait3A = arith.constant 0 : i32
    %dma_wait3A_55 = arith.constant 2 : i32
    %dma_wait3A_56 = arith.constant 0 : i32
    %dma_wait3A_57 = arith.constant 0 : i32
    %dma_wait3A_58 = tpu.memref_slice %arg9[%dma_wait3A, %dma_wait3A_56, %dma_wait3A_57] : memref<2x512x8xf32, #tpu.memory_space<vmem>> -> memref<1x512x8xf32, #tpu.memory_space<vmem>>
    %dma_wait3A_59 = tpu.memref_squeeze %dma_wait3A_58 : memref<1x512x8xf32, #tpu.memory_space<vmem>> -> memref<512x8xf32, #tpu.memory_space<vmem>>
    %dma_wait3A_60 = arith.constant 0 : i32
    %dma_wait3A_61 = tpu.memref_slice %arg8[%dma_wait3A_55, %dma_wait3A_60] : memref<4x512xi32, #tpu.memory_space<vmem>> -> memref<1x512xi32, #tpu.memory_space<vmem>>
    %dma_wait3A_62 = tpu.memref_squeeze %dma_wait3A_61 : memref<1x512xi32, #tpu.memory_space<vmem>> -> memref<512xi32, #tpu.memory_space<vmem>>
    %dma_wait3A_63 = arith.constant 0 : i32
    %dma_wait3A_64 = arith.constant 0 : i32
    %dma_wait3A_65 = tpu.memref_slice %arg10[%dma_wait3A_63, %dma_wait3A_64] : memref<100352x8xf32, #tpu.memory_space<vmem_shared>> -> memref<100352x8xf32, #tpu.memory_space<vmem_shared>>
    tpu.wait_indirect_dma semaphore(%arg13 : memref<!tpu.dma_semaphore, #tpu.memory_space<semaphore_mem>>) src(%dma_wait3A_59 : memref<512x8xf32, #tpu.memory_space<vmem>>) dst(%dma_wait3A_65 : memref<100352x8xf32, #tpu.memory_space<vmem_shared>>)
    %dma_wait3A_66 = arith.constant 1 : i32
    %dma_wait3A_67 = arith.constant 3 : i32
    %dma_wait3A_68 = arith.constant 0 : i32
    %dma_wait3A_69 = arith.constant 0 : i32
    %dma_wait3A_70 = tpu.memref_slice %arg9[%dma_wait3A_66, %dma_wait3A_68, %dma_wait3A_69] : memref<2x512x8xf32, #tpu.memory_space<vmem>> -> memref<1x512x8xf32, #tpu.memory_space<vmem>>
    %dma_wait3A_71 = tpu.memref_squeeze %dma_wait3A_70 : memref<1x512x8xf32, #tpu.memory_space<vmem>> -> memref<512x8xf32, #tpu.memory_space<vmem>>
    %dma_wait3A_72 = arith.constant 0 : i32
    %dma_wait3A_73 = tpu.memref_slice %arg8[%dma_wait3A_67, %dma_wait3A_72] : memref<4x512xi32, #tpu.memory_space<vmem>> -> memref<1x512xi32, #tpu.memory_space<vmem>>
    %dma_wait3A_74 = tpu.memref_squeeze %dma_wait3A_73 : memref<1x512xi32, #tpu.memory_space<vmem>> -> memref<512xi32, #tpu.memory_space<vmem>>
    %dma_wait3A_75 = arith.constant 0 : i32
    %dma_wait3A_76 = arith.constant 0 : i32
    %dma_wait3A_77 = tpu.memref_slice %arg10[%dma_wait3A_75, %dma_wait3A_76] : memref<100352x8xf32, #tpu.memory_space<vmem_shared>> -> memref<100352x8xf32, #tpu.memory_space<vmem_shared>>
    tpu.wait_indirect_dma semaphore(%arg14 : memref<!tpu.dma_semaphore, #tpu.memory_space<semaphore_mem>>) src(%dma_wait3A_71 : memref<512x8xf32, #tpu.memory_space<vmem>>) dst(%dma_wait3A_77 : memref<100352x8xf32, #tpu.memory_space<vmem_shared>>)
    %barrier3A_78 = arith.constant 0 : index
    tpu.barrier barrier_id(%barrier3A_78)
    %mul3A_79 = arith.constant 6272 : i32
    %mul3A_80 = arith.muli %arg1, %mul3A_79 : i32
    %mul3A_81 = arith.constant 6272 : i32
    %mul3A_82 = arith.muli %arg1, %mul3A_81 : i32
    "tpu.region"() ({
      %run_scoped3A = tpu.sem_alloc : memref<!tpu.dma_semaphore, #tpu.memory_space<semaphore_mem>>
      %dma_start3A_83 = arith.constant 0 : i32
      %dma_start3A_84 = tpu.memref_slice %arg6[%arg0, %mul3A_82, %dma_start3A_83] : memref<2x100352x8xf32, #tpu.memory_space<hbm>> -> memref<1x6272x8xf32, #tpu.memory_space<hbm>>
      %dma_start3A_85 = tpu.memref_squeeze %dma_start3A_84 : memref<1x6272x8xf32, #tpu.memory_space<hbm>> -> memref<6272x8xf32, #tpu.memory_space<hbm>>
      %dma_start3A_86 = arith.constant 0 : i32
      %dma_start3A_87 = tpu.memref_slice %arg10[%mul3A_80, %dma_start3A_86] : memref<100352x8xf32, #tpu.memory_space<vmem_shared>> -> memref<6272x8xf32, #tpu.memory_space<vmem_shared>>
      tpu.enqueue_dma source(%dma_start3A_87 : memref<6272x8xf32, #tpu.memory_space<vmem_shared>>) target(%dma_start3A_85 : memref<6272x8xf32, #tpu.memory_space<hbm>>) target_semaphore(%run_scoped3A : memref<!tpu.dma_semaphore, #tpu.memory_space<semaphore_mem>>)
      %dma_wait3A_88 = arith.constant 0 : i32
      %dma_wait3A_89 = tpu.memref_slice %arg6[%arg0, %mul3A_82, %dma_wait3A_88] : memref<2x100352x8xf32, #tpu.memory_space<hbm>> -> memref<1x6272x8xf32, #tpu.memory_space<hbm>>
      %dma_wait3A_90 = tpu.memref_squeeze %dma_wait3A_89 : memref<1x6272x8xf32, #tpu.memory_space<hbm>> -> memref<6272x8xf32, #tpu.memory_space<hbm>>
      %dma_wait3A_91 = arith.constant 0 : i32
      %dma_wait3A_92 = tpu.memref_slice %arg10[%mul3A_80, %dma_wait3A_91] : memref<100352x8xf32, #tpu.memory_space<vmem_shared>> -> memref<6272x8xf32, #tpu.memory_space<vmem_shared>>
      tpu.wait_dma2 semaphore(%run_scoped3A : memref<!tpu.dma_semaphore, #tpu.memory_space<semaphore_mem>>) src(%dma_wait3A_92 : memref<6272x8xf32, #tpu.memory_space<vmem_shared>>) dst(%dma_wait3A_90 : memref<6272x8xf32, #tpu.memory_space<hbm>>)
      tpu.yield
    }) : () -> ()
    return
  }
}

#map = affine_map<(d0, d1) -> (0, 0)>
#map1 = affine_map<(d0, d1) -> (0)>
#map2 = affine_map<(d0, d1) -> (0, 0, 0)>
module attributes {stable_mosaic.version = 14 : i64} {
  func.func @_edge_pass_body(%arg0: i32, %arg1: i32, %arg2: memref<100352x16xf32, #tpu.memory_space<hbm>>, %arg3: memref<6488064xi32, #tpu.memory_space<hbm>>, %arg4: memref<6488064xi32, #tpu.memory_space<hbm>>, %arg5: memref<100352x16xf32, #tpu.memory_space<hbm>>, %arg6: memref<2x100352x16xf32, #tpu.memory_space<hbm>>, %arg7: memref<4x512xi32, #tpu.memory_space<vmem>>, %arg8: memref<4x512xi32, #tpu.memory_space<vmem>>, %arg9: memref<2x512x16xf32, #tpu.memory_space<vmem>>, %arg10: memref<100352x16xf32, #tpu.memory_space<vmem_shared>>, %arg11: memref<!tpu.dma_semaphore, #tpu.memory_space<semaphore_mem>>, %arg12: memref<!tpu.dma_semaphore, #tpu.memory_space<semaphore_mem>>, %arg13: memref<!tpu.dma_semaphore, #tpu.memory_space<semaphore_mem>>, %arg14: memref<!tpu.dma_semaphore, #tpu.memory_space<semaphore_mem>>, %arg15: memref<!tpu.dma_semaphore, #tpu.memory_space<semaphore_mem>>, %arg16: memref<!tpu.dma_semaphore, #tpu.memory_space<semaphore_mem>>, %arg17: memref<!tpu.dma_semaphore, #tpu.memory_space<semaphore_mem>>, %arg18: memref<!tpu.dma_semaphore, #tpu.memory_space<semaphore_mem>>) attributes {dimension_semantics = [#tpu.dimension_semantics<core_parallel>, #tpu.dimension_semantics<subcore_parallel>], iteration_bounds = array<i64: 2, 16>, scalar_prefetch = 0 : i64, scratch_operands = 12 : i64, tpu.core_type = #tpu.core_type<sc_vector_subcore>, window_params = [{transform_indices = #map}, {transform_indices = #map1}, {transform_indices = #map1}, {transform_indices = #map}, {transform_indices = #map2}]} {
    %mul3A = arith.constant 2 : i32
    %mul3A_0 = arith.muli %arg1, %mul3A : i32
    %add3A = arith.addi %mul3A_0, %arg0 : i32
    %mul3A_1 = arith.constant 6272 : i32
    %mul3A_2 = arith.muli %arg1, %mul3A_1 : i32
    %mul3A_3 = arith.constant 6272 : i32
    %mul3A_4 = arith.muli %arg1, %mul3A_3 : i32
    "tpu.region"() ({
      %run_scoped3A = tpu.sem_alloc : memref<!tpu.dma_semaphore, #tpu.memory_space<semaphore_mem>>
      %dma_start3A_83 = arith.constant 0 : i32
      %dma_start3A_84 = tpu.memref_slice %arg10[%mul3A_4, %dma_start3A_83] : memref<100352x16xf32, #tpu.memory_space<vmem_shared>> -> memref<6272x16xf32, #tpu.memory_space<vmem_shared>>
      %dma_start3A_85 = arith.constant 0 : i32
      %dma_start3A_86 = tpu.memref_slice %arg5[%mul3A_2, %dma_start3A_85] : memref<100352x16xf32, #tpu.memory_space<hbm>> -> memref<6272x16xf32, #tpu.memory_space<hbm>>
      tpu.enqueue_dma source(%dma_start3A_86 : memref<6272x16xf32, #tpu.memory_space<hbm>>) target(%dma_start3A_84 : memref<6272x16xf32, #tpu.memory_space<vmem_shared>>) target_semaphore(%run_scoped3A : memref<!tpu.dma_semaphore, #tpu.memory_space<semaphore_mem>>)
      %dma_wait3A_87 = arith.constant 0 : i32
      %dma_wait3A_88 = tpu.memref_slice %arg10[%mul3A_4, %dma_wait3A_87] : memref<100352x16xf32, #tpu.memory_space<vmem_shared>> -> memref<6272x16xf32, #tpu.memory_space<vmem_shared>>
      %dma_wait3A_89 = arith.constant 0 : i32
      %dma_wait3A_90 = tpu.memref_slice %arg5[%mul3A_2, %dma_wait3A_89] : memref<100352x16xf32, #tpu.memory_space<hbm>> -> memref<6272x16xf32, #tpu.memory_space<hbm>>
      tpu.wait_dma2 semaphore(%run_scoped3A : memref<!tpu.dma_semaphore, #tpu.memory_space<semaphore_mem>>) src(%dma_wait3A_90 : memref<6272x16xf32, #tpu.memory_space<hbm>>) dst(%dma_wait3A_88 : memref<6272x16xf32, #tpu.memory_space<vmem_shared>>)
      tpu.yield
    }) : () -> ()
    %barrier3A = arith.constant 0 : index
    tpu.barrier barrier_id(%barrier3A)
    %mul3A_5 = arith.constant 1584 : i32
    %mul3A_6 = arith.muli %add3A, %mul3A_5 : i32
    %add3A_7 = arith.constant 0 : i32
    %add3A_8 = arith.addi %mul3A_6, %add3A_7 : i32
    %mul3A_9 = arith.constant 128 : i32
    %mul3A_10 = arith.muli %add3A_8, %mul3A_9 : i32
    %dma_start3A = arith.constant 0 : i32
    %dma_start3A_11 = arith.constant 0 : i32
    %dma_start3A_12 = tpu.memref_slice %arg7[%dma_start3A, %dma_start3A_11] : memref<4x512xi32, #tpu.memory_space<vmem>> -> memref<1x512xi32, #tpu.memory_space<vmem>>
    %dma_start3A_13 = tpu.memref_squeeze %dma_start3A_12 : memref<1x512xi32, #tpu.memory_space<vmem>> -> memref<512xi32, #tpu.memory_space<vmem>>
    %dma_start3A_14 = tpu.memref_slice %arg3[%mul3A_10] : memref<6488064xi32, #tpu.memory_space<hbm>> -> memref<512xi32, #tpu.memory_space<hbm>>
    %dma_start3A_15 = arith.constant 0 : i32
    %dma_start3A_16 = tpu.memref_slice %arg7[%dma_start3A, %dma_start3A_15] : memref<4x512xi32, #tpu.memory_space<vmem>> -> memref<1x512xi32, #tpu.memory_space<vmem>>
    %dma_start3A_17 = tpu.memref_squeeze %dma_start3A_16 : memref<1x512xi32, #tpu.memory_space<vmem>> -> memref<512xi32, #tpu.memory_space<vmem>>
    %dma_start3A_18 = tpu.memref_slice %arg3[%mul3A_10] : memref<6488064xi32, #tpu.memory_space<hbm>> -> memref<512xi32, #tpu.memory_space<hbm>>
    tpu.enqueue_dma source(%dma_start3A_18 : memref<512xi32, #tpu.memory_space<hbm>>) target(%dma_start3A_17 : memref<512xi32, #tpu.memory_space<vmem>>) target_semaphore(%arg15 : memref<!tpu.dma_semaphore, #tpu.memory_space<semaphore_mem>>)
    %dma_start3A_19 = arith.constant 0 : i32
    %dma_start3A_20 = arith.constant 0 : i32
    %dma_start3A_21 = tpu.memref_slice %arg8[%dma_start3A_19, %dma_start3A_20] : memref<4x512xi32, #tpu.memory_space<vmem>> -> memref<1x512xi32, #tpu.memory_space<vmem>>
    %dma_start3A_22 = tpu.memref_squeeze %dma_start3A_21 : memref<1x512xi32, #tpu.memory_space<vmem>> -> memref<512xi32, #tpu.memory_space<vmem>>
    %dma_start3A_23 = tpu.memref_slice %arg4[%mul3A_10] : memref<6488064xi32, #tpu.memory_space<hbm>> -> memref<512xi32, #tpu.memory_space<hbm>>
    %dma_start3A_24 = arith.constant 0 : i32
    %dma_start3A_25 = tpu.memref_slice %arg8[%dma_start3A_19, %dma_start3A_24] : memref<4x512xi32, #tpu.memory_space<vmem>> -> memref<1x512xi32, #tpu.memory_space<vmem>>
    %dma_start3A_26 = tpu.memref_squeeze %dma_start3A_25 : memref<1x512xi32, #tpu.memory_space<vmem>> -> memref<512xi32, #tpu.memory_space<vmem>>
    %dma_start3A_27 = tpu.memref_slice %arg4[%mul3A_10] : memref<6488064xi32, #tpu.memory_space<hbm>> -> memref<512xi32, #tpu.memory_space<hbm>>
    tpu.enqueue_dma source(%dma_start3A_27 : memref<512xi32, #tpu.memory_space<hbm>>) target(%dma_start3A_26 : memref<512xi32, #tpu.memory_space<vmem>>) target_semaphore(%arg15 : memref<!tpu.dma_semaphore, #tpu.memory_space<semaphore_mem>>)
    %add3A_28 = arith.constant 4 : i32
    %add3A_29 = arith.addi %mul3A_6, %add3A_28 : i32
    %mul3A_30 = arith.constant 128 : i32
    %mul3A_31 = arith.muli %add3A_29, %mul3A_30 : i32
    %dma_start3A_32 = arith.constant 1 : i32
    %dma_start3A_33 = arith.constant 0 : i32
    %dma_start3A_34 = tpu.memref_slice %arg7[%dma_start3A_32, %dma_start3A_33] : memref<4x512xi32, #tpu.memory_space<vmem>> -> memref<1x512xi32, #tpu.memory_space<vmem>>
    %dma_start3A_35 = tpu.memref_squeeze %dma_start3A_34 : memref<1x512xi32, #tpu.memory_space<vmem>> -> memref<512xi32, #tpu.memory_space<vmem>>
    %dma_start3A_36 = tpu.memref_slice %arg3[%mul3A_31] : memref<6488064xi32, #tpu.memory_space<hbm>> -> memref<512xi32, #tpu.memory_space<hbm>>
    %dma_start3A_37 = arith.constant 0 : i32
    %dma_start3A_38 = tpu.memref_slice %arg7[%dma_start3A_32, %dma_start3A_37] : memref<4x512xi32, #tpu.memory_space<vmem>> -> memref<1x512xi32, #tpu.memory_space<vmem>>
    %dma_start3A_39 = tpu.memref_squeeze %dma_start3A_38 : memref<1x512xi32, #tpu.memory_space<vmem>> -> memref<512xi32, #tpu.memory_space<vmem>>
    %dma_start3A_40 = tpu.memref_slice %arg3[%mul3A_31] : memref<6488064xi32, #tpu.memory_space<hbm>> -> memref<512xi32, #tpu.memory_space<hbm>>
    tpu.enqueue_dma source(%dma_start3A_40 : memref<512xi32, #tpu.memory_space<hbm>>) target(%dma_start3A_39 : memref<512xi32, #tpu.memory_space<vmem>>) target_semaphore(%arg16 : memref<!tpu.dma_semaphore, #tpu.memory_space<semaphore_mem>>)
    %dma_start3A_41 = arith.constant 1 : i32
    %dma_start3A_42 = arith.constant 0 : i32
    %dma_start3A_43 = tpu.memref_slice %arg8[%dma_start3A_41, %dma_start3A_42] : memref<4x512xi32, #tpu.memory_space<vmem>> -> memref<1x512xi32, #tpu.memory_space<vmem>>
    %dma_start3A_44 = tpu.memref_squeeze %dma_start3A_43 : memref<1x512xi32, #tpu.memory_space<vmem>> -> memref<512xi32, #tpu.memory_space<vmem>>
    %dma_start3A_45 = tpu.memref_slice %arg4[%mul3A_31] : memref<6488064xi32, #tpu.memory_space<hbm>> -> memref<512xi32, #tpu.memory_space<hbm>>
    %dma_start3A_46 = arith.constant 0 : i32
    %dma_start3A_47 = tpu.memref_slice %arg8[%dma_start3A_41, %dma_start3A_46] : memref<4x512xi32, #tpu.memory_space<vmem>> -> memref<1x512xi32, #tpu.memory_space<vmem>>
    %dma_start3A_48 = tpu.memref_squeeze %dma_start3A_47 : memref<1x512xi32, #tpu.memory_space<vmem>> -> memref<512xi32, #tpu.memory_space<vmem>>
    %dma_start3A_49 = tpu.memref_slice %arg4[%mul3A_31] : memref<6488064xi32, #tpu.memory_space<hbm>> -> memref<512xi32, #tpu.memory_space<hbm>>
    tpu.enqueue_dma source(%dma_start3A_49 : memref<512xi32, #tpu.memory_space<hbm>>) target(%dma_start3A_48 : memref<512xi32, #tpu.memory_space<vmem>>) target_semaphore(%arg16 : memref<!tpu.dma_semaphore, #tpu.memory_space<semaphore_mem>>)
    %scan3A = arith.constant 0 : i32
    %scan3A_50 = arith.constant 0 : i32
    %scan3A_51 = arith.constant 99 : i32
    %scan3A_52 = arith.addi %scan3A_50, %scan3A_51 : i32
    %scan3A_53 = arith.constant 1 : i32
    scf.for %scan3A_83 = %scan3A_50 to %scan3A_52 step %scan3A_53  : i32 {
      %mul3A_84 = arith.constant 4 : i32
      %mul3A_85 = arith.muli %mul3A_84, %scan3A_83 : i32
      %gt3A = arith.constant 0 : i32
      %gt3A_86 = arith.cmpi sgt, %scan3A_83, %gt3A : i32
      %convert_element_type3A = arith.extui %gt3A_86 : i1 to i32
      %cond3A = arith.constant 0 : i32
      %cond3A_87 = arith.cmpi ne, %convert_element_type3A, %cond3A : i32
      scf.if %cond3A_87 {
        %dma_wait3A_418 = arith.constant 0 : i32
        %dma_wait3A_419 = arith.constant 2 : i32
        %dma_wait3A_420 = arith.constant 0 : i32
        %dma_wait3A_421 = arith.constant 0 : i32
        %dma_wait3A_422 = tpu.memref_slice %arg9[%dma_wait3A_418, %dma_wait3A_420, %dma_wait3A_421] : memref<2x512x16xf32, #tpu.memory_space<vmem>> -> memref<1x512x16xf32, #tpu.memory_space<vmem>>
        %dma_wait3A_423 = tpu.memref_squeeze %dma_wait3A_422 : memref<1x512x16xf32, #tpu.memory_space<vmem>> -> memref<512x16xf32, #tpu.memory_space<vmem>>
        %dma_wait3A_424 = arith.constant 0 : i32
        %dma_wait3A_425 = tpu.memref_slice %arg8[%dma_wait3A_419, %dma_wait3A_424] : memref<4x512xi32, #tpu.memory_space<vmem>> -> memref<1x512xi32, #tpu.memory_space<vmem>>
        %dma_wait3A_426 = tpu.memref_squeeze %dma_wait3A_425 : memref<1x512xi32, #tpu.memory_space<vmem>> -> memref<512xi32, #tpu.memory_space<vmem>>
        %dma_wait3A_427 = arith.constant 0 : i32
        %dma_wait3A_428 = arith.constant 0 : i32
        %dma_wait3A_429 = tpu.memref_slice %arg10[%dma_wait3A_427, %dma_wait3A_428] : memref<100352x16xf32, #tpu.memory_space<vmem_shared>> -> memref<100352x16xf32, #tpu.memory_space<vmem_shared>>
        tpu.wait_indirect_dma semaphore(%arg13 : memref<!tpu.dma_semaphore, #tpu.memory_space<semaphore_mem>>) src(%dma_wait3A_423 : memref<512x16xf32, #tpu.memory_space<vmem>>) dst(%dma_wait3A_429 : memref<100352x16xf32, #tpu.memory_space<vmem_shared>>)
      } else {
      }
      %add3A_88 = arith.constant 2 : i32
      %add3A_89 = arith.addi %mul3A_85, %add3A_88 : i32
      %mul3A_90 = arith.constant 4 : i32
      %mul3A_91 = arith.muli %add3A_89, %mul3A_90 : i32
      %add3A_92 = arith.addi %mul3A_6, %mul3A_91 : i32
      %mul3A_93 = arith.constant 128 : i32
      %mul3A_94 = arith.muli %add3A_92, %mul3A_93 : i32
      %dma_start3A_95 = arith.constant 2 : i32
      %dma_start3A_96 = arith.constant 0 : i32
      %dma_start3A_97 = tpu.memref_slice %arg7[%dma_start3A_95, %dma_start3A_96] : memref<4x512xi32, #tpu.memory_space<vmem>> -> memref<1x512xi32, #tpu.memory_space<vmem>>
      %dma_start3A_98 = tpu.memref_squeeze %dma_start3A_97 : memref<1x512xi32, #tpu.memory_space<vmem>> -> memref<512xi32, #tpu.memory_space<vmem>>
      %dma_start3A_99 = tpu.memref_slice %arg3[%mul3A_94] : memref<6488064xi32, #tpu.memory_space<hbm>> -> memref<512xi32, #tpu.memory_space<hbm>>
      %dma_start3A_100 = arith.constant 0 : i32
      %dma_start3A_101 = tpu.memref_slice %arg7[%dma_start3A_95, %dma_start3A_100] : memref<4x512xi32, #tpu.memory_space<vmem>> -> memref<1x512xi32, #tpu.memory_space<vmem>>
      %dma_start3A_102 = tpu.memref_squeeze %dma_start3A_101 : memref<1x512xi32, #tpu.memory_space<vmem>> -> memref<512xi32, #tpu.memory_space<vmem>>
      %dma_start3A_103 = tpu.memref_slice %arg3[%mul3A_94] : memref<6488064xi32, #tpu.memory_space<hbm>> -> memref<512xi32, #tpu.memory_space<hbm>>
      tpu.enqueue_dma source(%dma_start3A_103 : memref<512xi32, #tpu.memory_space<hbm>>) target(%dma_start3A_102 : memref<512xi32, #tpu.memory_space<vmem>>) target_semaphore(%arg17 : memref<!tpu.dma_semaphore, #tpu.memory_space<semaphore_mem>>)
      %dma_start3A_104 = arith.constant 2 : i32
      %dma_start3A_105 = arith.constant 0 : i32
      %dma_start3A_106 = tpu.memref_slice %arg8[%dma_start3A_104, %dma_start3A_105] : memref<4x512xi32, #tpu.memory_space<vmem>> -> memref<1x512xi32, #tpu.memory_space<vmem>>
      %dma_start3A_107 = tpu.memref_squeeze %dma_start3A_106 : memref<1x512xi32, #tpu.memory_space<vmem>> -> memref<512xi32, #tpu.memory_space<vmem>>
      %dma_start3A_108 = tpu.memref_slice %arg4[%mul3A_94] : memref<6488064xi32, #tpu.memory_space<hbm>> -> memref<512xi32, #tpu.memory_space<hbm>>
      %dma_start3A_109 = arith.constant 0 : i32
      %dma_start3A_110 = tpu.memref_slice %arg8[%dma_start3A_104, %dma_start3A_109] : memref<4x512xi32, #tpu.memory_space<vmem>> -> memref<1x512xi32, #tpu.memory_space<vmem>>
      %dma_start3A_111 = tpu.memref_squeeze %dma_start3A_110 : memref<1x512xi32, #tpu.memory_space<vmem>> -> memref<512xi32, #tpu.memory_space<vmem>>
      %dma_start3A_112 = tpu.memref_slice %arg4[%mul3A_94] : memref<6488064xi32, #tpu.memory_space<hbm>> -> memref<512xi32, #tpu.memory_space<hbm>>
      tpu.enqueue_dma source(%dma_start3A_112 : memref<512xi32, #tpu.memory_space<hbm>>) target(%dma_start3A_111 : memref<512xi32, #tpu.memory_space<vmem>>) target_semaphore(%arg17 : memref<!tpu.dma_semaphore, #tpu.memory_space<semaphore_mem>>)
      %mul3A_113 = arith.constant 4 : i32
      %mul3A_114 = arith.muli %mul3A_85, %mul3A_113 : i32
      %add3A_115 = arith.addi %mul3A_6, %mul3A_114 : i32
      %mul3A_116 = arith.constant 128 : i32
      %mul3A_117 = arith.muli %add3A_115, %mul3A_116 : i32
      %dma_wait3A_118 = arith.constant 0 : i32
      %dma_wait3A_119 = arith.constant 0 : i32
      %dma_wait3A_120 = tpu.memref_slice %arg7[%dma_wait3A_118, %dma_wait3A_119] : memref<4x512xi32, #tpu.memory_space<vmem>> -> memref<1x512xi32, #tpu.memory_space<vmem>>
      %dma_wait3A_121 = tpu.memref_squeeze %dma_wait3A_120 : memref<1x512xi32, #tpu.memory_space<vmem>> -> memref<512xi32, #tpu.memory_space<vmem>>
      %dma_wait3A_122 = tpu.memref_slice %arg3[%mul3A_117] : memref<6488064xi32, #tpu.memory_space<hbm>> -> memref<512xi32, #tpu.memory_space<hbm>>
      %dma_wait3A_123 = arith.constant 0 : i32
      %dma_wait3A_124 = tpu.memref_slice %arg7[%dma_wait3A_118, %dma_wait3A_123] : memref<4x512xi32, #tpu.memory_space<vmem>> -> memref<1x512xi32, #tpu.memory_space<vmem>>
      %dma_wait3A_125 = tpu.memref_squeeze %dma_wait3A_124 : memref<1x512xi32, #tpu.memory_space<vmem>> -> memref<512xi32, #tpu.memory_space<vmem>>
      %dma_wait3A_126 = tpu.memref_slice %arg3[%mul3A_117] : memref<6488064xi32, #tpu.memory_space<hbm>> -> memref<512xi32, #tpu.memory_space<hbm>>
      tpu.wait_dma2 semaphore(%arg15 : memref<!tpu.dma_semaphore, #tpu.memory_space<semaphore_mem>>) src(%dma_wait3A_126 : memref<512xi32, #tpu.memory_space<hbm>>) dst(%dma_wait3A_125 : memref<512xi32, #tpu.memory_space<vmem>>)
      %dma_wait3A_127 = arith.constant 0 : i32
      %dma_wait3A_128 = arith.constant 0 : i32
      %dma_wait3A_129 = tpu.memref_slice %arg8[%dma_wait3A_127, %dma_wait3A_128] : memref<4x512xi32, #tpu.memory_space<vmem>> -> memref<1x512xi32, #tpu.memory_space<vmem>>
      %dma_wait3A_130 = tpu.memref_squeeze %dma_wait3A_129 : memref<1x512xi32, #tpu.memory_space<vmem>> -> memref<512xi32, #tpu.memory_space<vmem>>
      %dma_wait3A_131 = tpu.memref_slice %arg4[%mul3A_117] : memref<6488064xi32, #tpu.memory_space<hbm>> -> memref<512xi32, #tpu.memory_space<hbm>>
      %dma_wait3A_132 = arith.constant 0 : i32
      %dma_wait3A_133 = tpu.memref_slice %arg8[%dma_wait3A_127, %dma_wait3A_132] : memref<4x512xi32, #tpu.memory_space<vmem>> -> memref<1x512xi32, #tpu.memory_space<vmem>>
      %dma_wait3A_134 = tpu.memref_squeeze %dma_wait3A_133 : memref<1x512xi32, #tpu.memory_space<vmem>> -> memref<512xi32, #tpu.memory_space<vmem>>
      %dma_wait3A_135 = tpu.memref_slice %arg4[%mul3A_117] : memref<6488064xi32, #tpu.memory_space<hbm>> -> memref<512xi32, #tpu.memory_space<hbm>>
      tpu.wait_dma2 semaphore(%arg15 : memref<!tpu.dma_semaphore, #tpu.memory_space<semaphore_mem>>) src(%dma_wait3A_135 : memref<512xi32, #tpu.memory_space<hbm>>) dst(%dma_wait3A_134 : memref<512xi32, #tpu.memory_space<vmem>>)
      %dma_start3A_136 = arith.constant 0 : i32
      %dma_start3A_137 = arith.constant 0 : i32
      %dma_start3A_138 = arith.constant 0 : i32
      %dma_start3A_139 = arith.constant 0 : i32
      %dma_start3A_140 = tpu.memref_slice %arg9[%dma_start3A_137, %dma_start3A_138, %dma_start3A_139] : memref<2x512x16xf32, #tpu.memory_space<vmem>> -> memref<1x512x16xf32, #tpu.memory_space<vmem>>
      %dma_start3A_141 = tpu.memref_squeeze %dma_start3A_140 : memref<1x512x16xf32, #tpu.memory_space<vmem>> -> memref<512x16xf32, #tpu.memory_space<vmem>>
      %dma_start3A_142 = arith.constant 0 : i32
      %dma_start3A_143 = tpu.memref_slice %arg7[%dma_start3A_136, %dma_start3A_142] : memref<4x512xi32, #tpu.memory_space<vmem>> -> memref<1x512xi32, #tpu.memory_space<vmem>>
      %dma_start3A_144 = tpu.memref_squeeze %dma_start3A_143 : memref<1x512xi32, #tpu.memory_space<vmem>> -> memref<512xi32, #tpu.memory_space<vmem>>
      %dma_start3A_145 = arith.constant 0 : i32
      %dma_start3A_146 = arith.constant 0 : i32
      %dma_start3A_147 = tpu.memref_slice %arg2[%dma_start3A_145, %dma_start3A_146] : memref<100352x16xf32, #tpu.memory_space<hbm>> -> memref<100352x16xf32, #tpu.memory_space<hbm>>
      tpu.enqueue_indirect_dma source(%dma_start3A_147 : memref<100352x16xf32, #tpu.memory_space<hbm>>) target(%dma_start3A_141 : memref<512x16xf32, #tpu.memory_space<vmem>>) offsets(%dma_start3A_144 : memref<512xi32, #tpu.memory_space<vmem>>) semaphore(%arg11 : memref<!tpu.dma_semaphore, #tpu.memory_space<semaphore_mem>>)
      %gt3A_148 = arith.constant 0 : i32
      %gt3A_149 = arith.cmpi sgt, %scan3A_83, %gt3A_148 : i32
      %convert_element_type3A_150 = arith.extui %gt3A_149 : i1 to i32
      %cond3A_151 = arith.constant 0 : i32
      %cond3A_152 = arith.cmpi ne, %convert_element_type3A_150, %cond3A_151 : i32
      scf.if %cond3A_152 {
        %dma_wait3A_418 = arith.constant 1 : i32
        %dma_wait3A_419 = arith.constant 3 : i32
        %dma_wait3A_420 = arith.constant 0 : i32
        %dma_wait3A_421 = arith.constant 0 : i32
        %dma_wait3A_422 = tpu.memref_slice %arg9[%dma_wait3A_418, %dma_wait3A_420, %dma_wait3A_421] : memref<2x512x16xf32, #tpu.memory_space<vmem>> -> memref<1x512x16xf32, #tpu.memory_space<vmem>>
        %dma_wait3A_423 = tpu.memref_squeeze %dma_wait3A_422 : memref<1x512x16xf32, #tpu.memory_space<vmem>> -> memref<512x16xf32, #tpu.memory_space<vmem>>
        %dma_wait3A_424 = arith.constant 0 : i32
        %dma_wait3A_425 = tpu.memref_slice %arg8[%dma_wait3A_419, %dma_wait3A_424] : memref<4x512xi32, #tpu.memory_space<vmem>> -> memref<1x512xi32, #tpu.memory_space<vmem>>
        %dma_wait3A_426 = tpu.memref_squeeze %dma_wait3A_425 : memref<1x512xi32, #tpu.memory_space<vmem>> -> memref<512xi32, #tpu.memory_space<vmem>>
        %dma_wait3A_427 = arith.constant 0 : i32
        %dma_wait3A_428 = arith.constant 0 : i32
        %dma_wait3A_429 = tpu.memref_slice %arg10[%dma_wait3A_427, %dma_wait3A_428] : memref<100352x16xf32, #tpu.memory_space<vmem_shared>> -> memref<100352x16xf32, #tpu.memory_space<vmem_shared>>
        tpu.wait_indirect_dma semaphore(%arg14 : memref<!tpu.dma_semaphore, #tpu.memory_space<semaphore_mem>>) src(%dma_wait3A_423 : memref<512x16xf32, #tpu.memory_space<vmem>>) dst(%dma_wait3A_429 : memref<100352x16xf32, #tpu.memory_space<vmem_shared>>)
      } else {
      }
      %add3A_153 = arith.constant 3 : i32
      %add3A_154 = arith.addi %mul3A_85, %add3A_153 : i32
      %mul3A_155 = arith.constant 4 : i32
      %mul3A_156 = arith.muli %add3A_154, %mul3A_155 : i32
      %add3A_157 = arith.addi %mul3A_6, %mul3A_156 : i32
      %mul3A_158 = arith.constant 128 : i32
      %mul3A_159 = arith.muli %add3A_157, %mul3A_158 : i32
      %dma_start3A_160 = arith.constant 3 : i32
      %dma_start3A_161 = arith.constant 0 : i32
      %dma_start3A_162 = tpu.memref_slice %arg7[%dma_start3A_160, %dma_start3A_161] : memref<4x512xi32, #tpu.memory_space<vmem>> -> memref<1x512xi32, #tpu.memory_space<vmem>>
      %dma_start3A_163 = tpu.memref_squeeze %dma_start3A_162 : memref<1x512xi32, #tpu.memory_space<vmem>> -> memref<512xi32, #tpu.memory_space<vmem>>
      %dma_start3A_164 = tpu.memref_slice %arg3[%mul3A_159] : memref<6488064xi32, #tpu.memory_space<hbm>> -> memref<512xi32, #tpu.memory_space<hbm>>
      %dma_start3A_165 = arith.constant 0 : i32
      %dma_start3A_166 = tpu.memref_slice %arg7[%dma_start3A_160, %dma_start3A_165] : memref<4x512xi32, #tpu.memory_space<vmem>> -> memref<1x512xi32, #tpu.memory_space<vmem>>
      %dma_start3A_167 = tpu.memref_squeeze %dma_start3A_166 : memref<1x512xi32, #tpu.memory_space<vmem>> -> memref<512xi32, #tpu.memory_space<vmem>>
      %dma_start3A_168 = tpu.memref_slice %arg3[%mul3A_159] : memref<6488064xi32, #tpu.memory_space<hbm>> -> memref<512xi32, #tpu.memory_space<hbm>>
      tpu.enqueue_dma source(%dma_start3A_168 : memref<512xi32, #tpu.memory_space<hbm>>) target(%dma_start3A_167 : memref<512xi32, #tpu.memory_space<vmem>>) target_semaphore(%arg18 : memref<!tpu.dma_semaphore, #tpu.memory_space<semaphore_mem>>)
      %dma_start3A_169 = arith.constant 3 : i32
      %dma_start3A_170 = arith.constant 0 : i32
      %dma_start3A_171 = tpu.memref_slice %arg8[%dma_start3A_169, %dma_start3A_170] : memref<4x512xi32, #tpu.memory_space<vmem>> -> memref<1x512xi32, #tpu.memory_space<vmem>>
      %dma_start3A_172 = tpu.memref_squeeze %dma_start3A_171 : memref<1x512xi32, #tpu.memory_space<vmem>> -> memref<512xi32, #tpu.memory_space<vmem>>
      %dma_start3A_173 = tpu.memref_slice %arg4[%mul3A_159] : memref<6488064xi32, #tpu.memory_space<hbm>> -> memref<512xi32, #tpu.memory_space<hbm>>
      %dma_start3A_174 = arith.constant 0 : i32
      %dma_start3A_175 = tpu.memref_slice %arg8[%dma_start3A_169, %dma_start3A_174] : memref<4x512xi32, #tpu.memory_space<vmem>> -> memref<1x512xi32, #tpu.memory_space<vmem>>
      %dma_start3A_176 = tpu.memref_squeeze %dma_start3A_175 : memref<1x512xi32, #tpu.memory_space<vmem>> -> memref<512xi32, #tpu.memory_space<vmem>>
      %dma_start3A_177 = tpu.memref_slice %arg4[%mul3A_159] : memref<6488064xi32, #tpu.memory_space<hbm>> -> memref<512xi32, #tpu.memory_space<hbm>>
      tpu.enqueue_dma source(%dma_start3A_177 : memref<512xi32, #tpu.memory_space<hbm>>) target(%dma_start3A_176 : memref<512xi32, #tpu.memory_space<vmem>>) target_semaphore(%arg18 : memref<!tpu.dma_semaphore, #tpu.memory_space<semaphore_mem>>)
      %add3A_178 = arith.constant 1 : i32
      %add3A_179 = arith.addi %mul3A_85, %add3A_178 : i32
      %mul3A_180 = arith.constant 4 : i32
      %mul3A_181 = arith.muli %add3A_179, %mul3A_180 : i32
      %add3A_182 = arith.addi %mul3A_6, %mul3A_181 : i32
      %mul3A_183 = arith.constant 128 : i32
      %mul3A_184 = arith.muli %add3A_182, %mul3A_183 : i32
      %dma_wait3A_185 = arith.constant 1 : i32
      %dma_wait3A_186 = arith.constant 0 : i32
      %dma_wait3A_187 = tpu.memref_slice %arg7[%dma_wait3A_185, %dma_wait3A_186] : memref<4x512xi32, #tpu.memory_space<vmem>> -> memref<1x512xi32, #tpu.memory_space<vmem>>
      %dma_wait3A_188 = tpu.memref_squeeze %dma_wait3A_187 : memref<1x512xi32, #tpu.memory_space<vmem>> -> memref<512xi32, #tpu.memory_space<vmem>>
      %dma_wait3A_189 = tpu.memref_slice %arg3[%mul3A_184] : memref<6488064xi32, #tpu.memory_space<hbm>> -> memref<512xi32, #tpu.memory_space<hbm>>
      %dma_wait3A_190 = arith.constant 0 : i32
      %dma_wait3A_191 = tpu.memref_slice %arg7[%dma_wait3A_185, %dma_wait3A_190] : memref<4x512xi32, #tpu.memory_space<vmem>> -> memref<1x512xi32, #tpu.memory_space<vmem>>
      %dma_wait3A_192 = tpu.memref_squeeze %dma_wait3A_191 : memref<1x512xi32, #tpu.memory_space<vmem>> -> memref<512xi32, #tpu.memory_space<vmem>>
      %dma_wait3A_193 = tpu.memref_slice %arg3[%mul3A_184] : memref<6488064xi32, #tpu.memory_space<hbm>> -> memref<512xi32, #tpu.memory_space<hbm>>
      tpu.wait_dma2 semaphore(%arg16 : memref<!tpu.dma_semaphore, #tpu.memory_space<semaphore_mem>>) src(%dma_wait3A_193 : memref<512xi32, #tpu.memory_space<hbm>>) dst(%dma_wait3A_192 : memref<512xi32, #tpu.memory_space<vmem>>)
      %dma_wait3A_194 = arith.constant 1 : i32
      %dma_wait3A_195 = arith.constant 0 : i32
      %dma_wait3A_196 = tpu.memref_slice %arg8[%dma_wait3A_194, %dma_wait3A_195] : memref<4x512xi32, #tpu.memory_space<vmem>> -> memref<1x512xi32, #tpu.memory_space<vmem>>
      %dma_wait3A_197 = tpu.memref_squeeze %dma_wait3A_196 : memref<1x512xi32, #tpu.memory_space<vmem>> -> memref<512xi32, #tpu.memory_space<vmem>>
      %dma_wait3A_198 = tpu.memref_slice %arg4[%mul3A_184] : memref<6488064xi32, #tpu.memory_space<hbm>> -> memref<512xi32, #tpu.memory_space<hbm>>
      %dma_wait3A_199 = arith.constant 0 : i32
      %dma_wait3A_200 = tpu.memref_slice %arg8[%dma_wait3A_194, %dma_wait3A_199] : memref<4x512xi32, #tpu.memory_space<vmem>> -> memref<1x512xi32, #tpu.memory_space<vmem>>
      %dma_wait3A_201 = tpu.memref_squeeze %dma_wait3A_200 : memref<1x512xi32, #tpu.memory_space<vmem>> -> memref<512xi32, #tpu.memory_space<vmem>>
      %dma_wait3A_202 = tpu.memref_slice %arg4[%mul3A_184] : memref<6488064xi32, #tpu.memory_space<hbm>> -> memref<512xi32, #tpu.memory_space<hbm>>
      tpu.wait_dma2 semaphore(%arg16 : memref<!tpu.dma_semaphore, #tpu.memory_space<semaphore_mem>>) src(%dma_wait3A_202 : memref<512xi32, #tpu.memory_space<hbm>>) dst(%dma_wait3A_201 : memref<512xi32, #tpu.memory_space<vmem>>)
      %dma_start3A_203 = arith.constant 1 : i32
      %dma_start3A_204 = arith.constant 1 : i32
      %dma_start3A_205 = arith.constant 0 : i32
      %dma_start3A_206 = arith.constant 0 : i32
      %dma_start3A_207 = tpu.memref_slice %arg9[%dma_start3A_204, %dma_start3A_205, %dma_start3A_206] : memref<2x512x16xf32, #tpu.memory_space<vmem>> -> memref<1x512x16xf32, #tpu.memory_space<vmem>>
      %dma_start3A_208 = tpu.memref_squeeze %dma_start3A_207 : memref<1x512x16xf32, #tpu.memory_space<vmem>> -> memref<512x16xf32, #tpu.memory_space<vmem>>
      %dma_start3A_209 = arith.constant 0 : i32
      %dma_start3A_210 = tpu.memref_slice %arg7[%dma_start3A_203, %dma_start3A_209] : memref<4x512xi32, #tpu.memory_space<vmem>> -> memref<1x512xi32, #tpu.memory_space<vmem>>
      %dma_start3A_211 = tpu.memref_squeeze %dma_start3A_210 : memref<1x512xi32, #tpu.memory_space<vmem>> -> memref<512xi32, #tpu.memory_space<vmem>>
      %dma_start3A_212 = arith.constant 0 : i32
      %dma_start3A_213 = arith.constant 0 : i32
      %dma_start3A_214 = tpu.memref_slice %arg2[%dma_start3A_212, %dma_start3A_213] : memref<100352x16xf32, #tpu.memory_space<hbm>> -> memref<100352x16xf32, #tpu.memory_space<hbm>>
      tpu.enqueue_indirect_dma source(%dma_start3A_214 : memref<100352x16xf32, #tpu.memory_space<hbm>>) target(%dma_start3A_208 : memref<512x16xf32, #tpu.memory_space<vmem>>) offsets(%dma_start3A_211 : memref<512xi32, #tpu.memory_space<vmem>>) semaphore(%arg12 : memref<!tpu.dma_semaphore, #tpu.memory_space<semaphore_mem>>)
      %dma_wait3A_215 = arith.constant 0 : i32
      %dma_wait3A_216 = arith.constant 0 : i32
      %dma_wait3A_217 = arith.constant 0 : i32
      %dma_wait3A_218 = arith.constant 0 : i32
      %dma_wait3A_219 = tpu.memref_slice %arg9[%dma_wait3A_216, %dma_wait3A_217, %dma_wait3A_218] : memref<2x512x16xf32, #tpu.memory_space<vmem>> -> memref<1x512x16xf32, #tpu.memory_space<vmem>>
      %dma_wait3A_220 = tpu.memref_squeeze %dma_wait3A_219 : memref<1x512x16xf32, #tpu.memory_space<vmem>> -> memref<512x16xf32, #tpu.memory_space<vmem>>
      %dma_wait3A_221 = arith.constant 0 : i32
      %dma_wait3A_222 = tpu.memref_slice %arg7[%dma_wait3A_215, %dma_wait3A_221] : memref<4x512xi32, #tpu.memory_space<vmem>> -> memref<1x512xi32, #tpu.memory_space<vmem>>
      %dma_wait3A_223 = tpu.memref_squeeze %dma_wait3A_222 : memref<1x512xi32, #tpu.memory_space<vmem>> -> memref<512xi32, #tpu.memory_space<vmem>>
      %dma_wait3A_224 = arith.constant 0 : i32
      %dma_wait3A_225 = arith.constant 0 : i32
      %dma_wait3A_226 = tpu.memref_slice %arg2[%dma_wait3A_224, %dma_wait3A_225] : memref<100352x16xf32, #tpu.memory_space<hbm>> -> memref<100352x16xf32, #tpu.memory_space<hbm>>
      tpu.wait_indirect_dma semaphore(%arg11 : memref<!tpu.dma_semaphore, #tpu.memory_space<semaphore_mem>>) src(%dma_wait3A_226 : memref<100352x16xf32, #tpu.memory_space<hbm>>) dst(%dma_wait3A_220 : memref<512x16xf32, #tpu.memory_space<vmem>>)
      %dma_start3A_227 = arith.constant 0 : i32
      %dma_start3A_228 = arith.constant 0 : i32
      %dma_start3A_229 = arith.constant 0 : i32
      %dma_start3A_230 = arith.constant 0 : i32
      %dma_start3A_231 = tpu.memref_slice %arg9[%dma_start3A_227, %dma_start3A_229, %dma_start3A_230] : memref<2x512x16xf32, #tpu.memory_space<vmem>> -> memref<1x512x16xf32, #tpu.memory_space<vmem>>
      %dma_start3A_232 = tpu.memref_squeeze %dma_start3A_231 : memref<1x512x16xf32, #tpu.memory_space<vmem>> -> memref<512x16xf32, #tpu.memory_space<vmem>>
      %dma_start3A_233 = arith.constant 0 : i32
      %dma_start3A_234 = tpu.memref_slice %arg8[%dma_start3A_228, %dma_start3A_233] : memref<4x512xi32, #tpu.memory_space<vmem>> -> memref<1x512xi32, #tpu.memory_space<vmem>>
      %dma_start3A_235 = tpu.memref_squeeze %dma_start3A_234 : memref<1x512xi32, #tpu.memory_space<vmem>> -> memref<512xi32, #tpu.memory_space<vmem>>
      %dma_start3A_236 = arith.constant 0 : i32
      %dma_start3A_237 = arith.constant 0 : i32
      %dma_start3A_238 = tpu.memref_slice %arg10[%dma_start3A_236, %dma_start3A_237] : memref<100352x16xf32, #tpu.memory_space<vmem_shared>> -> memref<100352x16xf32, #tpu.memory_space<vmem_shared>>
      tpu.enqueue_indirect_dma source(%dma_start3A_232 : memref<512x16xf32, #tpu.memory_space<vmem>>) target(%dma_start3A_238 : memref<100352x16xf32, #tpu.memory_space<vmem_shared>>) offsets(%dma_start3A_235 : memref<512xi32, #tpu.memory_space<vmem>>) semaphore(%arg13 : memref<!tpu.dma_semaphore, #tpu.memory_space<semaphore_mem>>) {add = true}
      %dma_wait3A_239 = arith.constant 1 : i32
      %dma_wait3A_240 = arith.constant 1 : i32
      %dma_wait3A_241 = arith.constant 0 : i32
      %dma_wait3A_242 = arith.constant 0 : i32
      %dma_wait3A_243 = tpu.memref_slice %arg9[%dma_wait3A_240, %dma_wait3A_241, %dma_wait3A_242] : memref<2x512x16xf32, #tpu.memory_space<vmem>> -> memref<1x512x16xf32, #tpu.memory_space<vmem>>
      %dma_wait3A_244 = tpu.memref_squeeze %dma_wait3A_243 : memref<1x512x16xf32, #tpu.memory_space<vmem>> -> memref<512x16xf32, #tpu.memory_space<vmem>>
      %dma_wait3A_245 = arith.constant 0 : i32
      %dma_wait3A_246 = tpu.memref_slice %arg7[%dma_wait3A_239, %dma_wait3A_245] : memref<4x512xi32, #tpu.memory_space<vmem>> -> memref<1x512xi32, #tpu.memory_space<vmem>>
      %dma_wait3A_247 = tpu.memref_squeeze %dma_wait3A_246 : memref<1x512xi32, #tpu.memory_space<vmem>> -> memref<512xi32, #tpu.memory_space<vmem>>
      %dma_wait3A_248 = arith.constant 0 : i32
      %dma_wait3A_249 = arith.constant 0 : i32
      %dma_wait3A_250 = tpu.memref_slice %arg2[%dma_wait3A_248, %dma_wait3A_249] : memref<100352x16xf32, #tpu.memory_space<hbm>> -> memref<100352x16xf32, #tpu.memory_space<hbm>>
      tpu.wait_indirect_dma semaphore(%arg12 : memref<!tpu.dma_semaphore, #tpu.memory_space<semaphore_mem>>) src(%dma_wait3A_250 : memref<100352x16xf32, #tpu.memory_space<hbm>>) dst(%dma_wait3A_244 : memref<512x16xf32, #tpu.memory_space<vmem>>)
      %dma_start3A_251 = arith.constant 1 : i32
      %dma_start3A_252 = arith.constant 1 : i32
      %dma_start3A_253 = arith.constant 0 : i32
      %dma_start3A_254 = arith.constant 0 : i32
      %dma_start3A_255 = tpu.memref_slice %arg9[%dma_start3A_251, %dma_start3A_253, %dma_start3A_254] : memref<2x512x16xf32, #tpu.memory_space<vmem>> -> memref<1x512x16xf32, #tpu.memory_space<vmem>>
      %dma_start3A_256 = tpu.memref_squeeze %dma_start3A_255 : memref<1x512x16xf32, #tpu.memory_space<vmem>> -> memref<512x16xf32, #tpu.memory_space<vmem>>
      %dma_start3A_257 = arith.constant 0 : i32
      %dma_start3A_258 = tpu.memref_slice %arg8[%dma_start3A_252, %dma_start3A_257] : memref<4x512xi32, #tpu.memory_space<vmem>> -> memref<1x512xi32, #tpu.memory_space<vmem>>
      %dma_start3A_259 = tpu.memref_squeeze %dma_start3A_258 : memref<1x512xi32, #tpu.memory_space<vmem>> -> memref<512xi32, #tpu.memory_space<vmem>>
      %dma_start3A_260 = arith.constant 0 : i32
      %dma_start3A_261 = arith.constant 0 : i32
      %dma_start3A_262 = tpu.memref_slice %arg10[%dma_start3A_260, %dma_start3A_261] : memref<100352x16xf32, #tpu.memory_space<vmem_shared>> -> memref<100352x16xf32, #tpu.memory_space<vmem_shared>>
      tpu.enqueue_indirect_dma source(%dma_start3A_256 : memref<512x16xf32, #tpu.memory_space<vmem>>) target(%dma_start3A_262 : memref<100352x16xf32, #tpu.memory_space<vmem_shared>>) offsets(%dma_start3A_259 : memref<512xi32, #tpu.memory_space<vmem>>) semaphore(%arg14 : memref<!tpu.dma_semaphore, #tpu.memory_space<semaphore_mem>>) {add = true}
      %dma_wait3A_263 = arith.constant 0 : i32
      %dma_wait3A_264 = arith.constant 0 : i32
      %dma_wait3A_265 = arith.constant 0 : i32
      %dma_wait3A_266 = arith.constant 0 : i32
      %dma_wait3A_267 = tpu.memref_slice %arg9[%dma_wait3A_263, %dma_wait3A_265, %dma_wait3A_266] : memref<2x512x16xf32, #tpu.memory_space<vmem>> -> memref<1x512x16xf32, #tpu.memory_space<vmem>>
      %dma_wait3A_268 = tpu.memref_squeeze %dma_wait3A_267 : memref<1x512x16xf32, #tpu.memory_space<vmem>> -> memref<512x16xf32, #tpu.memory_space<vmem>>
      %dma_wait3A_269 = arith.constant 0 : i32
      %dma_wait3A_270 = tpu.memref_slice %arg8[%dma_wait3A_264, %dma_wait3A_269] : memref<4x512xi32, #tpu.memory_space<vmem>> -> memref<1x512xi32, #tpu.memory_space<vmem>>
      %dma_wait3A_271 = tpu.memref_squeeze %dma_wait3A_270 : memref<1x512xi32, #tpu.memory_space<vmem>> -> memref<512xi32, #tpu.memory_space<vmem>>
      %dma_wait3A_272 = arith.constant 0 : i32
      %dma_wait3A_273 = arith.constant 0 : i32
      %dma_wait3A_274 = tpu.memref_slice %arg10[%dma_wait3A_272, %dma_wait3A_273] : memref<100352x16xf32, #tpu.memory_space<vmem_shared>> -> memref<100352x16xf32, #tpu.memory_space<vmem_shared>>
      tpu.wait_indirect_dma semaphore(%arg13 : memref<!tpu.dma_semaphore, #tpu.memory_space<semaphore_mem>>) src(%dma_wait3A_268 : memref<512x16xf32, #tpu.memory_space<vmem>>) dst(%dma_wait3A_274 : memref<100352x16xf32, #tpu.memory_space<vmem_shared>>)
      %lt3A = arith.constant 98 : i32
      %lt3A_275 = arith.cmpi slt, %scan3A_83, %lt3A : i32
      %convert_element_type3A_276 = arith.extui %lt3A_275 : i1 to i32
      %cond3A_277 = arith.constant 0 : i32
      %cond3A_278 = arith.cmpi ne, %convert_element_type3A_276, %cond3A_277 : i32
      scf.if %cond3A_278 {
        %add3A_418 = arith.constant 4 : i32
        %add3A_419 = arith.addi %mul3A_85, %add3A_418 : i32
        %mul3A_420 = arith.constant 4 : i32
        %mul3A_421 = arith.muli %add3A_419, %mul3A_420 : i32
        %add3A_422 = arith.addi %mul3A_6, %mul3A_421 : i32
        %mul3A_423 = arith.constant 128 : i32
        %mul3A_424 = arith.muli %add3A_422, %mul3A_423 : i32
        %dma_start3A_425 = arith.constant 0 : i32
        %dma_start3A_426 = arith.constant 0 : i32
        %dma_start3A_427 = tpu.memref_slice %arg7[%dma_start3A_425, %dma_start3A_426] : memref<4x512xi32, #tpu.memory_space<vmem>> -> memref<1x512xi32, #tpu.memory_space<vmem>>
        %dma_start3A_428 = tpu.memref_squeeze %dma_start3A_427 : memref<1x512xi32, #tpu.memory_space<vmem>> -> memref<512xi32, #tpu.memory_space<vmem>>
        %dma_start3A_429 = tpu.memref_slice %arg3[%mul3A_424] : memref<6488064xi32, #tpu.memory_space<hbm>> -> memref<512xi32, #tpu.memory_space<hbm>>
        %dma_start3A_430 = arith.constant 0 : i32
        %dma_start3A_431 = tpu.memref_slice %arg7[%dma_start3A_425, %dma_start3A_430] : memref<4x512xi32, #tpu.memory_space<vmem>> -> memref<1x512xi32, #tpu.memory_space<vmem>>
        %dma_start3A_432 = tpu.memref_squeeze %dma_start3A_431 : memref<1x512xi32, #tpu.memory_space<vmem>> -> memref<512xi32, #tpu.memory_space<vmem>>
        %dma_start3A_433 = tpu.memref_slice %arg3[%mul3A_424] : memref<6488064xi32, #tpu.memory_space<hbm>> -> memref<512xi32, #tpu.memory_space<hbm>>
        tpu.enqueue_dma source(%dma_start3A_433 : memref<512xi32, #tpu.memory_space<hbm>>) target(%dma_start3A_432 : memref<512xi32, #tpu.memory_space<vmem>>) target_semaphore(%arg15 : memref<!tpu.dma_semaphore, #tpu.memory_space<semaphore_mem>>)
        %dma_start3A_434 = arith.constant 0 : i32
        %dma_start3A_435 = arith.constant 0 : i32
        %dma_start3A_436 = tpu.memref_slice %arg8[%dma_start3A_434, %dma_start3A_435] : memref<4x512xi32, #tpu.memory_space<vmem>> -> memref<1x512xi32, #tpu.memory_space<vmem>>
        %dma_start3A_437 = tpu.memref_squeeze %dma_start3A_436 : memref<1x512xi32, #tpu.memory_space<vmem>> -> memref<512xi32, #tpu.memory_space<vmem>>
        %dma_start3A_438 = tpu.memref_slice %arg4[%mul3A_424] : memref<6488064xi32, #tpu.memory_space<hbm>> -> memref<512xi32, #tpu.memory_space<hbm>>
        %dma_start3A_439 = arith.constant 0 : i32
        %dma_start3A_440 = tpu.memref_slice %arg8[%dma_start3A_434, %dma_start3A_439] : memref<4x512xi32, #tpu.memory_space<vmem>> -> memref<1x512xi32, #tpu.memory_space<vmem>>
        %dma_start3A_441 = tpu.memref_squeeze %dma_start3A_440 : memref<1x512xi32, #tpu.memory_space<vmem>> -> memref<512xi32, #tpu.memory_space<vmem>>
        %dma_start3A_442 = tpu.memref_slice %arg4[%mul3A_424] : memref<6488064xi32, #tpu.memory_space<hbm>> -> memref<512xi32, #tpu.memory_space<hbm>>
        tpu.enqueue_dma source(%dma_start3A_442 : memref<512xi32, #tpu.memory_space<hbm>>) target(%dma_start3A_441 : memref<512xi32, #tpu.memory_space<vmem>>) target_semaphore(%arg15 : memref<!tpu.dma_semaphore, #tpu.memory_space<semaphore_mem>>)
      } else {
      }
      %add3A_279 = arith.constant 2 : i32
      %add3A_280 = arith.addi %mul3A_85, %add3A_279 : i32
      %mul3A_281 = arith.constant 4 : i32
      %mul3A_282 = arith.muli %add3A_280, %mul3A_281 : i32
      %add3A_283 = arith.addi %mul3A_6, %mul3A_282 : i32
      %mul3A_284 = arith.constant 128 : i32
      %mul3A_285 = arith.muli %add3A_283, %mul3A_284 : i32
      %dma_wait3A_286 = arith.constant 2 : i32
      %dma_wait3A_287 = arith.constant 0 : i32
      %dma_wait3A_288 = tpu.memref_slice %arg7[%dma_wait3A_286, %dma_wait3A_287] : memref<4x512xi32, #tpu.memory_space<vmem>> -> memref<1x512xi32, #tpu.memory_space<vmem>>
      %dma_wait3A_289 = tpu.memref_squeeze %dma_wait3A_288 : memref<1x512xi32, #tpu.memory_space<vmem>> -> memref<512xi32, #tpu.memory_space<vmem>>
      %dma_wait3A_290 = tpu.memref_slice %arg3[%mul3A_285] : memref<6488064xi32, #tpu.memory_space<hbm>> -> memref<512xi32, #tpu.memory_space<hbm>>
      %dma_wait3A_291 = arith.constant 0 : i32
      %dma_wait3A_292 = tpu.memref_slice %arg7[%dma_wait3A_286, %dma_wait3A_291] : memref<4x512xi32, #tpu.memory_space<vmem>> -> memref<1x512xi32, #tpu.memory_space<vmem>>
      %dma_wait3A_293 = tpu.memref_squeeze %dma_wait3A_292 : memref<1x512xi32, #tpu.memory_space<vmem>> -> memref<512xi32, #tpu.memory_space<vmem>>
      %dma_wait3A_294 = tpu.memref_slice %arg3[%mul3A_285] : memref<6488064xi32, #tpu.memory_space<hbm>> -> memref<512xi32, #tpu.memory_space<hbm>>
      tpu.wait_dma2 semaphore(%arg17 : memref<!tpu.dma_semaphore, #tpu.memory_space<semaphore_mem>>) src(%dma_wait3A_294 : memref<512xi32, #tpu.memory_space<hbm>>) dst(%dma_wait3A_293 : memref<512xi32, #tpu.memory_space<vmem>>)
      %dma_wait3A_295 = arith.constant 2 : i32
      %dma_wait3A_296 = arith.constant 0 : i32
      %dma_wait3A_297 = tpu.memref_slice %arg8[%dma_wait3A_295, %dma_wait3A_296] : memref<4x512xi32, #tpu.memory_space<vmem>> -> memref<1x512xi32, #tpu.memory_space<vmem>>
      %dma_wait3A_298 = tpu.memref_squeeze %dma_wait3A_297 : memref<1x512xi32, #tpu.memory_space<vmem>> -> memref<512xi32, #tpu.memory_space<vmem>>
      %dma_wait3A_299 = tpu.memref_slice %arg4[%mul3A_285] : memref<6488064xi32, #tpu.memory_space<hbm>> -> memref<512xi32, #tpu.memory_space<hbm>>
      %dma_wait3A_300 = arith.constant 0 : i32
      %dma_wait3A_301 = tpu.memref_slice %arg8[%dma_wait3A_295, %dma_wait3A_300] : memref<4x512xi32, #tpu.memory_space<vmem>> -> memref<1x512xi32, #tpu.memory_space<vmem>>
      %dma_wait3A_302 = tpu.memref_squeeze %dma_wait3A_301 : memref<1x512xi32, #tpu.memory_space<vmem>> -> memref<512xi32, #tpu.memory_space<vmem>>
      %dma_wait3A_303 = tpu.memref_slice %arg4[%mul3A_285] : memref<6488064xi32, #tpu.memory_space<hbm>> -> memref<512xi32, #tpu.memory_space<hbm>>
      tpu.wait_dma2 semaphore(%arg17 : memref<!tpu.dma_semaphore, #tpu.memory_space<semaphore_mem>>) src(%dma_wait3A_303 : memref<512xi32, #tpu.memory_space<hbm>>) dst(%dma_wait3A_302 : memref<512xi32, #tpu.memory_space<vmem>>)
      %dma_start3A_304 = arith.constant 2 : i32
      %dma_start3A_305 = arith.constant 0 : i32
      %dma_start3A_306 = arith.constant 0 : i32
      %dma_start3A_307 = arith.constant 0 : i32
      %dma_start3A_308 = tpu.memref_slice %arg9[%dma_start3A_305, %dma_start3A_306, %dma_start3A_307] : memref<2x512x16xf32, #tpu.memory_space<vmem>> -> memref<1x512x16xf32, #tpu.memory_space<vmem>>
      %dma_start3A_309 = tpu.memref_squeeze %dma_start3A_308 : memref<1x512x16xf32, #tpu.memory_space<vmem>> -> memref<512x16xf32, #tpu.memory_space<vmem>>
      %dma_start3A_310 = arith.constant 0 : i32
      %dma_start3A_311 = tpu.memref_slice %arg7[%dma_start3A_304, %dma_start3A_310] : memref<4x512xi32, #tpu.memory_space<vmem>> -> memref<1x512xi32, #tpu.memory_space<vmem>>
      %dma_start3A_312 = tpu.memref_squeeze %dma_start3A_311 : memref<1x512xi32, #tpu.memory_space<vmem>> -> memref<512xi32, #tpu.memory_space<vmem>>
      %dma_start3A_313 = arith.constant 0 : i32
      %dma_start3A_314 = arith.constant 0 : i32
      %dma_start3A_315 = tpu.memref_slice %arg2[%dma_start3A_313, %dma_start3A_314] : memref<100352x16xf32, #tpu.memory_space<hbm>> -> memref<100352x16xf32, #tpu.memory_space<hbm>>
      tpu.enqueue_indirect_dma source(%dma_start3A_315 : memref<100352x16xf32, #tpu.memory_space<hbm>>) target(%dma_start3A_309 : memref<512x16xf32, #tpu.memory_space<vmem>>) offsets(%dma_start3A_312 : memref<512xi32, #tpu.memory_space<vmem>>) semaphore(%arg11 : memref<!tpu.dma_semaphore, #tpu.memory_space<semaphore_mem>>)
      %dma_wait3A_316 = arith.constant 1 : i32
      %dma_wait3A_317 = arith.constant 1 : i32
      %dma_wait3A_318 = arith.constant 0 : i32
      %dma_wait3A_319 = arith.constant 0 : i32
      %dma_wait3A_320 = tpu.memref_slice %arg9[%dma_wait3A_316, %dma_wait3A_318, %dma_wait3A_319] : memref<2x512x16xf32, #tpu.memory_space<vmem>> -> memref<1x512x16xf32, #tpu.memory_space<vmem>>
      %dma_wait3A_321 = tpu.memref_squeeze %dma_wait3A_320 : memref<1x512x16xf32, #tpu.memory_space<vmem>> -> memref<512x16xf32, #tpu.memory_space<vmem>>
      %dma_wait3A_322 = arith.constant 0 : i32
      %dma_wait3A_323 = tpu.memref_slice %arg8[%dma_wait3A_317, %dma_wait3A_322] : memref<4x512xi32, #tpu.memory_space<vmem>> -> memref<1x512xi32, #tpu.memory_space<vmem>>
      %dma_wait3A_324 = tpu.memref_squeeze %dma_wait3A_323 : memref<1x512xi32, #tpu.memory_space<vmem>> -> memref<512xi32, #tpu.memory_space<vmem>>
      %dma_wait3A_325 = arith.constant 0 : i32
      %dma_wait3A_326 = arith.constant 0 : i32
      %dma_wait3A_327 = tpu.memref_slice %arg10[%dma_wait3A_325, %dma_wait3A_326] : memref<100352x16xf32, #tpu.memory_space<vmem_shared>> -> memref<100352x16xf32, #tpu.memory_space<vmem_shared>>
      tpu.wait_indirect_dma semaphore(%arg14 : memref<!tpu.dma_semaphore, #tpu.memory_space<semaphore_mem>>) src(%dma_wait3A_321 : memref<512x16xf32, #tpu.memory_space<vmem>>) dst(%dma_wait3A_327 : memref<100352x16xf32, #tpu.memory_space<vmem_shared>>)
      %lt3A_328 = arith.constant 98 : i32
      %lt3A_329 = arith.cmpi slt, %scan3A_83, %lt3A_328 : i32
      %convert_element_type3A_330 = arith.extui %lt3A_329 : i1 to i32
      %cond3A_331 = arith.constant 0 : i32
      %cond3A_332 = arith.cmpi ne, %convert_element_type3A_330, %cond3A_331 : i32
      scf.if %cond3A_332 {
        %add3A_418 = arith.constant 5 : i32
        %add3A_419 = arith.addi %mul3A_85, %add3A_418 : i32
        %mul3A_420 = arith.constant 4 : i32
        %mul3A_421 = arith.muli %add3A_419, %mul3A_420 : i32
        %add3A_422 = arith.addi %mul3A_6, %mul3A_421 : i32
        %mul3A_423 = arith.constant 128 : i32
        %mul3A_424 = arith.muli %add3A_422, %mul3A_423 : i32
        %dma_start3A_425 = arith.constant 1 : i32
        %dma_start3A_426 = arith.constant 0 : i32
        %dma_start3A_427 = tpu.memref_slice %arg7[%dma_start3A_425, %dma_start3A_426] : memref<4x512xi32, #tpu.memory_space<vmem>> -> memref<1x512xi32, #tpu.memory_space<vmem>>
        %dma_start3A_428 = tpu.memref_squeeze %dma_start3A_427 : memref<1x512xi32, #tpu.memory_space<vmem>> -> memref<512xi32, #tpu.memory_space<vmem>>
        %dma_start3A_429 = tpu.memref_slice %arg3[%mul3A_424] : memref<6488064xi32, #tpu.memory_space<hbm>> -> memref<512xi32, #tpu.memory_space<hbm>>
        %dma_start3A_430 = arith.constant 0 : i32
        %dma_start3A_431 = tpu.memref_slice %arg7[%dma_start3A_425, %dma_start3A_430] : memref<4x512xi32, #tpu.memory_space<vmem>> -> memref<1x512xi32, #tpu.memory_space<vmem>>
        %dma_start3A_432 = tpu.memref_squeeze %dma_start3A_431 : memref<1x512xi32, #tpu.memory_space<vmem>> -> memref<512xi32, #tpu.memory_space<vmem>>
        %dma_start3A_433 = tpu.memref_slice %arg3[%mul3A_424] : memref<6488064xi32, #tpu.memory_space<hbm>> -> memref<512xi32, #tpu.memory_space<hbm>>
        tpu.enqueue_dma source(%dma_start3A_433 : memref<512xi32, #tpu.memory_space<hbm>>) target(%dma_start3A_432 : memref<512xi32, #tpu.memory_space<vmem>>) target_semaphore(%arg16 : memref<!tpu.dma_semaphore, #tpu.memory_space<semaphore_mem>>)
        %dma_start3A_434 = arith.constant 1 : i32
        %dma_start3A_435 = arith.constant 0 : i32
        %dma_start3A_436 = tpu.memref_slice %arg8[%dma_start3A_434, %dma_start3A_435] : memref<4x512xi32, #tpu.memory_space<vmem>> -> memref<1x512xi32, #tpu.memory_space<vmem>>
        %dma_start3A_437 = tpu.memref_squeeze %dma_start3A_436 : memref<1x512xi32, #tpu.memory_space<vmem>> -> memref<512xi32, #tpu.memory_space<vmem>>
        %dma_start3A_438 = tpu.memref_slice %arg4[%mul3A_424] : memref<6488064xi32, #tpu.memory_space<hbm>> -> memref<512xi32, #tpu.memory_space<hbm>>
        %dma_start3A_439 = arith.constant 0 : i32
        %dma_start3A_440 = tpu.memref_slice %arg8[%dma_start3A_434, %dma_start3A_439] : memref<4x512xi32, #tpu.memory_space<vmem>> -> memref<1x512xi32, #tpu.memory_space<vmem>>
        %dma_start3A_441 = tpu.memref_squeeze %dma_start3A_440 : memref<1x512xi32, #tpu.memory_space<vmem>> -> memref<512xi32, #tpu.memory_space<vmem>>
        %dma_start3A_442 = tpu.memref_slice %arg4[%mul3A_424] : memref<6488064xi32, #tpu.memory_space<hbm>> -> memref<512xi32, #tpu.memory_space<hbm>>
        tpu.enqueue_dma source(%dma_start3A_442 : memref<512xi32, #tpu.memory_space<hbm>>) target(%dma_start3A_441 : memref<512xi32, #tpu.memory_space<vmem>>) target_semaphore(%arg16 : memref<!tpu.dma_semaphore, #tpu.memory_space<semaphore_mem>>)
      } else {
      }
      %add3A_333 = arith.constant 3 : i32
      %add3A_334 = arith.addi %mul3A_85, %add3A_333 : i32
      %mul3A_335 = arith.constant 4 : i32
      %mul3A_336 = arith.muli %add3A_334, %mul3A_335 : i32
      %add3A_337 = arith.addi %mul3A_6, %mul3A_336 : i32
      %mul3A_338 = arith.constant 128 : i32
      %mul3A_339 = arith.muli %add3A_337, %mul3A_338 : i32
      %dma_wait3A_340 = arith.constant 3 : i32
      %dma_wait3A_341 = arith.constant 0 : i32
      %dma_wait3A_342 = tpu.memref_slice %arg7[%dma_wait3A_340, %dma_wait3A_341] : memref<4x512xi32, #tpu.memory_space<vmem>> -> memref<1x512xi32, #tpu.memory_space<vmem>>
      %dma_wait3A_343 = tpu.memref_squeeze %dma_wait3A_342 : memref<1x512xi32, #tpu.memory_space<vmem>> -> memref<512xi32, #tpu.memory_space<vmem>>
      %dma_wait3A_344 = tpu.memref_slice %arg3[%mul3A_339] : memref<6488064xi32, #tpu.memory_space<hbm>> -> memref<512xi32, #tpu.memory_space<hbm>>
      %dma_wait3A_345 = arith.constant 0 : i32
      %dma_wait3A_346 = tpu.memref_slice %arg7[%dma_wait3A_340, %dma_wait3A_345] : memref<4x512xi32, #tpu.memory_space<vmem>> -> memref<1x512xi32, #tpu.memory_space<vmem>>
      %dma_wait3A_347 = tpu.memref_squeeze %dma_wait3A_346 : memref<1x512xi32, #tpu.memory_space<vmem>> -> memref<512xi32, #tpu.memory_space<vmem>>
      %dma_wait3A_348 = tpu.memref_slice %arg3[%mul3A_339] : memref<6488064xi32, #tpu.memory_space<hbm>> -> memref<512xi32, #tpu.memory_space<hbm>>
      tpu.wait_dma2 semaphore(%arg18 : memref<!tpu.dma_semaphore, #tpu.memory_space<semaphore_mem>>) src(%dma_wait3A_348 : memref<512xi32, #tpu.memory_space<hbm>>) dst(%dma_wait3A_347 : memref<512xi32, #tpu.memory_space<vmem>>)
      %dma_wait3A_349 = arith.constant 3 : i32
      %dma_wait3A_350 = arith.constant 0 : i32
      %dma_wait3A_351 = tpu.memref_slice %arg8[%dma_wait3A_349, %dma_wait3A_350] : memref<4x512xi32, #tpu.memory_space<vmem>> -> memref<1x512xi32, #tpu.memory_space<vmem>>
      %dma_wait3A_352 = tpu.memref_squeeze %dma_wait3A_351 : memref<1x512xi32, #tpu.memory_space<vmem>> -> memref<512xi32, #tpu.memory_space<vmem>>
      %dma_wait3A_353 = tpu.memref_slice %arg4[%mul3A_339] : memref<6488064xi32, #tpu.memory_space<hbm>> -> memref<512xi32, #tpu.memory_space<hbm>>
      %dma_wait3A_354 = arith.constant 0 : i32
      %dma_wait3A_355 = tpu.memref_slice %arg8[%dma_wait3A_349, %dma_wait3A_354] : memref<4x512xi32, #tpu.memory_space<vmem>> -> memref<1x512xi32, #tpu.memory_space<vmem>>
      %dma_wait3A_356 = tpu.memref_squeeze %dma_wait3A_355 : memref<1x512xi32, #tpu.memory_space<vmem>> -> memref<512xi32, #tpu.memory_space<vmem>>
      %dma_wait3A_357 = tpu.memref_slice %arg4[%mul3A_339] : memref<6488064xi32, #tpu.memory_space<hbm>> -> memref<512xi32, #tpu.memory_space<hbm>>
      tpu.wait_dma2 semaphore(%arg18 : memref<!tpu.dma_semaphore, #tpu.memory_space<semaphore_mem>>) src(%dma_wait3A_357 : memref<512xi32, #tpu.memory_space<hbm>>) dst(%dma_wait3A_356 : memref<512xi32, #tpu.memory_space<vmem>>)
      %dma_start3A_358 = arith.constant 3 : i32
      %dma_start3A_359 = arith.constant 1 : i32
      %dma_start3A_360 = arith.constant 0 : i32
      %dma_start3A_361 = arith.constant 0 : i32
      %dma_start3A_362 = tpu.memref_slice %arg9[%dma_start3A_359, %dma_start3A_360, %dma_start3A_361] : memref<2x512x16xf32, #tpu.memory_space<vmem>> -> memref<1x512x16xf32, #tpu.memory_space<vmem>>
      %dma_start3A_363 = tpu.memref_squeeze %dma_start3A_362 : memref<1x512x16xf32, #tpu.memory_space<vmem>> -> memref<512x16xf32, #tpu.memory_space<vmem>>
      %dma_start3A_364 = arith.constant 0 : i32
      %dma_start3A_365 = tpu.memref_slice %arg7[%dma_start3A_358, %dma_start3A_364] : memref<4x512xi32, #tpu.memory_space<vmem>> -> memref<1x512xi32, #tpu.memory_space<vmem>>
      %dma_start3A_366 = tpu.memref_squeeze %dma_start3A_365 : memref<1x512xi32, #tpu.memory_space<vmem>> -> memref<512xi32, #tpu.memory_space<vmem>>
      %dma_start3A_367 = arith.constant 0 : i32
      %dma_start3A_368 = arith.constant 0 : i32
      %dma_start3A_369 = tpu.memref_slice %arg2[%dma_start3A_367, %dma_start3A_368] : memref<100352x16xf32, #tpu.memory_space<hbm>> -> memref<100352x16xf32, #tpu.memory_space<hbm>>
      tpu.enqueue_indirect_dma source(%dma_start3A_369 : memref<100352x16xf32, #tpu.memory_space<hbm>>) target(%dma_start3A_363 : memref<512x16xf32, #tpu.memory_space<vmem>>) offsets(%dma_start3A_366 : memref<512xi32, #tpu.memory_space<vmem>>) semaphore(%arg12 : memref<!tpu.dma_semaphore, #tpu.memory_space<semaphore_mem>>)
      %dma_wait3A_370 = arith.constant 2 : i32
      %dma_wait3A_371 = arith.constant 0 : i32
      %dma_wait3A_372 = arith.constant 0 : i32
      %dma_wait3A_373 = arith.constant 0 : i32
      %dma_wait3A_374 = tpu.memref_slice %arg9[%dma_wait3A_371, %dma_wait3A_372, %dma_wait3A_373] : memref<2x512x16xf32, #tpu.memory_space<vmem>> -> memref<1x512x16xf32, #tpu.memory_space<vmem>>
      %dma_wait3A_375 = tpu.memref_squeeze %dma_wait3A_374 : memref<1x512x16xf32, #tpu.memory_space<vmem>> -> memref<512x16xf32, #tpu.memory_space<vmem>>
      %dma_wait3A_376 = arith.constant 0 : i32
      %dma_wait3A_377 = tpu.memref_slice %arg7[%dma_wait3A_370, %dma_wait3A_376] : memref<4x512xi32, #tpu.memory_space<vmem>> -> memref<1x512xi32, #tpu.memory_space<vmem>>
      %dma_wait3A_378 = tpu.memref_squeeze %dma_wait3A_377 : memref<1x512xi32, #tpu.memory_space<vmem>> -> memref<512xi32, #tpu.memory_space<vmem>>
      %dma_wait3A_379 = arith.constant 0 : i32
      %dma_wait3A_380 = arith.constant 0 : i32
      %dma_wait3A_381 = tpu.memref_slice %arg2[%dma_wait3A_379, %dma_wait3A_380] : memref<100352x16xf32, #tpu.memory_space<hbm>> -> memref<100352x16xf32, #tpu.memory_space<hbm>>
      tpu.wait_indirect_dma semaphore(%arg11 : memref<!tpu.dma_semaphore, #tpu.memory_space<semaphore_mem>>) src(%dma_wait3A_381 : memref<100352x16xf32, #tpu.memory_space<hbm>>) dst(%dma_wait3A_375 : memref<512x16xf32, #tpu.memory_space<vmem>>)
      %dma_start3A_382 = arith.constant 0 : i32
      %dma_start3A_383 = arith.constant 2 : i32
      %dma_start3A_384 = arith.constant 0 : i32
      %dma_start3A_385 = arith.constant 0 : i32
      %dma_start3A_386 = tpu.memref_slice %arg9[%dma_start3A_382, %dma_start3A_384, %dma_start3A_385] : memref<2x512x16xf32, #tpu.memory_space<vmem>> -> memref<1x512x16xf32, #tpu.memory_space<vmem>>
      %dma_start3A_387 = tpu.memref_squeeze %dma_start3A_386 : memref<1x512x16xf32, #tpu.memory_space<vmem>> -> memref<512x16xf32, #tpu.memory_space<vmem>>
      %dma_start3A_388 = arith.constant 0 : i32
      %dma_start3A_389 = tpu.memref_slice %arg8[%dma_start3A_383, %dma_start3A_388] : memref<4x512xi32, #tpu.memory_space<vmem>> -> memref<1x512xi32, #tpu.memory_space<vmem>>
      %dma_start3A_390 = tpu.memref_squeeze %dma_start3A_389 : memref<1x512xi32, #tpu.memory_space<vmem>> -> memref<512xi32, #tpu.memory_space<vmem>>
      %dma_start3A_391 = arith.constant 0 : i32
      %dma_start3A_392 = arith.constant 0 : i32
      %dma_start3A_393 = tpu.memref_slice %arg10[%dma_start3A_391, %dma_start3A_392] : memref<100352x16xf32, #tpu.memory_space<vmem_shared>> -> memref<100352x16xf32, #tpu.memory_space<vmem_shared>>
      tpu.enqueue_indirect_dma source(%dma_start3A_387 : memref<512x16xf32, #tpu.memory_space<vmem>>) target(%dma_start3A_393 : memref<100352x16xf32, #tpu.memory_space<vmem_shared>>) offsets(%dma_start3A_390 : memref<512xi32, #tpu.memory_space<vmem>>) semaphore(%arg13 : memref<!tpu.dma_semaphore, #tpu.memory_space<semaphore_mem>>) {add = true}
      %dma_wait3A_394 = arith.constant 3 : i32
      %dma_wait3A_395 = arith.constant 1 : i32
      %dma_wait3A_396 = arith.constant 0 : i32
      %dma_wait3A_397 = arith.constant 0 : i32
      %dma_wait3A_398 = tpu.memref_slice %arg9[%dma_wait3A_395, %dma_wait3A_396, %dma_wait3A_397] : memref<2x512x16xf32, #tpu.memory_space<vmem>> -> memref<1x512x16xf32, #tpu.memory_space<vmem>>
      %dma_wait3A_399 = tpu.memref_squeeze %dma_wait3A_398 : memref<1x512x16xf32, #tpu.memory_space<vmem>> -> memref<512x16xf32, #tpu.memory_space<vmem>>
      %dma_wait3A_400 = arith.constant 0 : i32
      %dma_wait3A_401 = tpu.memref_slice %arg7[%dma_wait3A_394, %dma_wait3A_400] : memref<4x512xi32, #tpu.memory_space<vmem>> -> memref<1x512xi32, #tpu.memory_space<vmem>>
      %dma_wait3A_402 = tpu.memref_squeeze %dma_wait3A_401 : memref<1x512xi32, #tpu.memory_space<vmem>> -> memref<512xi32, #tpu.memory_space<vmem>>
      %dma_wait3A_403 = arith.constant 0 : i32
      %dma_wait3A_404 = arith.constant 0 : i32
      %dma_wait3A_405 = tpu.memref_slice %arg2[%dma_wait3A_403, %dma_wait3A_404] : memref<100352x16xf32, #tpu.memory_space<hbm>> -> memref<100352x16xf32, #tpu.memory_space<hbm>>
      tpu.wait_indirect_dma semaphore(%arg12 : memref<!tpu.dma_semaphore, #tpu.memory_space<semaphore_mem>>) src(%dma_wait3A_405 : memref<100352x16xf32, #tpu.memory_space<hbm>>) dst(%dma_wait3A_399 : memref<512x16xf32, #tpu.memory_space<vmem>>)
      %dma_start3A_406 = arith.constant 1 : i32
      %dma_start3A_407 = arith.constant 3 : i32
      %dma_start3A_408 = arith.constant 0 : i32
      %dma_start3A_409 = arith.constant 0 : i32
      %dma_start3A_410 = tpu.memref_slice %arg9[%dma_start3A_406, %dma_start3A_408, %dma_start3A_409] : memref<2x512x16xf32, #tpu.memory_space<vmem>> -> memref<1x512x16xf32, #tpu.memory_space<vmem>>
      %dma_start3A_411 = tpu.memref_squeeze %dma_start3A_410 : memref<1x512x16xf32, #tpu.memory_space<vmem>> -> memref<512x16xf32, #tpu.memory_space<vmem>>
      %dma_start3A_412 = arith.constant 0 : i32
      %dma_start3A_413 = tpu.memref_slice %arg8[%dma_start3A_407, %dma_start3A_412] : memref<4x512xi32, #tpu.memory_space<vmem>> -> memref<1x512xi32, #tpu.memory_space<vmem>>
      %dma_start3A_414 = tpu.memref_squeeze %dma_start3A_413 : memref<1x512xi32, #tpu.memory_space<vmem>> -> memref<512xi32, #tpu.memory_space<vmem>>
      %dma_start3A_415 = arith.constant 0 : i32
      %dma_start3A_416 = arith.constant 0 : i32
      %dma_start3A_417 = tpu.memref_slice %arg10[%dma_start3A_415, %dma_start3A_416] : memref<100352x16xf32, #tpu.memory_space<vmem_shared>> -> memref<100352x16xf32, #tpu.memory_space<vmem_shared>>
      tpu.enqueue_indirect_dma source(%dma_start3A_411 : memref<512x16xf32, #tpu.memory_space<vmem>>) target(%dma_start3A_417 : memref<100352x16xf32, #tpu.memory_space<vmem_shared>>) offsets(%dma_start3A_414 : memref<512xi32, #tpu.memory_space<vmem>>) semaphore(%arg14 : memref<!tpu.dma_semaphore, #tpu.memory_space<semaphore_mem>>) {add = true}
    }
    %scan3A_54 = arith.constant 99 : i32
    %dma_wait3A = arith.constant 0 : i32
    %dma_wait3A_55 = arith.constant 2 : i32
    %dma_wait3A_56 = arith.constant 0 : i32
    %dma_wait3A_57 = arith.constant 0 : i32
    %dma_wait3A_58 = tpu.memref_slice %arg9[%dma_wait3A, %dma_wait3A_56, %dma_wait3A_57] : memref<2x512x16xf32, #tpu.memory_space<vmem>> -> memref<1x512x16xf32, #tpu.memory_space<vmem>>
    %dma_wait3A_59 = tpu.memref_squeeze %dma_wait3A_58 : memref<1x512x16xf32, #tpu.memory_space<vmem>> -> memref<512x16xf32, #tpu.memory_space<vmem>>
    %dma_wait3A_60 = arith.constant 0 : i32
    %dma_wait3A_61 = tpu.memref_slice %arg8[%dma_wait3A_55, %dma_wait3A_60] : memref<4x512xi32, #tpu.memory_space<vmem>> -> memref<1x512xi32, #tpu.memory_space<vmem>>
    %dma_wait3A_62 = tpu.memref_squeeze %dma_wait3A_61 : memref<1x512xi32, #tpu.memory_space<vmem>> -> memref<512xi32, #tpu.memory_space<vmem>>
    %dma_wait3A_63 = arith.constant 0 : i32
    %dma_wait3A_64 = arith.constant 0 : i32
    %dma_wait3A_65 = tpu.memref_slice %arg10[%dma_wait3A_63, %dma_wait3A_64] : memref<100352x16xf32, #tpu.memory_space<vmem_shared>> -> memref<100352x16xf32, #tpu.memory_space<vmem_shared>>
    tpu.wait_indirect_dma semaphore(%arg13 : memref<!tpu.dma_semaphore, #tpu.memory_space<semaphore_mem>>) src(%dma_wait3A_59 : memref<512x16xf32, #tpu.memory_space<vmem>>) dst(%dma_wait3A_65 : memref<100352x16xf32, #tpu.memory_space<vmem_shared>>)
    %dma_wait3A_66 = arith.constant 1 : i32
    %dma_wait3A_67 = arith.constant 3 : i32
    %dma_wait3A_68 = arith.constant 0 : i32
    %dma_wait3A_69 = arith.constant 0 : i32
    %dma_wait3A_70 = tpu.memref_slice %arg9[%dma_wait3A_66, %dma_wait3A_68, %dma_wait3A_69] : memref<2x512x16xf32, #tpu.memory_space<vmem>> -> memref<1x512x16xf32, #tpu.memory_space<vmem>>
    %dma_wait3A_71 = tpu.memref_squeeze %dma_wait3A_70 : memref<1x512x16xf32, #tpu.memory_space<vmem>> -> memref<512x16xf32, #tpu.memory_space<vmem>>
    %dma_wait3A_72 = arith.constant 0 : i32
    %dma_wait3A_73 = tpu.memref_slice %arg8[%dma_wait3A_67, %dma_wait3A_72] : memref<4x512xi32, #tpu.memory_space<vmem>> -> memref<1x512xi32, #tpu.memory_space<vmem>>
    %dma_wait3A_74 = tpu.memref_squeeze %dma_wait3A_73 : memref<1x512xi32, #tpu.memory_space<vmem>> -> memref<512xi32, #tpu.memory_space<vmem>>
    %dma_wait3A_75 = arith.constant 0 : i32
    %dma_wait3A_76 = arith.constant 0 : i32
    %dma_wait3A_77 = tpu.memref_slice %arg10[%dma_wait3A_75, %dma_wait3A_76] : memref<100352x16xf32, #tpu.memory_space<vmem_shared>> -> memref<100352x16xf32, #tpu.memory_space<vmem_shared>>
    tpu.wait_indirect_dma semaphore(%arg14 : memref<!tpu.dma_semaphore, #tpu.memory_space<semaphore_mem>>) src(%dma_wait3A_71 : memref<512x16xf32, #tpu.memory_space<vmem>>) dst(%dma_wait3A_77 : memref<100352x16xf32, #tpu.memory_space<vmem_shared>>)
    %barrier3A_78 = arith.constant 0 : index
    tpu.barrier barrier_id(%barrier3A_78)
    %mul3A_79 = arith.constant 6272 : i32
    %mul3A_80 = arith.muli %arg1, %mul3A_79 : i32
    %mul3A_81 = arith.constant 6272 : i32
    %mul3A_82 = arith.muli %arg1, %mul3A_81 : i32
    "tpu.region"() ({
      %run_scoped3A = tpu.sem_alloc : memref<!tpu.dma_semaphore, #tpu.memory_space<semaphore_mem>>
      %dma_start3A_83 = arith.constant 0 : i32
      %dma_start3A_84 = tpu.memref_slice %arg6[%arg0, %mul3A_82, %dma_start3A_83] : memref<2x100352x16xf32, #tpu.memory_space<hbm>> -> memref<1x6272x16xf32, #tpu.memory_space<hbm>>
      %dma_start3A_85 = tpu.memref_squeeze %dma_start3A_84 : memref<1x6272x16xf32, #tpu.memory_space<hbm>> -> memref<6272x16xf32, #tpu.memory_space<hbm>>
      %dma_start3A_86 = arith.constant 0 : i32
      %dma_start3A_87 = tpu.memref_slice %arg10[%mul3A_80, %dma_start3A_86] : memref<100352x16xf32, #tpu.memory_space<vmem_shared>> -> memref<6272x16xf32, #tpu.memory_space<vmem_shared>>
      tpu.enqueue_dma source(%dma_start3A_87 : memref<6272x16xf32, #tpu.memory_space<vmem_shared>>) target(%dma_start3A_85 : memref<6272x16xf32, #tpu.memory_space<hbm>>) target_semaphore(%run_scoped3A : memref<!tpu.dma_semaphore, #tpu.memory_space<semaphore_mem>>)
      %dma_wait3A_88 = arith.constant 0 : i32
      %dma_wait3A_89 = tpu.memref_slice %arg6[%arg0, %mul3A_82, %dma_wait3A_88] : memref<2x100352x16xf32, #tpu.memory_space<hbm>> -> memref<1x6272x16xf32, #tpu.memory_space<hbm>>
      %dma_wait3A_90 = tpu.memref_squeeze %dma_wait3A_89 : memref<1x6272x16xf32, #tpu.memory_space<hbm>> -> memref<6272x16xf32, #tpu.memory_space<hbm>>
      %dma_wait3A_91 = arith.constant 0 : i32
      %dma_wait3A_92 = tpu.memref_slice %arg10[%mul3A_80, %dma_wait3A_91] : memref<100352x16xf32, #tpu.memory_space<vmem_shared>> -> memref<6272x16xf32, #tpu.memory_space<vmem_shared>>
      tpu.wait_dma2 semaphore(%run_scoped3A : memref<!tpu.dma_semaphore, #tpu.memory_space<semaphore_mem>>) src(%dma_wait3A_92 : memref<6272x16xf32, #tpu.memory_space<vmem_shared>>) dst(%dma_wait3A_90 : memref<6272x16xf32, #tpu.memory_space<hbm>>)
      tpu.yield
    }) : () -> ()
    return
  }
}

module attributes {stable_mosaic.version = 14 : i64} {
  func.func @_tc1_body(%arg0: i32, %arg1: memref<2x2048x8xf32, #tpu.memory_space<vmem>>, %arg2: memref<2048x8xf32, #tpu.memory_space<vmem>>, %arg3: memref<2048x8xf32, #tpu.memory_space<vmem>>, %arg4: memref<2048x1xf32, #tpu.memory_space<vmem>>, %arg5: memref<2048x1xf32, #tpu.memory_space<vmem>>) attributes {dimension_semantics = [#tpu.dimension_semantics<arbitrary>], iteration_bounds = array<i64: 49>, scalar_prefetch = 0 : i64, scratch_operands = 0 : i64, tpu.core_type = #tpu.core_type<tc>, window_params = [{transform_indices = @transform_0, window_bounds = array<i64: 2, 2048, 8>}, {transform_indices = @transform_1, window_bounds = array<i64: 2048, 8>}, {transform_indices = @transform_2, window_bounds = array<i64: 2048, 8>}, {transform_indices = @transform_3, window_bounds = array<i64: 2048, 1>}, {transform_indices = @transform_4, window_bounds = array<i64: 2048, 1>}]} {
    %get3A = arith.constant 0 : index
    %get3A_0 = arith.constant 0 : index
    %get3A_1 = arith.constant 0 : index
    %get3A_2 = vector.load %arg1[%get3A, %get3A_0, %get3A_1] : memref<2x2048x8xf32, #tpu.memory_space<vmem>>, vector<1x2048x1xf32>
    %get3A_3 = vector.shape_cast %get3A_2 : vector<1x2048x1xf32> to vector<2048x1xf32>
    %get3A_4 = arith.constant 1 : index
    %get3A_5 = arith.constant 0 : index
    %get3A_6 = arith.constant 0 : index
    %get3A_7 = vector.load %arg1[%get3A_4, %get3A_5, %get3A_6] : memref<2x2048x8xf32, #tpu.memory_space<vmem>>, vector<1x2048x1xf32>
    %get3A_8 = vector.shape_cast %get3A_7 : vector<1x2048x1xf32> to vector<2048x1xf32>
    %add3A = arith.addf %get3A_3, %get3A_8 : vector<2048x1xf32>
    %get3A_9 = arith.constant 0 : index
    %get3A_10 = arith.constant 0 : index
    %get3A_11 = arith.constant 4 : index
    %get3A_12 = vector.load %arg1[%get3A_9, %get3A_10, %get3A_11] : memref<2x2048x8xf32, #tpu.memory_space<vmem>>, vector<1x2048x1xf32>
    %get3A_13 = vector.shape_cast %get3A_12 : vector<1x2048x1xf32> to vector<2048x1xf32>
    %get3A_14 = arith.constant 1 : index
    %get3A_15 = arith.constant 0 : index
    %get3A_16 = arith.constant 4 : index
    %get3A_17 = vector.load %arg1[%get3A_14, %get3A_15, %get3A_16] : memref<2x2048x8xf32, #tpu.memory_space<vmem>>, vector<1x2048x1xf32>
    %get3A_18 = vector.shape_cast %get3A_17 : vector<1x2048x1xf32> to vector<2048x1xf32>
    %add3A_19 = arith.addf %get3A_13, %get3A_18 : vector<2048x1xf32>
    %gt3A = arith.constant 0.000000e+00 : f32
    %gt3A_20 = vector.broadcast %gt3A : f32 to vector<2048x1xf32>
    %gt3A_21 = arith.cmpf ogt, %add3A, %gt3A_20 : vector<2048x1xf32>
    %max3A = arith.constant 1.000000e+00 : f32
    %max3A_22 = vector.broadcast %max3A : f32 to vector<2048x1xf32>
    %max3A_23 = arith.maximumf %add3A, %max3A_22 : vector<2048x1xf32>
    %rsqrt3A = math.rsqrt %max3A_23 : vector<2048x1xf32>
    %jit3A = arith.constant 0.000000e+00 : f32
    %broadcast_in_dim3A = vector.broadcast %jit3A : f32 to vector<2048x1xf32>
    %select_n3A = arith.select %gt3A_21, %rsqrt3A, %broadcast_in_dim3A : vector<2048x1xi1>, vector<2048x1xf32>
    %gt3A_24 = arith.constant 0.000000e+00 : f32
    %gt3A_25 = vector.broadcast %gt3A_24 : f32 to vector<2048x1xf32>
    %gt3A_26 = arith.cmpf ogt, %add3A_19, %gt3A_25 : vector<2048x1xf32>
    %max3A_27 = arith.constant 1.000000e+00 : f32
    %max3A_28 = vector.broadcast %max3A_27 : f32 to vector<2048x1xf32>
    %max3A_29 = arith.maximumf %add3A_19, %max3A_28 : vector<2048x1xf32>
    %rsqrt3A_30 = math.rsqrt %max3A_29 : vector<2048x1xf32>
    %jit3A_31 = arith.constant 0.000000e+00 : f32
    %broadcast_in_dim3A_32 = vector.broadcast %jit3A_31 : f32 to vector<2048x1xf32>
    %select_n3A_33 = arith.select %gt3A_26, %rsqrt3A_30, %broadcast_in_dim3A_32 : vector<2048x1xi1>, vector<2048x1xf32>
    %get3A_34 = arith.constant 0 : index
    %get3A_35 = arith.constant 0 : index
    %get3A_36 = vector.load %arg2[%get3A_34, %get3A_35] : memref<2048x8xf32, #tpu.memory_space<vmem>>, vector<2048x8xf32>
    %mul3A = vector.broadcast %select_n3A : vector<2048x1xf32> to vector<2048x8xf32>
    %mul3A_37 = arith.mulf %get3A_36, %mul3A : vector<2048x8xf32>
    %swap3A = arith.constant 0 : index
    %swap3A_38 = arith.constant 0 : index
    %swap3A_39 = vector.load %arg3[%swap3A, %swap3A_38] : memref<2048x8xf32, #tpu.memory_space<vmem>>, vector<2048x8xf32>
    tpu.vector_store %arg3[%swap3A, %swap3A_38], %mul3A_37 {strides = array<i32>} : memref<2048x8xf32, #tpu.memory_space<vmem>>, vector<2048x8xf32>,
    %swap3A_40 = arith.constant 0 : index
    %swap3A_41 = arith.constant 0 : index
    %swap3A_42 = vector.load %arg4[%swap3A_40, %swap3A_41] : memref<2048x1xf32, #tpu.memory_space<vmem>>, vector<2048x1xf32>
    tpu.vector_store %arg4[%swap3A_40, %swap3A_41], %select_n3A {strides = array<i32>} : memref<2048x1xf32, #tpu.memory_space<vmem>>, vector<2048x1xf32>,
    %swap3A_43 = arith.constant 0 : index
    %swap3A_44 = arith.constant 0 : index
    %swap3A_45 = vector.load %arg5[%swap3A_43, %swap3A_44] : memref<2048x1xf32, #tpu.memory_space<vmem>>, vector<2048x1xf32>
    tpu.vector_store %arg5[%swap3A_43, %swap3A_44], %select_n3A_33 {strides = array<i32>} : memref<2048x1xf32, #tpu.memory_space<vmem>>, vector<2048x1xf32>,
    return
  }
  func.func @transform_0(%arg0: i32) -> (i32, i32, i32) {
    %c0_i32 = arith.constant 0 : i32
    %c0_i32_0 = arith.constant 0 : i32
    %c0_i32_1 = arith.constant 0 : i32
    return %c0_i32, %arg0, %c0_i32_0 : i32, i32, i32
  }
  func.func @transform_1(%arg0: i32) -> (i32, i32) {
    %c0_i32 = arith.constant 0 : i32
    %c0_i32_0 = arith.constant 0 : i32
    return %arg0, %c0_i32 : i32, i32
  }
  func.func @transform_2(%arg0: i32) -> (i32, i32) {
    %c0_i32 = arith.constant 0 : i32
    %c0_i32_0 = arith.constant 0 : i32
    return %arg0, %c0_i32 : i32, i32
  }
  func.func @transform_3(%arg0: i32) -> (i32, i32) {
    %c0_i32 = arith.constant 0 : i32
    %c0_i32_0 = arith.constant 0 : i32
    return %arg0, %c0_i32 : i32, i32
  }
  func.func @transform_4(%arg0: i32) -> (i32, i32) {
    %c0_i32 = arith.constant 0 : i32
    %c0_i32_0 = arith.constant 0 : i32
    return %arg0, %c0_i32 : i32, i32
  }
}

module attributes {stable_mosaic.version = 14 : i64} {
  func.func @_tc2_body(%arg0: i32, %arg1: memref<2x2048x8xf32, #tpu.memory_space<vmem>>, %arg2: memref<2048x1xf32, #tpu.memory_space<vmem>>, %arg3: memref<1x16xf32, #tpu.memory_space<vmem>>, %arg4: memref<2048x1xf32, #tpu.memory_space<vmem>>, %arg5: memref<8x16xf32, #tpu.memory_space<vmem>>, %arg6: memref<2048x16xf32, #tpu.memory_space<vmem>>) attributes {dimension_semantics = [#tpu.dimension_semantics<arbitrary>], iteration_bounds = array<i64: 49>, scalar_prefetch = 0 : i64, scratch_operands = 0 : i64, tpu.core_type = #tpu.core_type<tc>, window_params = [{transform_indices = @transform_0, window_bounds = array<i64: 2, 2048, 8>}, {transform_indices = @transform_1, window_bounds = array<i64: 2048, 1>}, {pipeline_mode = #tpu.pipeline_mode<synchronous>, transform_indices = @transform_2, window_bounds = array<i64: 1, 16>}, {transform_indices = @transform_3, window_bounds = array<i64: 2048, 1>}, {pipeline_mode = #tpu.pipeline_mode<synchronous>, transform_indices = @transform_4, window_bounds = array<i64: 8, 16>}, {transform_indices = @transform_5, window_bounds = array<i64: 2048, 16>}]} {
    %get3A = arith.constant 0 : index
    %get3A_0 = arith.constant 0 : index
    %get3A_1 = arith.constant 0 : index
    %get3A_2 = vector.load %arg1[%get3A, %get3A_0, %get3A_1] : memref<2x2048x8xf32, #tpu.memory_space<vmem>>, vector<1x2048x8xf32>
    %get3A_3 = vector.shape_cast %get3A_2 : vector<1x2048x8xf32> to vector<2048x8xf32>
    %get3A_4 = arith.constant 1 : index
    %get3A_5 = arith.constant 0 : index
    %get3A_6 = arith.constant 0 : index
    %get3A_7 = vector.load %arg1[%get3A_4, %get3A_5, %get3A_6] : memref<2x2048x8xf32, #tpu.memory_space<vmem>>, vector<1x2048x8xf32>
    %get3A_8 = vector.shape_cast %get3A_7 : vector<1x2048x8xf32> to vector<2048x8xf32>
    %add3A = arith.addf %get3A_3, %get3A_8 : vector<2048x8xf32>
    %get3A_9 = arith.constant 0 : index
    %get3A_10 = arith.constant 0 : index
    %get3A_11 = vector.load %arg2[%get3A_9, %get3A_10] : memref<2048x1xf32, #tpu.memory_space<vmem>>, vector<2048x1xf32>
    %mul3A = vector.broadcast %get3A_11 : vector<2048x1xf32> to vector<2048x8xf32>
    %mul3A_12 = arith.mulf %add3A, %mul3A : vector<2048x8xf32>
    %get3A_13 = arith.constant 0 : index
    %get3A_14 = arith.constant 0 : index
    %get3A_15 = vector.load %arg5[%get3A_13, %get3A_14] : memref<8x16xf32, #tpu.memory_space<vmem>>, vector<8x16xf32>
    %dot_general3A = arith.constant dense<0.000000e+00> : vector<2048x16xf32>
    %dot_general3A_16 = tpu.matmul %mul3A_12, %get3A_15, %dot_general3A {dimension_numbers = #tpu.dot_dimension_numbers<[1], [0], [0], [1], [0, 0, 1, 1], [], []>, transpose_lhs_hint = false} : vector<2048x8xf32>, vector<8x16xf32>, vector<2048x16xf32> -> vector<2048x16xf32>
    %get3A_17 = arith.constant 0 : index
    %get3A_18 = arith.constant 0 : index
    %get3A_19 = vector.load %arg3[%get3A_17, %get3A_18] : memref<1x16xf32, #tpu.memory_space<vmem>>, vector<1x16xf32>
    %add3A_20 = vector.broadcast %get3A_19 : vector<1x16xf32> to vector<2048x16xf32>
    %add3A_21 = arith.addf %dot_general3A_16, %add3A_20 : vector<2048x16xf32>
    %max3A = arith.constant 0.000000e+00 : f32
    %max3A_22 = vector.broadcast %max3A : f32 to vector<2048x16xf32>
    %max3A_23 = arith.maximumf %add3A_21, %max3A_22 : vector<2048x16xf32>
    %get3A_24 = arith.constant 0 : index
    %get3A_25 = arith.constant 0 : index
    %get3A_26 = vector.load %arg4[%get3A_24, %get3A_25] : memref<2048x1xf32, #tpu.memory_space<vmem>>, vector<2048x1xf32>
    %mul3A_27 = vector.broadcast %get3A_26 : vector<2048x1xf32> to vector<2048x16xf32>
    %mul3A_28 = arith.mulf %max3A_23, %mul3A_27 : vector<2048x16xf32>
    %swap3A = arith.constant 0 : index
    %swap3A_29 = arith.constant 0 : index
    %swap3A_30 = vector.load %arg6[%swap3A, %swap3A_29] : memref<2048x16xf32, #tpu.memory_space<vmem>>, vector<2048x16xf32>
    tpu.vector_store %arg6[%swap3A, %swap3A_29], %mul3A_28 {strides = array<i32>} : memref<2048x16xf32, #tpu.memory_space<vmem>>, vector<2048x16xf32>,
    return
  }
  func.func @transform_0(%arg0: i32) -> (i32, i32, i32) {
    %c0_i32 = arith.constant 0 : i32
    %c0_i32_0 = arith.constant 0 : i32
    %c0_i32_1 = arith.constant 0 : i32
    return %c0_i32, %arg0, %c0_i32_0 : i32, i32, i32
  }
  func.func @transform_1(%arg0: i32) -> (i32, i32) {
    %c0_i32 = arith.constant 0 : i32
    %c0_i32_0 = arith.constant 0 : i32
    return %arg0, %c0_i32 : i32, i32
  }
  func.func @transform_2(%arg0: i32) -> (i32, i32) {
    %c0_i32 = arith.constant 0 : i32
    %c0_i32_0 = arith.constant 0 : i32
    %c0_i32_1 = arith.constant 0 : i32
    return %c0_i32, %c0_i32_0 : i32, i32
  }
  func.func @transform_3(%arg0: i32) -> (i32, i32) {
    %c0_i32 = arith.constant 0 : i32
    %c0_i32_0 = arith.constant 0 : i32
    return %arg0, %c0_i32 : i32, i32
  }
  func.func @transform_4(%arg0: i32) -> (i32, i32) {
    %c0_i32 = arith.constant 0 : i32
    %c0_i32_0 = arith.constant 0 : i32
    %c0_i32_1 = arith.constant 0 : i32
    return %c0_i32, %c0_i32_0 : i32, i32
  }
  func.func @transform_5(%arg0: i32) -> (i32, i32) {
    %c0_i32 = arith.constant 0 : i32
    %c0_i32_0 = arith.constant 0 : i32
    return %arg0, %c0_i32 : i32, i32
  }
}

module attributes {stable_mosaic.version = 14 : i64} {
  func.func @_tc3_body(%arg0: i32, %arg1: memref<2x2048x16xf32, #tpu.memory_space<vmem>>, %arg2: memref<2048x1xf32, #tpu.memory_space<vmem>>, %arg3: memref<1x16xf32, #tpu.memory_space<vmem>>, %arg4: memref<16x16xf32, #tpu.memory_space<vmem>>, %arg5: memref<16x1xf32, #tpu.memory_space<vmem>>, %arg6: memref<1x1xf32, #tpu.memory_space<vmem>>, %arg7: memref<2048x1xf32, #tpu.memory_space<vmem>>) attributes {dimension_semantics = [#tpu.dimension_semantics<arbitrary>], iteration_bounds = array<i64: 49>, scalar_prefetch = 0 : i64, scratch_operands = 0 : i64, tpu.core_type = #tpu.core_type<tc>, window_params = [{transform_indices = @transform_0, window_bounds = array<i64: 2, 2048, 16>}, {transform_indices = @transform_1, window_bounds = array<i64: 2048, 1>}, {pipeline_mode = #tpu.pipeline_mode<synchronous>, transform_indices = @transform_2, window_bounds = array<i64: 1, 16>}, {pipeline_mode = #tpu.pipeline_mode<synchronous>, transform_indices = @transform_3, window_bounds = array<i64: 16, 16>}, {pipeline_mode = #tpu.pipeline_mode<synchronous>, transform_indices = @transform_4, window_bounds = array<i64: 16, 1>}, {pipeline_mode = #tpu.pipeline_mode<synchronous>, transform_indices = @transform_5, window_bounds = array<i64: 1, 1>}, {transform_indices = @transform_6, window_bounds = array<i64: 2048, 1>}]} {
    %get3A = arith.constant 0 : index
    %get3A_0 = arith.constant 0 : index
    %get3A_1 = arith.constant 0 : index
    %get3A_2 = vector.load %arg1[%get3A, %get3A_0, %get3A_1] : memref<2x2048x16xf32, #tpu.memory_space<vmem>>, vector<1x2048x16xf32>
    %get3A_3 = vector.shape_cast %get3A_2 : vector<1x2048x16xf32> to vector<2048x16xf32>
    %get3A_4 = arith.constant 1 : index
    %get3A_5 = arith.constant 0 : index
    %get3A_6 = arith.constant 0 : index
    %get3A_7 = vector.load %arg1[%get3A_4, %get3A_5, %get3A_6] : memref<2x2048x16xf32, #tpu.memory_space<vmem>>, vector<1x2048x16xf32>
    %get3A_8 = vector.shape_cast %get3A_7 : vector<1x2048x16xf32> to vector<2048x16xf32>
    %add3A = arith.addf %get3A_3, %get3A_8 : vector<2048x16xf32>
    %get3A_9 = arith.constant 0 : index
    %get3A_10 = arith.constant 0 : index
    %get3A_11 = vector.load %arg2[%get3A_9, %get3A_10] : memref<2048x1xf32, #tpu.memory_space<vmem>>, vector<2048x1xf32>
    %mul3A = vector.broadcast %get3A_11 : vector<2048x1xf32> to vector<2048x16xf32>
    %mul3A_12 = arith.mulf %add3A, %mul3A : vector<2048x16xf32>
    %get3A_13 = arith.constant 0 : index
    %get3A_14 = arith.constant 0 : index
    %get3A_15 = vector.load %arg4[%get3A_13, %get3A_14] : memref<16x16xf32, #tpu.memory_space<vmem>>, vector<16x16xf32>
    %dot_general3A = arith.constant dense<0.000000e+00> : vector<2048x16xf32>
    %dot_general3A_16 = tpu.matmul %mul3A_12, %get3A_15, %dot_general3A {dimension_numbers = #tpu.dot_dimension_numbers<[1], [0], [0], [1], [0, 0, 1, 1], [], []>, transpose_lhs_hint = false} : vector<2048x16xf32>, vector<16x16xf32>, vector<2048x16xf32> -> vector<2048x16xf32>
    %get3A_17 = arith.constant 0 : index
    %get3A_18 = arith.constant 0 : index
    %get3A_19 = vector.load %arg3[%get3A_17, %get3A_18] : memref<1x16xf32, #tpu.memory_space<vmem>>, vector<1x16xf32>
    %add3A_20 = vector.broadcast %get3A_19 : vector<1x16xf32> to vector<2048x16xf32>
    %add3A_21 = arith.addf %dot_general3A_16, %add3A_20 : vector<2048x16xf32>
    %max3A = arith.constant 0.000000e+00 : f32
    %max3A_22 = vector.broadcast %max3A : f32 to vector<2048x16xf32>
    %max3A_23 = arith.maximumf %add3A_21, %max3A_22 : vector<2048x16xf32>
    %get3A_24 = arith.constant 0 : index
    %get3A_25 = arith.constant 0 : index
    %get3A_26 = vector.load %arg5[%get3A_24, %get3A_25] : memref<16x1xf32, #tpu.memory_space<vmem>>, vector<16x1xf32>
    %dot_general3A_27 = arith.constant dense<0.000000e+00> : vector<2048x1xf32>
    %dot_general3A_28 = tpu.matmul %max3A_23, %get3A_26, %dot_general3A_27 {dimension_numbers = #tpu.dot_dimension_numbers<[1], [0], [0], [1], [0, 0, 1, 1], [], []>, transpose_lhs_hint = false} : vector<2048x16xf32>, vector<16x1xf32>, vector<2048x1xf32> -> vector<2048x1xf32>
    %get3A_29 = arith.constant 0 : index
    %get3A_30 = arith.constant 0 : index
    %get3A_31 = vector.load %arg6[%get3A_29, %get3A_30] : memref<1x1xf32, #tpu.memory_space<vmem>>, vector<1x1xf32>
    %add3A_32 = vector.broadcast %get3A_31 : vector<1x1xf32> to vector<2048x1xf32>
    %add3A_33 = arith.addf %dot_general3A_28, %add3A_32 : vector<2048x1xf32>
    %swap3A = arith.constant 0 : index
    %swap3A_34 = arith.constant 0 : index
    %swap3A_35 = vector.load %arg7[%swap3A, %swap3A_34] : memref<2048x1xf32, #tpu.memory_space<vmem>>, vector<2048x1xf32>
    tpu.vector_store %arg7[%swap3A, %swap3A_34], %add3A_33 {strides = array<i32>} : memref<2048x1xf32, #tpu.memory_space<vmem>>, vector<2048x1xf32>,
    return
  }
  func.func @transform_0(%arg0: i32) -> (i32, i32, i32) {
    %c0_i32 = arith.constant 0 : i32
    %c0_i32_0 = arith.constant 0 : i32
    %c0_i32_1 = arith.constant 0 : i32
    return %c0_i32, %arg0, %c0_i32_0 : i32, i32, i32
  }
  func.func @transform_1(%arg0: i32) -> (i32, i32) {
    %c0_i32 = arith.constant 0 : i32
    %c0_i32_0 = arith.constant 0 : i32
    return %arg0, %c0_i32 : i32, i32
  }
  func.func @transform_2(%arg0: i32) -> (i32, i32) {
    %c0_i32 = arith.constant 0 : i32
    %c0_i32_0 = arith.constant 0 : i32
    %c0_i32_1 = arith.constant 0 : i32
    return %c0_i32, %c0_i32_0 : i32, i32
  }
  func.func @transform_3(%arg0: i32) -> (i32, i32) {
    %c0_i32 = arith.constant 0 : i32
    %c0_i32_0 = arith.constant 0 : i32
    %c0_i32_1 = arith.constant 0 : i32
    return %c0_i32, %c0_i32_0 : i32, i32
  }
  func.func @transform_4(%arg0: i32) -> (i32, i32) {
    %c0_i32 = arith.constant 0 : i32
    %c0_i32_0 = arith.constant 0 : i32
    %c0_i32_1 = arith.constant 0 : i32
    return %c0_i32, %c0_i32_0 : i32, i32
  }
  func.func @transform_5(%arg0: i32) -> (i32, i32) {
    %c0_i32 = arith.constant 0 : i32
    %c0_i32_0 = arith.constant 0 : i32
    %c0_i32_1 = arith.constant 0 : i32
    return %c0_i32, %c0_i32_0 : i32, i32
  }
  func.func @transform_6(%arg0: i32) -> (i32, i32) {
    %c0_i32 = arith.constant 0 : i32
    %c0_i32_0 = arith.constant 0 : i32
    return %arg0, %c0_i32 : i32, i32
  }
}

</mosaic_0001>

<sc_bundles>
// kernel: kernel.11.cloned.1.call-start
scs
__scs_entry_jumppad:
0x0: {  	(pc) =	sbr.rel $0x88, $3  }
0x1: {  	(tag) =	ssettag $0x0;
	lr =	simm.s32 $0x1  }
0x2: {  	[smem:$0x3F99] =	sst lr;
	_ =	strace $0xD0000000  }
0x3: {  	_ = 	snop  }
0x4: {  	_ = 	snop  }
0x5: {  	_ = 	snop  }
0x6: {  	_ = 	snop  }
0x7: {  	_ = 	snop  }
__scs_overlays_trampoline_lowered:
0x8: {  	[smem:$0x3FA8] =	sst s0  }
0x9: {  	[smem:$0x3FA9] =	sst s1  }
0xa: {  	[smem:$0x3FAA] =	sst s2  }
0xb: {  	[smem:$0x3FAB] =	sst s3  }
0xc: {  	[smem:$0x3FAC] =	sst s4  }
0xd: {  	[smem:$0x3FAD] =	sst s5  }
0xe: {  	[smem:$0x3FAE] =	sst s6  }
0xf: {  	[smem:$0x3FAF] =	sst s7  }
0x10: {  	[smem:$0x3FB0] =	sst s8  }
0x11: {  	[smem:$0x3FB1] =	sst s9;
	s0 =	simm.s32 @!p0 $0x0  }
0x12: {  	s1 =	sld [smem:$0x3F97];
	s0 =	simm.s32 @p0 $0x1  }
0x13: {  	[smem:$0x3FB2] =	sst s0;
	s0 =	simm.s32 @!p1 $0x0  }
0x14: {  	s2 =	sld [smem:$0x3F96];
	s0 =	simm.s32 @p1 $0x1  }
0x15: {  	[smem:$0x3FB3] =	sst s0;
	s0 =	simm.s32 @!p2 $0x0  }
0x16: {  	s3 =	sld [smem:$0x3FDB];
	s0 =	simm.s32 @p2 $0x1  }
0x17: {  	s4 =	simm.s32 $0x1BF5;
	[smem:$0x3FB5] =	sst s0  }
0x18: {  	s0 =	sld [smem:$0x3F98];
	_ =	swait.ge [sflag:s4], $0x0  }
0x19: {  	s7 =	sld [smem:$0x3F99]  }
0x1a: {  	s8 =	sadd.s32 $0xFFFFE003, lr  }
0x1b: {  	s9 =	sadd.s32 $0xFFFFFEF7, lr;
	s5 =	simm.s32 $0xFFFFFFFF;
	p2 =	slt.u32 s8, $0xFFFFF086  }
0x1c: {  	p1 =	slt.u32 s9, $0xF7A;
	s5 =	simm.s32 @!p2 $0x0  }
0x1d: {  	s5 =	simm.s32 @p1 $0x1;
	p0 =	seq.s32 s7, s2  }
0x1e: {  	s7 =	smul.u32 @!p0 $0xF7A, s2;
	p2 =	seq.s32 @!p0 s5, $0x0  }
0x1f: {  	s9 =	smul.u32 $0xF7A, s1;
	s8 =	simm.s32 @!p0 $0x1BF5;
	p2 =	por !p2, p0  }
0x20: {  	[sflag:s8] =	ssyncset.s32 @!p0 $0xFFFFF086;
	s6 =	sadd.s32 @!p0 s3, s7;
	s7 =	simm.s32 @!p0 $0x108  }
0x21: {  	s3 =	sadd.s32 s3, s9;
	s6 =	sadd.s32 @!p0 $0x88, s6;
	s7 =	simm.s32 @p2 $0x1082  }
0x22: {  	[simem:s7], [sflag:s8] =	dma.local @!p0 [hbm:s6], $0xF7A  }
0x23: {  	s9 =	sor.u32 $0xD0000000, s2;
	s6 =	simm.s32 $0x108;
	_ =	swait.ge @!p0 [sflag:s8], $0x0  }
0x24: {  	s3 =	sadd.s32 $0x88, s3;
	s6 =	simm.s32 @!p1 $0x1082;
	[sflag:s4] =	ssyncset.s32 $0xFFFFF086  }
0x25: {  	[simem:s6], [sflag:s4] =	dma.local [hbm:s3], $0xF7A  }
0x26: {  	[smem:$0x3F99] =	sst s1;
	(tag) =	ssettag s2;
	_ =	strace s9  }
0x27: {  	s1 =	sld [smem:$0x3FA9]  }
0x28: {  	s2 =	sld [smem:$0x3FAA]  }
0x29: {  	s4 =	sld [smem:$0x3FAC]  }
0x2a: {  	p0 =	seq.s32 s5, $0x0;
	s5 =	sld [smem:$0x3FAD]  }
0x2b: {  	s6 =	sld [smem:$0x3FAE]  }
0x2c: {  	s7 =	sld [smem:$0x3FAF]  }
0x2d: {  	s3 =	simm.s32 $0x108;
	s8 =	sld [smem:$0x3FB0]  }
0x2e: {  	s3 =	simm.s32 @!p0 $0x1082;
	s9 =	sld [smem:$0x3FB1]  }
0x2f: {  	lr =	sadd.s32 s0, s3;
	s0 =	sld [smem:$0x3FA8]  }
0x30: {  	s3 =	sld [smem:$0x3FAB]  }
0x31: {  	[smem:$0x3FB4] =	sst s10  }
0x32: {  	s10 =	sld [smem:$0x3FB2];
	_ =	sdelay $0x3  }
0x33: {  	p0 =	seq.s32 s10, $0x1;
	s10 =	sld [smem:$0x3FB4];
	_ =	sdelay $0x3  }
0x34: {  	[smem:$0x3FB4] =	sst s10  }
0x35: {  	s10 =	sld [smem:$0x3FB3];
	_ =	sdelay $0x3  }
0x36: {  	p1 =	seq.s32 s10, $0x1;
	s10 =	sld [smem:$0x3FB4];
	_ =	sdelay $0x3  }
0x37: {  	[smem:$0x3FB4] =	sst s10  }
0x38: {  	s10 =	sld [smem:$0x3FB5]  }
0x39: {  	_ = 	snop;
	(pc) =	sbr.ind lr, $3  }
0x3a: {  	_ = 	snop  }
0x3b: {  	_ = 	snop  }
0x3c: {  	p2 =	seq.s32 s10, $0x1;
	s10 =	sld [smem:$0x3FB4]  }
0x3d: {  	_ =	shalt  }
0x3e: {  	_ =	shalt  }
0x3f: {  	_ =	shalt  }
0x40: {  	_ =	shalt  }
0x41: {  	_ =	shalt  }
0x42: {  	_ =	shalt  }
0x43: {  	_ =	shalt  }
0x44: {  	_ =	shalt  }
0x45: {  	_ =	shalt  }
0x46: {  	_ =	shalt  }
0x47: {  	_ =	shalt  }
0x48: {  	_ =	shalt  }
0x49: {  	_ =	shalt  }
0x4a: {  	_ =	shalt  }
0x4b: {  	_ =	shalt  }
0x4c: {  	_ =	shalt  }
0x4d: {  	_ =	shalt  }
0x4e: {  	_ =	shalt  }
0x4f: {  	_ =	shalt  }
0x50: {  	_ =	shalt  }
0x51: {  	_ =	shalt  }
0x52: {  	_ =	shalt  }
0x53: {  	_ =	shalt  }
0x54: {  	_ =	shalt  }
0x55: {  	_ =	shalt  }
0x56: {  	_ =	shalt  }
0x57: {  	_ =	shalt  }
0x58: {  	_ =	shalt  }
0x59: {  	_ =	shalt  }
0x5a: {  	_ =	shalt  }
0x5b: {  	_ =	shalt  }
0x5c: {  	_ =	shalt  }
0x5d: {  	_ =	shalt  }
0x5e: {  	_ =	shalt  }
0x5f: {  	_ =	shalt  }
0x60: {  	_ =	shalt  }
0x61: {  	_ =	shalt  }
0x62: {  	_ =	shalt  }
0x63: {  	_ =	shalt  }
0x64: {  	_ =	shalt  }
0x65: {  	_ =	shalt  }
0x66: {  	_ =	shalt  }
0x67: {  	_ =	shalt  }
0x68: {  	_ =	shalt  }
0x69: {  	_ =	shalt  }
0x6a: {  	_ =	shalt  }
0x6b: {  	_ =	shalt  }
0x6c: {  	_ =	shalt  }
0x6d: {  	_ =	shalt  }
0x6e: {  	_ =	shalt  }
0x6f: {  	_ =	shalt  }
0x70: {  	_ =	shalt  }
0x71: {  	_ =	shalt  }
0x72: {  	_ =	shalt  }
0x73: {  	_ =	shalt  }
0x74: {  	_ =	shalt  }
0x75: {  	_ =	shalt  }
0x76: {  	_ =	shalt  }
0x77: {  	_ =	shalt  }
0x78: {  	_ =	shalt  }
0x79: {  	_ =	shalt  }
0x7a: {  	_ =	shalt  }
0x7b: {  	_ =	shalt  }
0x7c: {  	_ =	shalt  }
0x7d: {  	_ =	shalt  }
0x7e: {  	_ =	shalt  }
0x7f: {  	_ =	shalt  }
0x80: {  	_ =	shalt  }
0x81: {  	_ =	shalt  }
0x82: {  	_ =	shalt  }
0x83: {  	_ =	shalt  }
0x84: {  	_ =	shalt  }
0x85: {  	_ =	shalt  }
0x86: {  	_ =	shalt  }
0x87: {  	_ =	shalt  }
.Lfunc_end0:
.L_simem_size_0:
called_computation.1_lowered:
.L_overlay_start_0:
0x88: {  	s2 =	sld [smem:$0x3FD9]  }
0x89: {  	s3 =	sld [smem:$0x3FFE];
	_ =	sdelay $0x1  }
0x8a: {  	s1 =	srdreg.scid  }
0x8b: {  	s0 =	sand.u32 $0x1, s1  }
0x8c: {  	s16 =	sshll.u32 s0, $0xA;
	s2 =	sadd.s32 s3, s2  }
0x8d: {  	s2 =	sadd.s32 s2, s16  }
0x8e: {  	[smem:$0x3FC0] =	sst s2  }
0x8f: {  	_ = 	snop  }
0x90: {  	(tm) =	ssettm $0x1  }
0x91: {  	s17 =	sld [smem:$0x3FFB];
	_ =	sdelay $0x3  }
0x92: {  	_ =	strace s17  }
0x93: {  	s2 =	sld [smem:$0x3FFC];
	_ =	sdelay $0x3  }
0x94: {  	_ =	strace s2  }
0x95: {  	s2 =	sld [smem:$0x3FFD];
	_ =	sdelay $0x3  }
0x96: {  	_ =	strace s2  }
0x97: {  	_ =	strace $0x8FFFFFFF  }
0x98: {  	s18 =	sld [smem:$0x3FDB];
	_ =	sdelay $0x1  }
0x99: {  	s19 =	simm.s32 $_scs_section_size  }
0x9a: {  	s4 =	simm.s32 $_size__tile_overlayer_lowered;
	s5 =	simm.s32 $_tile_overlayer_lowered  }
0x9b: {  	s22 =	simm.s32 $0x1BFF;
	s21 =	sshll.u32 s5, $0x1;
	s2 =	sadd.s32 s19, s18  }
0x9c: {  	s6 =	simm.s32 $0x0;
	s20 =	sshll.u32 s4, $0x1;
	s4 =	sadd.s32 s21, s2  }
0x9d: {  	[timem:s6], [sflag:s22] =	dma.local [hbm:s4], s20  }
0x9e: {  	_ =	swait.ge [sflag:s22], s20  }
0x9f: {  	s3 =	ssub.s32 $0x0, s20;
	[sflag:s22] =	ssyncset.done $0x0  }
0xa0: {  	[sflag:s22] =	ssyncadd.s32 s3;
	_ =	sdelay $0x1  }
0xa1: {  	s23 =	simm.s32 $0x1B8B  }
0xa2: {  	_ =	swait.ge [sflag:s23], $0x1  }
0xa3: {  	[sflag:s23] =	ssyncset.done $0x0  }
0xa4: {  	s25 =	simm.s32 $0x1B8E;
	s24 =	sld [smem:$0x3FFE];
	[sflag:s23] =	ssyncadd.s32 $0xFFFFFFFF  }
0xa5: {  	s26 =	simm.s32 $execute0_lowered;
	[smem:$0x3FD2] =	sst s25  }
0xa6: {  	s4 =	sshll.u32 s26, $0x1;
	_ =	strace $0x80000049;
	[dreg:$0x1] =	wrdreg $0xFFFFFFFF  }
0xa7: {  	s28 =	simm.s32 $_size_execute0_lowered;
	s2 =	sadd.s32 s2, s4;
	[dreg:$0x0] =	wrdreg $0x0  }
0xa8: {  	s4 =	sshll.u32 s28, $0x1;
	[dreg:$0x2] =	wrdreg s2  }
0xa9: {  	[dreg:$0x3] =	wrdreg s4  }
0xaa: {  	[dreg:$0x4] =	wrdreg $0xC0  }
0xab: {  	_ =	task [dreg:s6], $0x5FFFF  }
0xac: {  	[dreg:$0x1] =	wrdreg $0xFFFFFFFF  }
0xad: {  	[dreg:$0x0] =	wrdreg $0x60  }
0xae: {  	[dreg:$0x2] =	wrdreg s24  }
0xaf: {  	[dreg:$0x3] =	wrdreg $0x30000  }
0xb0: {  	[dreg:$0x4] =	wrdreg $0x9  }
0xb1: {  	_ =	task.clear_ibuf [dreg:s6], $0x5FFFF;
	_ =	strace $0x90000049  }
0xb2: {  	s29 =	simm.s32 $0x9;
	_ =	strace $0x8000004B  }
0xb3: {  	_ =	swait.ge [sflag:s29], $0x1  }
0xb4: {  	[sflag:s29] =	ssyncadd.s32 $0xFFFFFFFF  }
0xb5: {  	_ =	strace $0x9000004B  }
0xb6: {  	_ =	sfence  }
0xb7: {  	s30 =	sld [smem:$0x0];
	_ =	sdelay $0x2  }
0xb8: {  	s31 =	sshll.u32 s1, $0xD;
	s1 =	sshrl.u32 s1, $0x2  }
0xb9: {  	s3 =	sand.u32 $0x4000, s31;
	s1 =	sadd.s32 s1, s30  }
0xba: {  	s0 =	sor.u32 s3, s0;
	s1 =	sshll.u32 s1, $0x11  }
0xbb: {  	s0 =	sor.u32 s1, s0  }
0xbc: {  	s0 =	sadd.s32 $0x8F2B, s0  }
0xbd: {  	[sflag:s0] =	ssyncadd.remote.s32 $0x1  }
0xbe: {  	_ =	sfence.sel $0xFFFF  }
0xbf: {  	[dreg:$0x0] =	wrdreg $0xFFFFFFFF;
	(pc) =	sbr.abs _section_cstart, $3  }
0xc0: {  	[dreg:$0x1] =	wrdreg $0xFFFFFFFF  }
0xc1: {  	_ =	task.clear_ibuf [dreg:s6], $0x2FFFF;
	_ =	strace $0x9FFFFFFF  }
0xc2: {  	(tm) =	ssettm $0x7FFFFFFF  }
0xc3: {  	_ =	shalt  }
tec
execute0_lowered:
.L_overlay_start_1:
0x0: {  	(tag) =	ssettag $0x1  }
0x1: {  	s0 =	rddreg [dreg:$0x0]  }
0x2: {  	s2 =	rddreg [dreg:$0x1];
	s3 =	simm.s32 $0x0;
	s15 =	stileid.u32  }
0x3: {  	s4 =	srdreg.scid;
	s28 =	simm.s32 $0x3;
	s29 =	simm.s32 $0x8  }
0x4: {  	s30 =	simm.s32 $0x4;
	s31 =	simm.s32 $0x0;
	[smem:$0x7FF] =	sst s3  }
0x5: {  	s1 =	smul.u32 $0xC400, s15;
	s5 =	sand.u32 $0x1, s4;
	s4 =	sadd.s32 $0x1A400, s0  }
0x6: {  	s12 =	sadd.s32 $0x18B200, s0;
	s13 =	sadd.s32 $0xC5200, s0;
	s9 =	smul.u32 $0xC60, s15  }
0x7: {  	s26 =	sshll.u32 s15, $0x1;
	_ =	strace $0x8000004A;
	s7 =	smul.u32 $0xC4000, s5  }
0x8: {  	s8 =	ssub.s32 $0x2, s5;
	s11 =	smul.u32 $0x630, s5;
	s5 =	sor.u32 s5, s26  }
0x9: {  	s26 =	simm.s32 $0x400;
	s6 =	sshrl.u32 s1, $0x3;
	s10 =	sshrl.u32 s8, $0x1  }
0xa: {  	s5 =	smul.u32 $0x6300, s5;
	[dreg:$0xb] =	wrdreg s26;
	s26 =	simm.s32 $0x2  }
0xb: {  	s6 =	sadd.s32 s6, s0;
	s7 =	sadd.s32 s1, s7;
	s14 =	ssub.s32 s8, s10  }
0xc: {  	s1 =	sadd.s32 s1, s2;
	s8 =	sshll.u32 s15, $0x6;
	s7 =	sshrl.u32 s7, $0x3  }
0xd: {  	[dreg:$0xc] =	wrdreg s1;
	s6 =	sadd.s32 $0x1C00, s6;
	s15 =	sadd.s32 s13, s5  }
0xe: {  	s0 =	sadd.s32 s7, s0;
	s7 =	sadd.s32 s11, s9;
	[dreg:$0xd] =	wrdreg s6  }
0xf: {  	s11 =	sadd.s32 s12, s5;
	[dreg:$0xf] =	wrdreg s15;
	s5 =	sor.u32 $0x40, s5  }
0x10: {  	s15 =	simm.s32 $0x800;
	[dreg:$0xe] =	wrdreg s11;
	s21 =	sadd.s32 s12, s5  }
0x11: {  	s1 =	sshll.u32 s7, $0x4;
	s5 =	sadd.s32 s13, s5;
	[dreg:$0x10] =	wrdreg s21  }
0x12: {  	s0 =	sadd.s32 $0x32C00, s0;
	s9 =	sadd.s32 $0x140, s1;
	[dreg:$0x11] =	wrdreg s5  }
0x13: {  	s7 =	sor.u32 $0x1C09, s8;
	[dreg:$0x12] =	wrdreg s0;
	s16 =	sadd.s32 s9, s12  }
0x14: {  	s17 =	sadd.s32 $0x100, s1;
	s6 =	sadd.s32 s9, s13;
	[dreg:$0x3] =	wrdreg s16  }
0x15: {  	s20 =	sor.u32 $0xC0, s1;
	s18 =	sadd.s32 s17, s12;
	[dreg:$0x4] =	wrdreg s6  }
0x16: {  	s1 =	sor.u32 $0x80, s1;
	s19 =	sadd.s32 s17, s13;
	[dreg:$0x5] =	wrdreg s18  }
0x17: {  	s21 =	simm.s32 $0x600;
	s22 =	sadd.s32 s20, s12;
	[dreg:$0x6] =	wrdreg s19  }
0x18: {  	s23 =	sadd.s32 s20, s13;
	s24 =	sadd.s32 s1, s12;
	[dreg:$0x7] =	wrdreg s22  }
0x19: {  	s25 =	sadd.s32 s1, s13;
	s13 =	smax.u32 s14, $0x1;
	[dreg:$0x8] =	wrdreg s23  }
0x1a: {  	s14 =	simm.s32 $0x9;
	s17 =	simm.s32 $0xA00;
	[dreg:$0x9] =	wrdreg s24  }
0x1b: {  	s20 =	simm.s32 $0x1000;
	[dreg:$0xa] =	wrdreg s25;
	s16 =	simm.s32 $0x200  }
0x1c: {  	s18 =	simm.s32 $0xC00;
	s19 =	simm.s32 $0x5;
	s22 =	simm.s32 $0xE00  }
0x1d: {  	s23 =	simm.s32 $0x6;
	s24 =	simm.s32 $0x2000;
	s25 =	simm.s32 $0x1  }
.LBB2_1:
0x1e: {  	s0 =	rddreg [dreg:$0xc]  }
0x1f: {  	s1 =	rddreg [dreg:$0xd];
	s0 =	sshrl.u32 s0, $0x3  }
0x20: {  	[spmem:s0], [sflag:s7] =	dma.local [hbm:s1], $0x1880  }
0x21: {  	_ =	swait.ge [sflag:s14], $0x1880  }
0x22: {  	[sflag:s14] =	ssyncset.done $0x0  }
0x23: {  	[sflag:s14] =	ssyncadd.s32 $0xFFFFE780  }
0x24: {  	[bflag:$0x0] =	sbarrier.arrive $0xFFFF  }
0x25: {  	s9 =	rddreg [dreg:$0xe]  }
0x26: {  	[tilespmem:s3], [sflag:$0x5] =	stream.linear.gather [hbm4b:s9+s3], $0x200, $0x38;
	[tilespmem:$0xF400] =	vst v63  }
0x27: {  	s10 =	rddreg [dreg:$0xf]  }
0x28: {  	[tilespmem:s15], [sflag:$0x5] =	stream.linear.gather [hbm4b:s10+s3], $0x200, $0x38;
	[tilespmem:$0xF400] =	vst v63  }
0x29: {  	p0 =	por $0x1, $0x1;
	s11 =	rddreg [dreg:$0x10]  }
0x2a: {  	[tilespmem:s16], [sflag:$0x6] =	stream.linear.gather [hbm4b:s11+s3], $0x200, $0x38;
	[tilespmem:$0xF400] =	vst v63  }
0x2b: {  	s1 =	simm.s32 @!p0 $0x3;
	s12 =	rddreg [dreg:$0x11]  }
0x2c: {  	[tilespmem:s17], [sflag:$0x6] =	stream.linear.gather [hbm4b:s12+s3], $0x200, $0x38;
	[tilespmem:$0xF400] =	vst v63  }
0x2d: {  	_ =	swait.ge @!p0 [sflag:s1], $0x1000  }
0x2e: {  	s5 =	rddreg [dreg:$0x9]  }
0x2f: {  	s6 =	rddreg [dreg:$0xb];
	[sflag:s1] =	ssyncset.done @!p0 $0x0  }
0x30: {  	s8 =	rddreg [dreg:$0xa];
	[sflag:s1] =	ssyncadd.s32 @!p0 $0xFFFFF000;
	s5 =	sadd.s32 $0x0, s5  }
0x31: {  	[tilespmem:s6], [sflag:$0x7] =	stream.linear.gather [hbm4b:s5+s3], $0x200, $0x38;
	[tilespmem:$0xF400] =	vst v63  }
0x32: {  	s8 =	sadd.s32 $0x0, s8  }
0x33: {  	[tilespmem:s18], [sflag:$0x7] =	stream.linear.gather [hbm4b:s8+s3], $0x200, $0x38;
	[tilespmem:$0xF400] =	vst v63  }
0x34: {  	_ =	swait.ge [sflag:s19], $0x200  }
0x35: {  	[sflag:s19] =	ssyncset.done $0x0  }
0x36: {  	[sflag:s19] =	ssyncadd.s32 $0xFFFFFE00  }
0x37: {  	_ =	swait.ge [sflag:s19], $0x200  }
0x38: {  	[sflag:s19] =	ssyncset.done $0x0  }
0x39: {  	s1 =	simm.s32 @!p0 $0x4;
	[sflag:s19] =	ssyncadd.s32 $0xFFFFFE00  }
0x3a: {  	[tilespmem:s20], [sflag:$0x1] =	stream.indirect.gather [hbm4b:s4+s16], $0x8, s3, s16, $0xb8;
	[tilespmem:$0xF400] =	vst v63  }
0x3b: {  	_ =	swait.ge @!p0 [sflag:s1], $0x1000  }
0x3c: {  	s9 =	rddreg [dreg:$0x7];
	[sflag:s1] =	ssyncset.done @!p0 $0x0  }
0x3d: {  	s10 =	rddreg [dreg:$0x8];
	[sflag:s1] =	ssyncadd.s32 @!p0 $0xFFFFF000;
	s11 =	sadd.s32 $0x0, s9  }
0x3e: {  	[tilespmem:s21], [sflag:$0x8] =	stream.linear.gather [hbm4b:s11+s3], $0x200, $0x38;
	[tilespmem:$0xF400] =	vst v63  }
0x3f: {  	s12 =	sadd.s32 $0x0, s10  }
0x40: {  	[tilespmem:s22], [sflag:$0x8] =	stream.linear.gather [hbm4b:s12+s3], $0x200, $0x38;
	[tilespmem:$0xF400] =	vst v63  }
0x41: {  	_ =	swait.ge [sflag:s23], $0x200  }
0x42: {  	[sflag:s23] =	ssyncset.done $0x0  }
0x43: {  	[sflag:s23] =	ssyncadd.s32 $0xFFFFFE00  }
0x44: {  	_ =	swait.ge [sflag:s23], $0x200  }
0x45: {  	[sflag:s23] =	ssyncset.done $0x0  }
0x46: {  	[sflag:s23] =	ssyncadd.s32 $0xFFFFFE00  }
0x47: {  	[tilespmem:s24], [sflag:$0x2] =	stream.indirect.gather [hbm4b:s4+s16], $0x8, s16, s16, $0xb8;
	[tilespmem:$0xF400] =	vst v63  }
0x48: {  	_ =	swait.ge [sflag:s25], $0x1000  }
0x49: {  	[sflag:s25] =	ssyncset.done $0x0  }
0x4a: {  	[sflag:s25] =	ssyncadd.s32 $0xFFFFF000  }
0x4b: {  	[spmem:s2] =	stream.indirect.scatter.add.f32 [tilespmem:s20], [sflag:$0x3], $0x8, s15, s16, $0xb8;
	[tilespmem:$0xF400] =	vst v63  }
0x4c: {  	_ =	swait.ge [sflag:s26], $0x1000  }
0x4d: {  	[sflag:s26] =	ssyncset.done $0x0  }
0x4e: {  	[sflag:s26] =	ssyncadd.s32 $0xFFFFF000  }
0x4f: {  	[spmem:s2] =	stream.indirect.scatter.add.f32 [tilespmem:s24], [sflag:$0x4], $0x8, s17, s16, $0xb8;
	[tilespmem:$0xF400] =	vst v63  }
0x50: {  	_ =	swait.ge [sflag:s28], $0x1000  }
0x51: {  	p0 =	por $0x0, $0x0;
	[sflag:s28] =	ssyncset.done $0x0  }
0x52: {  	s1 =	simm.s32 @p0 $0x7;
	[sflag:s28] =	ssyncadd.s32 $0xFFFFF000  }
0x53: {  	_ =	swait.ge @p0 [sflag:s1], $0x200  }
0x54: {  	[sflag:s1] =	ssyncset.done @p0 $0x0  }
0x55: {  	[sflag:s1] =	ssyncadd.s32 @p0 $0xFFFFFE00  }
0x56: {  	_ =	swait.ge @p0 [sflag:s1], $0x200  }
0x57: {  	s5 =	simm.s32 @p0 $0x1000;
	s6 =	simm.s32 @p0 $0x4;
	[sflag:s1] =	ssyncset.done @p0 $0x0  }
0x58: {  	s8 =	simm.s32 @p0 $0x400;
	[sflag:s1] =	ssyncadd.s32 @p0 $0xFFFFFE00;
	s1 =	simm.s32 @p0 $0x200  }
0x59: {  	[tilespmem:s5], [sflag:$0x1] =	stream.indirect.gather @p0 [hbm4b:s4+s1], $0x8, s8, s1, $0xb8;
	[tilespmem:$0xF400] =	vst v63  }
0x5a: {  	_ =	swait.ge @p0 [sflag:s6], $0x1000  }
0x5b: {  	s1 =	rddreg [dreg:$0x5]  }
0x5c: {  	[sflag:s6] =	ssyncset.done @p0 $0x0;
	s5 =	rddreg [dreg:$0x6]  }
0x5d: {  	[sflag:s6] =	ssyncadd.s32 @p0 $0xFFFFF000;
	s1 =	sadd.s32 @!p0 $0x0, s1;
	s6 =	simm.s32 @!p0 $0x0  }
0x5e: {  	[tilespmem:s6], [sflag:$0x5] =	stream.linear.gather @!p0 [hbm4b:s1+s6], $0x200, $0x38;
	[tilespmem:$0xF400] =	vst v63  }
0x5f: {  	s8 =	simm.s32 @!p0 $0x7;
	s1 =	sadd.s32 @!p0 $0x0, s5;
	s5 =	simm.s32 @!p0 $0x800  }
0x60: {  	[tilespmem:s5], [sflag:$0x5] =	stream.linear.gather @!p0 [hbm4b:s1+s6], $0x200, $0x38;
	[tilespmem:$0xF400] =	vst v63  }
0x61: {  	_ =	swait.ge @!p0 [sflag:s8], $0x200  }
0x62: {  	[sflag:s8] =	ssyncset.done @!p0 $0x0  }
0x63: {  	[sflag:s8] =	ssyncadd.s32 @!p0 $0xFFFFFE00  }
0x64: {  	_ =	swait.ge @!p0 [sflag:s8], $0x200  }
0x65: {  	s9 =	simm.s32 @!p0 $0x400;
	s1 =	simm.s32 @!p0 $0x1000;
	[sflag:s8] =	ssyncset.done @!p0 $0x0  }
0x66: {  	s5 =	simm.s32 @!p0 $0x4;
	[sflag:s8] =	ssyncadd.s32 @!p0 $0xFFFFFE00;
	s8 =	simm.s32 @!p0 $0x200  }
0x67: {  	[tilespmem:s1], [sflag:$0x1] =	stream.indirect.gather @!p0 [hbm4b:s4+s8], $0x8, s9, s8, $0xb8;
	[tilespmem:$0xF400] =	vst v63  }
0x68: {  	_ =	swait.ge @!p0 [sflag:s5], $0x1000  }
0x69: {  	s1 =	rddreg [dreg:$0x3];
	[sflag:s5] =	ssyncset.done @!p0 $0x0  }
0x6a: {  	s9 =	rddreg [dreg:$0x4];
	[sflag:s5] =	ssyncadd.s32 @!p0 $0xFFFFF000;
	s1 =	sadd.s32 @!p0 $0x0, s1  }
0x6b: {  	[tilespmem:s8], [sflag:$0x6] =	stream.linear.gather @!p0 [hbm4b:s1+s6], $0x200, $0x38;
	[tilespmem:$0xF400] =	vst v63  }
0x6c: {  	s5 =	simm.s32 @!p0 $0xA00;
	s1 =	sadd.s32 @!p0 $0x0, s9  }
0x6d: {  	[tilespmem:s5], [sflag:$0x6] =	stream.linear.gather @!p0 [hbm4b:s1+s6], $0x200, $0x38;
	[tilespmem:$0xF400] =	vst v63  }
0x6e: {  	_ =	swait.ge [sflag:s29], $0x200  }
0x6f: {  	[sflag:s29] =	ssyncset.done $0x0  }
0x70: {  	[sflag:s29] =	ssyncadd.s32 $0xFFFFFE00  }
0x71: {  	_ =	swait.ge [sflag:s29], $0x200  }
0x72: {  	[sflag:s29] =	ssyncset.done $0x0  }
0x73: {  	[sflag:s29] =	ssyncadd.s32 $0xFFFFFE00  }
0x74: {  	[tilespmem:s24], [sflag:$0x2] =	stream.indirect.gather [hbm4b:s4+s16], $0x8, s21, s16, $0xb8;
	[tilespmem:$0xF400] =	vst v63  }
0x75: {  	_ =	swait.ge [sflag:s25], $0x1000  }
0x76: {  	[sflag:s25] =	ssyncset.done $0x0  }
0x77: {  	[sflag:s25] =	ssyncadd.s32 $0xFFFFF000  }
0x78: {  	[spmem:s2] =	stream.indirect.scatter.add.f32 [tilespmem:s20], [sflag:$0x3], $0x8, s18, s16, $0xb8;
	[tilespmem:$0xF400] =	vst v63  }
0x79: {  	p1 =	por $0x0, $0x0;
	_ =	swait.ge [sflag:s26], $0x1000  }
0x7a: {  	s1 =	simm.s32 $0x100;
	s5 =	simm.s32 $0x200;
	[sflag:s26] =	ssyncset.done $0x0  }
.LBB2_2:
0x7b: {  	s8 =	simm.s32 @!p1 $0x3;
	[sflag:s26] =	ssyncadd.s32 $0xFFFFF000  }
0x7c: {  	[spmem:s2] =	stream.indirect.scatter.add.f32 [tilespmem:s24], [sflag:$0x4], $0x8, s22, s16, $0xb8;
	[tilespmem:$0xF400] =	vst v63  }
0x7d: {  	_ =	swait.ge @!p1 [sflag:s8], $0x1000  }
0x7e: {  	s9 =	rddreg [dreg:$0x9]  }
0x7f: {  	[sflag:s8] =	ssyncset.done @!p1 $0x0;
	s12 =	rddreg [dreg:$0xb]  }
0x80: {  	s10 =	rddreg [dreg:$0xa];
	[sflag:s8] =	ssyncadd.s32 @!p1 $0xFFFFF000;
	s9 =	sadd.s32 s1, s9  }
0x81: {  	[tilespmem:s12], [sflag:$0x7] =	stream.linear.gather [hbm4b:s9+s3], $0x200, $0x38;
	[tilespmem:$0xF400] =	vst v63  }
0x82: {  	s10 =	sadd.s32 s1, s10  }
0x83: {  	[tilespmem:s18], [sflag:$0x7] =	stream.linear.gather [hbm4b:s10+s3], $0x200, $0x38;
	[tilespmem:$0xF400] =	vst v63  }
0x84: {  	_ =	swait.ge [sflag:s19], $0x200  }
0x85: {  	[sflag:s19] =	ssyncset.done $0x0  }
0x86: {  	[sflag:s19] =	ssyncadd.s32 $0xFFFFFE00  }
0x87: {  	_ =	swait.ge [sflag:s19], $0x200  }
0x88: {  	[sflag:s19] =	ssyncset.done $0x0  }
0x89: {  	s8 =	simm.s32 @!p1 $0x4;
	[sflag:s19] =	ssyncadd.s32 $0xFFFFFE00  }
0x8a: {  	[tilespmem:s20], [sflag:$0x1] =	stream.indirect.gather [hbm4b:s4+s16], $0x8, s3, s16, $0xb8;
	[tilespmem:$0xF400] =	vst v63  }
0x8b: {  	_ =	swait.ge @!p1 [sflag:s8], $0x1000  }
0x8c: {  	s11 =	rddreg [dreg:$0x7];
	[sflag:s8] =	ssyncset.done @!p1 $0x0  }
0x8d: {  	s12 =	rddreg [dreg:$0x8];
	[sflag:s8] =	ssyncadd.s32 @!p1 $0xFFFFF000;
	s11 =	sadd.s32 s1, s11  }
0x8e: {  	[tilespmem:s21], [sflag:$0x8] =	stream.linear.gather [hbm4b:s11+s3], $0x200, $0x38;
	[tilespmem:$0xF400] =	vst v63  }
0x8f: {  	s12 =	sadd.s32 s1, s12  }
0x90: {  	[tilespmem:s22], [sflag:$0x8] =	stream.linear.gather [hbm4b:s12+s3], $0x200, $0x38;
	[tilespmem:$0xF400] =	vst v63  }
0x91: {  	_ =	swait.ge [sflag:s23], $0x200  }
0x92: {  	[sflag:s23] =	ssyncset.done $0x0  }
0x93: {  	[sflag:s23] =	ssyncadd.s32 $0xFFFFFE00  }
0x94: {  	_ =	swait.ge [sflag:s23], $0x200  }
0x95: {  	[sflag:s23] =	ssyncset.done $0x0  }
0x96: {  	[sflag:s23] =	ssyncadd.s32 $0xFFFFFE00  }
0x97: {  	[tilespmem:s24], [sflag:$0x2] =	stream.indirect.gather [hbm4b:s4+s16], $0x8, s16, s16, $0xb8;
	[tilespmem:$0xF400] =	vst v63  }
0x98: {  	_ =	swait.ge [sflag:s25], $0x1000  }
0x99: {  	[sflag:s25] =	ssyncset.done $0x0  }
0x9a: {  	[sflag:s25] =	ssyncadd.s32 $0xFFFFF000  }
0x9b: {  	[spmem:s2] =	stream.indirect.scatter.add.f32 [tilespmem:s20], [sflag:$0x3], $0x8, s15, s16, $0xb8;
	[tilespmem:$0xF400] =	vst v63  }
0x9c: {  	_ =	swait.ge [sflag:s26], $0x1000  }
0x9d: {  	[sflag:s26] =	ssyncset.done $0x0  }
0x9e: {  	[sflag:s26] =	ssyncadd.s32 $0xFFFFF000  }
0x9f: {  	[spmem:s2] =	stream.indirect.scatter.add.f32 [tilespmem:s24], [sflag:$0x4], $0x8, s17, s16, $0xb8;
	[tilespmem:$0xF400] =	vst v63  }
0xa0: {  	_ =	swait.ge [sflag:s28], $0x1000  }
0xa1: {  	p1 =	seq.s32 s1, $0x6200;
	[sflag:s28] =	ssyncset.done $0x0  }
0xa2: {  	s8 =	simm.s32 @p1 $0x7;
	[sflag:s28] =	ssyncadd.s32 $0xFFFFF000  }
0xa3: {  	_ =	swait.ge @p1 [sflag:s8], $0x200  }
0xa4: {  	[sflag:s8] =	ssyncset.done @p1 $0x0  }
0xa5: {  	[sflag:s8] =	ssyncadd.s32 @p1 $0xFFFFFE00  }
0xa6: {  	_ =	swait.ge @p1 [sflag:s8], $0x200  }
0xa7: {  	s9 =	simm.s32 @p1 $0x1000;
	s10 =	simm.s32 @p1 $0x4;
	[sflag:s8] =	ssyncset.done @p1 $0x0  }
0xa8: {  	s11 =	simm.s32 @p1 $0x400;
	[sflag:s8] =	ssyncadd.s32 @p1 $0xFFFFFE00;
	s8 =	simm.s32 @p1 $0x200  }
0xa9: {  	[tilespmem:s9], [sflag:$0x1] =	stream.indirect.gather @p1 [hbm4b:s4+s8], $0x8, s11, s8, $0xb8;
	[tilespmem:$0xF400] =	vst v63  }
0xaa: {  	_ =	swait.ge @p1 [sflag:s10], $0x1000  }
0xab: {  	s8 =	rddreg [dreg:$0x5]  }
0xac: {  	[sflag:s10] =	ssyncset.done @p1 $0x0;
	s9 =	rddreg [dreg:$0x6]  }
0xad: {  	[sflag:s10] =	ssyncadd.s32 @p1 $0xFFFFF000;
	s8 =	sadd.s32 @!p1 s1, s8;
	s10 =	simm.s32 @!p1 $0x0  }
0xae: {  	[tilespmem:s10], [sflag:$0x5] =	stream.linear.gather @!p1 [hbm4b:s8+s10], $0x200, $0x38;
	[tilespmem:$0xF400] =	vst v63  }
0xaf: {  	s11 =	simm.s32 @!p1 $0x7;
	s8 =	sadd.s32 @!p1 s1, s9;
	s9 =	simm.s32 @!p1 $0x800  }
0xb0: {  	[tilespmem:s9], [sflag:$0x5] =	stream.linear.gather @!p1 [hbm4b:s8+s10], $0x200, $0x38;
	[tilespmem:$0xF400] =	vst v63  }
0xb1: {  	_ =	swait.ge @!p1 [sflag:s11], $0x200  }
0xb2: {  	[sflag:s11] =	ssyncset.done @!p1 $0x0  }
0xb3: {  	[sflag:s11] =	ssyncadd.s32 @!p1 $0xFFFFFE00  }
0xb4: {  	_ =	swait.ge @!p1 [sflag:s11], $0x200  }
0xb5: {  	s12 =	simm.s32 @!p1 $0x400;
	s8 =	simm.s32 @!p1 $0x1000;
	[sflag:s11] =	ssyncset.done @!p1 $0x0  }
0xb6: {  	s9 =	simm.s32 @!p1 $0x4;
	[sflag:s11] =	ssyncadd.s32 @!p1 $0xFFFFFE00;
	s11 =	simm.s32 @!p1 $0x200  }
0xb7: {  	[tilespmem:s8], [sflag:$0x1] =	stream.indirect.gather @!p1 [hbm4b:s4+s11], $0x8, s12, s11, $0xb8;
	[tilespmem:$0xF400] =	vst v63  }
0xb8: {  	_ =	swait.ge @!p1 [sflag:s9], $0x1000  }
0xb9: {  	s8 =	rddreg [dreg:$0x3];
	[sflag:s9] =	ssyncset.done @!p1 $0x0  }
0xba: {  	s12 =	rddreg [dreg:$0x4];
	[sflag:s9] =	ssyncadd.s32 @!p1 $0xFFFFF000;
	s8 =	sadd.s32 @!p1 s1, s8  }
0xbb: {  	[tilespmem:s11], [sflag:$0x6] =	stream.linear.gather @!p1 [hbm4b:s8+s10], $0x200, $0x38;
	[tilespmem:$0xF400] =	vst v63  }
0xbc: {  	s9 =	simm.s32 @!p1 $0xA00;
	s8 =	sadd.s32 @!p1 s1, s12  }
0xbd: {  	[tilespmem:s9], [sflag:$0x6] =	stream.linear.gather @!p1 [hbm4b:s8+s10], $0x200, $0x38;
	[tilespmem:$0xF400] =	vst v63  }
0xbe: {  	_ =	swait.ge [sflag:s29], $0x200  }
0xbf: {  	[sflag:s29] =	ssyncset.done $0x0  }
0xc0: {  	[sflag:s29] =	ssyncadd.s32 $0xFFFFFE00  }
0xc1: {  	_ =	swait.ge [sflag:s29], $0x200  }
0xc2: {  	[sflag:s29] =	ssyncset.done $0x0  }
0xc3: {  	s6 =	smov.u32 s5;
	s5 =	sadd.s32 $0x100, s5;
	[sflag:s29] =	ssyncadd.s32 $0xFFFFFE00  }
0xc4: {  	[tilespmem:s24], [sflag:$0x2] =	stream.indirect.gather [hbm4b:s4+s16], $0x8, s21, s16, $0xb8;
	[tilespmem:$0xF400] =	vst v63  }
0xc5: {  	p0 =	sne.s32 s5, $0x6300;
	_ =	swait.ge [sflag:s25], $0x1000  }
.Ltmp0:
0xc6: {  	[sflag:s25] =	ssyncset.done $0x0;
	(pc) =	sbr.rel @p0 .LBB2_2-.Ltmp0, $4  }
0xc7: {  	[sflag:s25] =	ssyncadd.s32 $0xFFFFF000  }
0xc8: {  	[spmem:s2] =	stream.indirect.scatter.add.f32 [tilespmem:s20], [sflag:$0x3], $0x8, s18, s16, $0xb8;
	[tilespmem:$0xF400] =	vst v63  }
0xc9: {  	s1 =	smov.u32 s6;
	_ =	swait.ge [sflag:s26], $0x1000  }
0xca: {  	p1 =	seq.s32 s1, $0x0;
	[sflag:s26] =	ssyncset.done $0x0  }
0xcb: {  	s5 =	simm.s32 @!p1 $0x3;
	[sflag:s26] =	ssyncadd.s32 $0xFFFFF000  }
0xcc: {  	[spmem:s2] =	stream.indirect.scatter.add.f32 [tilespmem:s24], [sflag:$0x4], $0x8, s22, s16, $0xb8;
	[tilespmem:$0xF400] =	vst v63  }
0xcd: {  	_ =	swait.ge @!p1 [sflag:s5], $0x1000  }
0xce: {  	s6 =	rddreg [dreg:$0x9]  }
0xcf: {  	s8 =	rddreg [dreg:$0xb];
	[sflag:s5] =	ssyncset.done @!p1 $0x0  }
0xd0: {  	s9 =	rddreg [dreg:$0xa];
	[sflag:s5] =	ssyncadd.s32 @!p1 $0xFFFFF000;
	s12 =	sadd.s32 s1, s6  }
0xd1: {  	[tilespmem:s8], [sflag:$0x7] =	stream.linear.gather [hbm4b:s12+s3], $0x200, $0x38;
	[tilespmem:$0xF400] =	vst v63  }
0xd2: {  	s6 =	sadd.s32 s1, s9  }
0xd3: {  	[tilespmem:s18], [sflag:$0x7] =	stream.linear.gather [hbm4b:s6+s3], $0x200, $0x38;
	[tilespmem:$0xF400] =	vst v63  }
0xd4: {  	_ =	swait.ge [sflag:s19], $0x200  }
0xd5: {  	[sflag:s19] =	ssyncset.done $0x0  }
0xd6: {  	[sflag:s19] =	ssyncadd.s32 $0xFFFFFE00  }
0xd7: {  	_ =	swait.ge [sflag:s19], $0x200  }
0xd8: {  	[sflag:s19] =	ssyncset.done $0x0  }
0xd9: {  	s5 =	simm.s32 @!p1 $0x4;
	[sflag:s19] =	ssyncadd.s32 $0xFFFFFE00  }
0xda: {  	[tilespmem:s20], [sflag:$0x1] =	stream.indirect.gather [hbm4b:s4+s16], $0x8, s3, s16, $0xb8;
	[tilespmem:$0xF400] =	vst v63  }
0xdb: {  	_ =	swait.ge @!p1 [sflag:s5], $0x1000  }
0xdc: {  	s8 =	rddreg [dreg:$0x7];
	[sflag:s5] =	ssyncset.done @!p1 $0x0  }
0xdd: {  	s9 =	rddreg [dreg:$0x8];
	[sflag:s5] =	ssyncadd.s32 @!p1 $0xFFFFF000;
	s10 =	sadd.s32 s1, s8  }
0xde: {  	[tilespmem:s21], [sflag:$0x8] =	stream.linear.gather [hbm4b:s10+s3], $0x200, $0x38;
	[tilespmem:$0xF400] =	vst v63  }
0xdf: {  	s11 =	sadd.s32 s1, s9  }
0xe0: {  	[tilespmem:s22], [sflag:$0x8] =	stream.linear.gather [hbm4b:s11+s3], $0x200, $0x38;
	[tilespmem:$0xF400] =	vst v63  }
0xe1: {  	_ =	swait.ge [sflag:s23], $0x200  }
0xe2: {  	[sflag:s23] =	ssyncset.done $0x0  }
0xe3: {  	[sflag:s23] =	ssyncadd.s32 $0xFFFFFE00  }
0xe4: {  	_ =	swait.ge [sflag:s23], $0x200  }
0xe5: {  	[sflag:s23] =	ssyncset.done $0x0  }
0xe6: {  	[sflag:s23] =	ssyncadd.s32 $0xFFFFFE00  }
0xe7: {  	[tilespmem:s24], [sflag:$0x2] =	stream.indirect.gather [hbm4b:s4+s16], $0x8, s16, s16, $0xb8;
	[tilespmem:$0xF400] =	vst v63  }
0xe8: {  	_ =	swait.ge [sflag:s25], $0x1000  }
0xe9: {  	[sflag:s25] =	ssyncset.done $0x0  }
0xea: {  	[sflag:s25] =	ssyncadd.s32 $0xFFFFF000  }
0xeb: {  	[spmem:s2] =	stream.indirect.scatter.add.f32 [tilespmem:s20], [sflag:$0x3], $0x8, s15, s16, $0xb8;
	[tilespmem:$0xF400] =	vst v63  }
0xec: {  	_ =	swait.ge [sflag:s26], $0x1000  }
0xed: {  	[sflag:s26] =	ssyncset.done $0x0  }
0xee: {  	[sflag:s26] =	ssyncadd.s32 $0xFFFFF000  }
0xef: {  	[spmem:s2] =	stream.indirect.scatter.add.f32 [tilespmem:s24], [sflag:$0x4], $0x8, s17, s16, $0xb8;
	[tilespmem:$0xF400] =	vst v63  }
0xf0: {  	_ =	swait.ge [sflag:s28], $0x1000  }
0xf1: {  	p0 =	seq.s32 s1, $0x6200;
	[sflag:s28] =	ssyncset.done $0x0  }
0xf2: {  	s5 =	simm.s32 @p0 $0x7;
	[sflag:s28] =	ssyncadd.s32 $0xFFFFF000  }
0xf3: {  	_ =	swait.ge @p0 [sflag:s5], $0x200  }
0xf4: {  	[sflag:s5] =	ssyncset.done @p0 $0x0  }
0xf5: {  	[sflag:s5] =	ssyncadd.s32 @p0 $0xFFFFFE00  }
0xf6: {  	_ =	swait.ge @p0 [sflag:s5], $0x200  }
0xf7: {  	s6 =	simm.s32 @p0 $0x1000;
	s8 =	simm.s32 @p0 $0x4;
	[sflag:s5] =	ssyncset.done @p0 $0x0  }
0xf8: {  	s9 =	simm.s32 @p0 $0x400;
	[sflag:s5] =	ssyncadd.s32 @p0 $0xFFFFFE00;
	s5 =	simm.s32 @p0 $0x200  }
0xf9: {  	[tilespmem:s6], [sflag:$0x1] =	stream.indirect.gather @p0 [hbm4b:s4+s5], $0x8, s9, s5, $0xb8;
	[tilespmem:$0xF400] =	vst v63  }
0xfa: {  	_ =	swait.ge @p0 [sflag:s8], $0x1000  }
0xfb: {  	s5 =	rddreg [dreg:$0x5]  }
0xfc: {  	[sflag:s8] =	ssyncset.done @p0 $0x0;
	s6 =	rddreg [dreg:$0x6]  }
0xfd: {  	[sflag:s8] =	ssyncadd.s32 @p0 $0xFFFFF000;
	s5 =	sadd.s32 @!p0 s1, s5;
	s8 =	simm.s32 @!p0 $0x0  }
0xfe: {  	[tilespmem:s8], [sflag:$0x5] =	stream.linear.gather @!p0 [hbm4b:s5+s8], $0x200, $0x38;
	[tilespmem:$0xF400] =	vst v63  }
0xff: {  	s9 =	simm.s32 @!p0 $0x7;
	s5 =	sadd.s32 @!p0 s1, s6;
	s6 =	simm.s32 @!p0 $0x800  }
0x100: {  	[tilespmem:s6], [sflag:$0x5] =	stream.linear.gather @!p0 [hbm4b:s5+s8], $0x200, $0x38;
	[tilespmem:$0xF400] =	vst v63  }
0x101: {  	_ =	swait.ge @!p0 [sflag:s9], $0x200  }
0x102: {  	[sflag:s9] =	ssyncset.done @!p0 $0x0  }
0x103: {  	[sflag:s9] =	ssyncadd.s32 @!p0 $0xFFFFFE00  }
0x104: {  	_ =	swait.ge @!p0 [sflag:s9], $0x200  }
0x105: {  	s10 =	simm.s32 @!p0 $0x400;
	s5 =	simm.s32 @!p0 $0x1000;
	[sflag:s9] =	ssyncset.done @!p0 $0x0  }
0x106: {  	s6 =	simm.s32 @!p0 $0x4;
	[sflag:s9] =	ssyncadd.s32 @!p0 $0xFFFFFE00;
	s9 =	simm.s32 @!p0 $0x200  }
0x107: {  	[tilespmem:s5], [sflag:$0x1] =	stream.indirect.gather @!p0 [hbm4b:s4+s9], $0x8, s10, s9, $0xb8;
	[tilespmem:$0xF400] =	vst v63  }
0x108: {  	_ =	swait.ge @!p0 [sflag:s6], $0x1000  }
0x109: {  	s5 =	rddreg [dreg:$0x3];
	[sflag:s6] =	ssyncset.done @!p0 $0x0  }
0x10a: {  	s10 =	rddreg [dreg:$0x4];
	[sflag:s6] =	ssyncadd.s32 @!p0 $0xFFFFF000;
	s5 =	sadd.s32 @!p0 s1, s5  }
0x10b: {  	[tilespmem:s9], [sflag:$0x6] =	stream.linear.gather @!p0 [hbm4b:s5+s8], $0x200, $0x38;
	[tilespmem:$0xF400] =	vst v63  }
0x10c: {  	s1 =	sadd.s32 @!p0 s1, s10;
	s5 =	simm.s32 @!p0 $0xA00  }
0x10d: {  	[tilespmem:s5], [sflag:$0x6] =	stream.linear.gather @!p0 [hbm4b:s1+s8], $0x200, $0x38;
	[tilespmem:$0xF400] =	vst v63  }
0x10e: {  	_ =	swait.ge [sflag:s29], $0x200  }
0x10f: {  	[sflag:s29] =	ssyncset.done $0x0  }
0x110: {  	[sflag:s29] =	ssyncadd.s32 $0xFFFFFE00  }
0x111: {  	_ =	swait.ge [sflag:s29], $0x200  }
0x112: {  	[sflag:s29] =	ssyncset.done $0x0  }
0x113: {  	[sflag:s29] =	ssyncadd.s32 $0xFFFFFE00  }
0x114: {  	[tilespmem:s24], [sflag:$0x2] =	stream.indirect.gather [hbm4b:s4+s16], $0x8, s21, s16, $0xb8;
	[tilespmem:$0xF400] =	vst v63  }
0x115: {  	_ =	swait.ge [sflag:s25], $0x1000  }
0x116: {  	[sflag:s25] =	ssyncset.done $0x0  }
0x117: {  	[sflag:s25] =	ssyncadd.s32 $0xFFFFF000  }
0x118: {  	[spmem:s2] =	stream.indirect.scatter.add.f32 [tilespmem:s20], [sflag:$0x3], $0x8, s18, s16, $0xb8;
	[tilespmem:$0xF400] =	vst v63  }
0x119: {  	_ =	swait.ge [sflag:s26], $0x1000  }
0x11a: {  	[sflag:s26] =	ssyncset.done $0x0  }
0x11b: {  	[sflag:s26] =	ssyncadd.s32 $0xFFFFF000  }
0x11c: {  	[spmem:s2] =	stream.indirect.scatter.add.f32 [tilespmem:s24], [sflag:$0x4], $0x8, s22, s16, $0xb8;
	[tilespmem:$0xF400] =	vst v63  }
0x11d: {  	_ =	swait.ge [sflag:s28], $0x1000  }
0x11e: {  	[sflag:s28] =	ssyncset.done $0x0  }
0x11f: {  	[sflag:s28] =	ssyncadd.s32 $0xFFFFF000  }
0x120: {  	_ =	swait.ge [sflag:s30], $0x1000  }
0x121: {  	[sflag:s30] =	ssyncset.done $0x0  }
0x122: {  	s31 =	sadd.s32 $0x1, s31;
	[sflag:s30] =	ssyncadd.s32 $0xFFFFF000  }
0x123: {  	p0 =	sne.s32 s31, s13;
	[bflag:$0x0] =	sbarrier.arrive $0xFFFF  }
.Ltmp1:
0x124: {  	s12 =	rddreg [dreg:$0x12];
	(pc) =	sbr.rel @p0 .LBB2_1-.Ltmp1, $4  }
0x125: {  	[hbm:s12], [sflag:s7] =	dma.local [spmem:s0], $0x1880  }
0x126: {  	_ =	swait.ge [sflag:s14], $0x1880  }
0x127: {  	[sflag:s14] =	ssyncset.done $0x0  }
0x128: {  	[sflag:s14] =	ssyncadd.s32 $0xFFFFE780  }
0x129: {  	_ =	sfence.sel $0x180000  }
0x12a: {  	[bflag:$0x0] =	sbarrier.arrive $0xFFFF  }
0x12b: {  	_ =	strace $0x9000004A  }
0x12c: {  	s0 =	stileid.u32;
	[bflag:$0x2] =	sbarrier.arrive $0xFFFF  }
0x12d: {  	p0 =	sne.s32 s0, $0x0;
	s0 =	rddreg [dreg:$0x2]  }
0x12e: {  	s0 =	sadd.s32 @!p0 $0x100000, s0  }
0x12f: {  	[sflag:s0] =	ssyncadd.tile.s32 @!p0 $0x1;
	_ =	shalt  }
.Lfunc_end2:
_tile_overlayer_lowered:
.L_overlay_start_2:
0x130: {  	(tag) =	ssettag $0x2  }
0x131: {  	s0 =	rddreg [dreg:$0x0];
	s2 =	stileid.u32  }
0x132: {  	s1 =	rddreg [dreg:$0x1];
	p0 =	sne.s32 s2, $0x0  }
0x133: {  	s3 =	rddreg [dreg:$0x2];
	[bflag:$0x3] =	sbarrier.arrive $0xFFFF;
	s2 =	simm.s32 @!p0 $0x1C09  }
0x134: {  	[timem:s3], [sflag:s2] =	dma.local @!p0 [hbm:s0], s1  }
0x135: {  	s0 =	simm.s32 @!p0 $0x9  }
0x136: {  	_ =	swait.ge @!p0 [sflag:s0], s1  }
0x137: {  	s1 =	ssub.s32 @!p0 $0x0, s1;
	[sflag:s0] =	ssyncset.done @!p0 $0x0  }
0x138: {  	[sflag:s0] =	ssyncadd.s32 @!p0 s1  }
0x139: {  	[bflag:$0x3] =	sbarrier.arrive $0xFFFF  }
0x13a: {  	_ =	shalt  }

// kernel: kernel.14.cloned.1.call-start
scs
__scs_entry_jumppad:
0x0: {  	(pc) =	sbr.rel $0x88, $3  }
0x1: {  	(tag) =	ssettag $0x0;
	lr =	simm.s32 $0x1  }
0x2: {  	[smem:$0x3F99] =	sst lr;
	_ =	strace $0xD0000000  }
0x3: {  	_ = 	snop  }
0x4: {  	_ = 	snop  }
0x5: {  	_ = 	snop  }
0x6: {  	_ = 	snop  }
0x7: {  	_ = 	snop  }
__scs_overlays_trampoline_lowered:
0x8: {  	[smem:$0x3FA8] =	sst s0  }
0x9: {  	[smem:$0x3FA9] =	sst s1  }
0xa: {  	[smem:$0x3FAA] =	sst s2  }
0xb: {  	[smem:$0x3FAB] =	sst s3  }
0xc: {  	[smem:$0x3FAC] =	sst s4  }
0xd: {  	[smem:$0x3FAD] =	sst s5  }
0xe: {  	[smem:$0x3FAE] =	sst s6  }
0xf: {  	[smem:$0x3FAF] =	sst s7  }
0x10: {  	[smem:$0x3FB0] =	sst s8  }
0x11: {  	[smem:$0x3FB1] =	sst s9;
	s0 =	simm.s32 @!p0 $0x0  }
0x12: {  	s1 =	sld [smem:$0x3F97];
	s0 =	simm.s32 @p0 $0x1  }
0x13: {  	[smem:$0x3FB2] =	sst s0;
	s0 =	simm.s32 @!p1 $0x0  }
0x14: {  	s2 =	sld [smem:$0x3F96];
	s0 =	simm.s32 @p1 $0x1  }
0x15: {  	[smem:$0x3FB3] =	sst s0;
	s0 =	simm.s32 @!p2 $0x0  }
0x16: {  	s3 =	sld [smem:$0x3FDB];
	s0 =	simm.s32 @p2 $0x1  }
0x17: {  	s4 =	simm.s32 $0x1BF5;
	[smem:$0x3FB5] =	sst s0  }
0x18: {  	s0 =	sld [smem:$0x3F98];
	_ =	swait.ge [sflag:s4], $0x0  }
0x19: {  	s7 =	sld [smem:$0x3F99]  }
0x1a: {  	s8 =	sadd.s32 $0xFFFFE003, lr  }
0x1b: {  	s9 =	sadd.s32 $0xFFFFFEF7, lr;
	s5 =	simm.s32 $0xFFFFFFFF;
	p2 =	slt.u32 s8, $0xFFFFF086  }
0x1c: {  	p1 =	slt.u32 s9, $0xF7A;
	s5 =	simm.s32 @!p2 $0x0  }
0x1d: {  	s5 =	simm.s32 @p1 $0x1;
	p0 =	seq.s32 s7, s2  }
0x1e: {  	s7 =	smul.u32 @!p0 $0xF7A, s2;
	p2 =	seq.s32 @!p0 s5, $0x0  }
0x1f: {  	s9 =	smul.u32 $0xF7A, s1;
	s8 =	simm.s32 @!p0 $0x1BF5;
	p2 =	por !p2, p0  }
0x20: {  	[sflag:s8] =	ssyncset.s32 @!p0 $0xFFFFF086;
	s6 =	sadd.s32 @!p0 s3, s7;
	s7 =	simm.s32 @!p0 $0x108  }
0x21: {  	s3 =	sadd.s32 s3, s9;
	s6 =	sadd.s32 @!p0 $0x88, s6;
	s7 =	simm.s32 @p2 $0x1082  }
0x22: {  	[simem:s7], [sflag:s8] =	dma.local @!p0 [hbm:s6], $0xF7A  }
0x23: {  	s9 =	sor.u32 $0xD0000000, s2;
	s6 =	simm.s32 $0x108;
	_ =	swait.ge @!p0 [sflag:s8], $0x0  }
0x24: {  	s3 =	sadd.s32 $0x88, s3;
	s6 =	simm.s32 @!p1 $0x1082;
	[sflag:s4] =	ssyncset.s32 $0xFFFFF086  }
0x25: {  	[simem:s6], [sflag:s4] =	dma.local [hbm:s3], $0xF7A  }
0x26: {  	[smem:$0x3F99] =	sst s1;
	(tag) =	ssettag s2;
	_ =	strace s9  }
0x27: {  	s1 =	sld [smem:$0x3FA9]  }
0x28: {  	s2 =	sld [smem:$0x3FAA]  }
0x29: {  	s4 =	sld [smem:$0x3FAC]  }
0x2a: {  	p0 =	seq.s32 s5, $0x0;
	s5 =	sld [smem:$0x3FAD]  }
0x2b: {  	s6 =	sld [smem:$0x3FAE]  }
0x2c: {  	s7 =	sld [smem:$0x3FAF]  }
0x2d: {  	s3 =	simm.s32 $0x108;
	s8 =	sld [smem:$0x3FB0]  }
0x2e: {  	s3 =	simm.s32 @!p0 $0x1082;
	s9 =	sld [smem:$0x3FB1]  }
0x2f: {  	lr =	sadd.s32 s0, s3;
	s0 =	sld [smem:$0x3FA8]  }
0x30: {  	s3 =	sld [smem:$0x3FAB]  }
0x31: {  	[smem:$0x3FB4] =	sst s10  }
0x32: {  	s10 =	sld [smem:$0x3FB2];
	_ =	sdelay $0x3  }
0x33: {  	p0 =	seq.s32 s10, $0x1;
	s10 =	sld [smem:$0x3FB4];
	_ =	sdelay $0x3  }
0x34: {  	[smem:$0x3FB4] =	sst s10  }
0x35: {  	s10 =	sld [smem:$0x3FB3];
	_ =	sdelay $0x3  }
0x36: {  	p1 =	seq.s32 s10, $0x1;
	s10 =	sld [smem:$0x3FB4];
	_ =	sdelay $0x3  }
0x37: {  	[smem:$0x3FB4] =	sst s10  }
0x38: {  	s10 =	sld [smem:$0x3FB5]  }
0x39: {  	_ = 	snop;
	(pc) =	sbr.ind lr, $3  }
0x3a: {  	_ = 	snop  }
0x3b: {  	_ = 	snop  }
0x3c: {  	p2 =	seq.s32 s10, $0x1;
	s10 =	sld [smem:$0x3FB4]  }
0x3d: {  	_ =	shalt  }
0x3e: {  	_ =	shalt  }
0x3f: {  	_ =	shalt  }
0x40: {  	_ =	shalt  }
0x41: {  	_ =	shalt  }
0x42: {  	_ =	shalt  }
0x43: {  	_ =	shalt  }
0x44: {  	_ =	shalt  }
0x45: {  	_ =	shalt  }
0x46: {  	_ =	shalt  }
0x47: {  	_ =	shalt  }
0x48: {  	_ =	shalt  }
0x49: {  	_ =	shalt  }
0x4a: {  	_ =	shalt  }
0x4b: {  	_ =	shalt  }
0x4c: {  	_ =	shalt  }
0x4d: {  	_ =	shalt  }
0x4e: {  	_ =	shalt  }
0x4f: {  	_ =	shalt  }
0x50: {  	_ =	shalt  }
0x51: {  	_ =	shalt  }
0x52: {  	_ =	shalt  }
0x53: {  	_ =	shalt  }
0x54: {  	_ =	shalt  }
0x55: {  	_ =	shalt  }
0x56: {  	_ =	shalt  }
0x57: {  	_ =	shalt  }
0x58: {  	_ =	shalt  }
0x59: {  	_ =	shalt  }
0x5a: {  	_ =	shalt  }
0x5b: {  	_ =	shalt  }
0x5c: {  	_ =	shalt  }
0x5d: {  	_ =	shalt  }
0x5e: {  	_ =	shalt  }
0x5f: {  	_ =	shalt  }
0x60: {  	_ =	shalt  }
0x61: {  	_ =	shalt  }
0x62: {  	_ =	shalt  }
0x63: {  	_ =	shalt  }
0x64: {  	_ =	shalt  }
0x65: {  	_ =	shalt  }
0x66: {  	_ =	shalt  }
0x67: {  	_ =	shalt  }
0x68: {  	_ =	shalt  }
0x69: {  	_ =	shalt  }
0x6a: {  	_ =	shalt  }
0x6b: {  	_ =	shalt  }
0x6c: {  	_ =	shalt  }
0x6d: {  	_ =	shalt  }
0x6e: {  	_ =	shalt  }
0x6f: {  	_ =	shalt  }
0x70: {  	_ =	shalt  }
0x71: {  	_ =	shalt  }
0x72: {  	_ =	shalt  }
0x73: {  	_ =	shalt  }
0x74: {  	_ =	shalt  }
0x75: {  	_ =	shalt  }
0x76: {  	_ =	shalt  }
0x77: {  	_ =	shalt  }
0x78: {  	_ =	shalt  }
0x79: {  	_ =	shalt  }
0x7a: {  	_ =	shalt  }
0x7b: {  	_ =	shalt  }
0x7c: {  	_ =	shalt  }
0x7d: {  	_ =	shalt  }
0x7e: {  	_ =	shalt  }
0x7f: {  	_ =	shalt  }
0x80: {  	_ =	shalt  }
0x81: {  	_ =	shalt  }
0x82: {  	_ =	shalt  }
0x83: {  	_ =	shalt  }
0x84: {  	_ =	shalt  }
0x85: {  	_ =	shalt  }
0x86: {  	_ =	shalt  }
0x87: {  	_ =	shalt  }
.Lfunc_end0:
.L_simem_size_0:
called_computation.2_lowered:
.L_overlay_start_0:
0x88: {  	s2 =	sld [smem:$0x3FD9]  }
0x89: {  	s3 =	sld [smem:$0x3FFE];
	_ =	sdelay $0x1  }
0x8a: {  	s1 =	srdreg.scid  }
0x8b: {  	s0 =	sand.u32 $0x1, s1  }
0x8c: {  	s16 =	sshll.u32 s0, $0xA;
	s2 =	sadd.s32 s3, s2  }
0x8d: {  	s2 =	sadd.s32 s2, s16  }
0x8e: {  	[smem:$0x3FC0] =	sst s2  }
0x8f: {  	_ = 	snop  }
0x90: {  	(tm) =	ssettm $0x1  }
0x91: {  	s17 =	sld [smem:$0x3FFB];
	_ =	sdelay $0x3  }
0x92: {  	_ =	strace s17  }
0x93: {  	s2 =	sld [smem:$0x3FFC];
	_ =	sdelay $0x3  }
0x94: {  	_ =	strace s2  }
0x95: {  	s2 =	sld [smem:$0x3FFD];
	_ =	sdelay $0x3  }
0x96: {  	_ =	strace s2  }
0x97: {  	_ =	strace $0x8FFFFFFF  }
0x98: {  	s18 =	sld [smem:$0x3FDB];
	_ =	sdelay $0x1  }
0x99: {  	s19 =	simm.s32 $_scs_section_size  }
0x9a: {  	s4 =	simm.s32 $_size__tile_overlayer_lowered;
	s5 =	simm.s32 $_tile_overlayer_lowered  }
0x9b: {  	s22 =	simm.s32 $0x1BFF;
	s21 =	sshll.u32 s5, $0x1;
	s2 =	sadd.s32 s19, s18  }
0x9c: {  	s6 =	simm.s32 $0x0;
	s20 =	sshll.u32 s4, $0x1;
	s4 =	sadd.s32 s21, s2  }
0x9d: {  	[timem:s6], [sflag:s22] =	dma.local [hbm:s4], s20  }
0x9e: {  	_ =	swait.ge [sflag:s22], s20  }
0x9f: {  	s3 =	ssub.s32 $0x0, s20;
	[sflag:s22] =	ssyncset.done $0x0  }
0xa0: {  	[sflag:s22] =	ssyncadd.s32 s3;
	_ =	sdelay $0x1  }
0xa1: {  	s23 =	simm.s32 $0x1B8B  }
0xa2: {  	_ =	swait.ge [sflag:s23], $0x1  }
0xa3: {  	[sflag:s23] =	ssyncset.done $0x0  }
0xa4: {  	s25 =	simm.s32 $0x1B8E;
	s24 =	sld [smem:$0x3FFE];
	[sflag:s23] =	ssyncadd.s32 $0xFFFFFFFF  }
0xa5: {  	s26 =	simm.s32 $execute0_lowered;
	[smem:$0x3FD2] =	sst s25  }
0xa6: {  	s4 =	sshll.u32 s26, $0x1;
	_ =	strace $0x8000004C;
	[dreg:$0x1] =	wrdreg $0xFFFFFFFF  }
0xa7: {  	s28 =	simm.s32 $_size_execute0_lowered;
	s2 =	sadd.s32 s2, s4;
	[dreg:$0x0] =	wrdreg $0x0  }
0xa8: {  	s4 =	sshll.u32 s28, $0x1;
	[dreg:$0x2] =	wrdreg s2  }
0xa9: {  	[dreg:$0x3] =	wrdreg s4  }
0xaa: {  	[dreg:$0x4] =	wrdreg $0xC0  }
0xab: {  	_ =	task [dreg:s6], $0x5FFFF  }
0xac: {  	[dreg:$0x1] =	wrdreg $0xFFFFFFFF  }
0xad: {  	[dreg:$0x0] =	wrdreg $0x60  }
0xae: {  	[dreg:$0x2] =	wrdreg s24  }
0xaf: {  	[dreg:$0x3] =	wrdreg $0x50000  }
0xb0: {  	[dreg:$0x4] =	wrdreg $0x9  }
0xb1: {  	_ =	task.clear_ibuf [dreg:s6], $0x5FFFF;
	_ =	strace $0x9000004C  }
0xb2: {  	s29 =	simm.s32 $0x9;
	_ =	strace $0x8000004E  }
0xb3: {  	_ =	swait.ge [sflag:s29], $0x1  }
0xb4: {  	[sflag:s29] =	ssyncadd.s32 $0xFFFFFFFF  }
0xb5: {  	_ =	strace $0x9000004E  }
0xb6: {  	_ =	sfence  }
0xb7: {  	s30 =	sld [smem:$0x0];
	_ =	sdelay $0x2  }
0xb8: {  	s31 =	sshll.u32 s1, $0xD;
	s1 =	sshrl.u32 s1, $0x2  }
0xb9: {  	s3 =	sand.u32 $0x4000, s31;
	s1 =	sadd.s32 s1, s30  }
0xba: {  	s0 =	sor.u32 s3, s0;
	s1 =	sshll.u32 s1, $0x11  }
0xbb: {  	s0 =	sor.u32 s1, s0  }
0xbc: {  	s0 =	sadd.s32 $0x8F2B, s0  }
0xbd: {  	[sflag:s0] =	ssyncadd.remote.s32 $0x1  }
0xbe: {  	_ =	sfence.sel $0xFFFF  }
0xbf: {  	[dreg:$0x0] =	wrdreg $0xFFFFFFFF;
	(pc) =	sbr.abs _section_cstart, $3  }
0xc0: {  	[dreg:$0x1] =	wrdreg $0xFFFFFFFF  }
0xc1: {  	_ =	task.clear_ibuf [dreg:s6], $0x2FFFF;
	_ =	strace $0x9FFFFFFF  }
0xc2: {  	(tm) =	ssettm $0x7FFFFFFF  }
0xc3: {  	_ =	shalt  }
tec
execute0_lowered:
.L_overlay_start_1:
0x0: {  	(tag) =	ssettag $0x1  }
0x1: {  	s0 =	rddreg [dreg:$0x0]  }
0x2: {  	s2 =	rddreg [dreg:$0x1];
	s3 =	simm.s32 $0x0;
	s15 =	stileid.u32  }
0x3: {  	s4 =	srdreg.scid;
	s28 =	simm.s32 $0x3;
	s29 =	simm.s32 $0x8  }
0x4: {  	s30 =	simm.s32 $0x4;
	s31 =	simm.s32 $0x0;
	[smem:$0x7FF] =	sst s3  }
0x5: {  	s1 =	smul.u32 $0x18800, s15;
	s5 =	sand.u32 $0x1, s4;
	s4 =	sadd.s32 $0x1C00, s0  }
0x6: {  	s12 =	sadd.s32 $0x18B200, s0;
	s13 =	sadd.s32 $0xC5200, s0;
	s9 =	smul.u32 $0xC60, s15  }
0x7: {  	s26 =	sshll.u32 s15, $0x1;
	_ =	strace $0x8000004D;
	s7 =	smul.u32 $0x188000, s5  }
0x8: {  	s8 =	ssub.s32 $0x2, s5;
	s11 =	smul.u32 $0x630, s5;
	s5 =	sor.u32 s5, s26  }
0x9: {  	s26 =	simm.s32 $0x400;
	s6 =	sshrl.u32 s1, $0x3;
	s10 =	sshrl.u32 s8, $0x1  }
0xa: {  	s5 =	smul.u32 $0x6300, s5;
	[dreg:$0xb] =	wrdreg s26;
	s26 =	simm.s32 $0x2  }
0xb: {  	s6 =	sadd.s32 s6, s0;
	s7 =	sadd.s32 s1, s7;
	s14 =	ssub.s32 s8, s10  }
0xc: {  	s1 =	sadd.s32 s1, s2;
	s8 =	sshll.u32 s15, $0x6;
	s7 =	sshrl.u32 s7, $0x3  }
0xd: {  	[dreg:$0xc] =	wrdreg s1;
	s6 =	sadd.s32 $0x32C00, s6;
	s15 =	sadd.s32 s13, s5  }
0xe: {  	s0 =	sadd.s32 s7, s0;
	s7 =	sadd.s32 s11, s9;
	[dreg:$0xd] =	wrdreg s6  }
0xf: {  	s11 =	sadd.s32 s12, s5;
	[dreg:$0xf] =	wrdreg s15;
	s5 =	sor.u32 $0x40, s5  }
0x10: {  	s15 =	simm.s32 $0x800;
	[dreg:$0xe] =	wrdreg s11;
	s21 =	sadd.s32 s12, s5  }
0x11: {  	s1 =	sshll.u32 s7, $0x4;
	s5 =	sadd.s32 s13, s5;
	[dreg:$0x10] =	wrdreg s21  }
0x12: {  	s0 =	sadd.s32 $0x251200, s0;
	s9 =	sadd.s32 $0x140, s1;
	[dreg:$0x11] =	wrdreg s5  }
0x13: {  	s7 =	sor.u32 $0x1C09, s8;
	[dreg:$0x12] =	wrdreg s0;
	s16 =	sadd.s32 s9, s12  }
0x14: {  	s17 =	sadd.s32 $0x100, s1;
	s6 =	sadd.s32 s9, s13;
	[dreg:$0x3] =	wrdreg s16  }
0x15: {  	s20 =	sor.u32 $0xC0, s1;
	s18 =	sadd.s32 s17, s12;
	[dreg:$0x4] =	wrdreg s6  }
0x16: {  	s1 =	sor.u32 $0x80, s1;
	s19 =	sadd.s32 s17, s13;
	[dreg:$0x5] =	wrdreg s18  }
0x17: {  	s21 =	simm.s32 $0x600;
	s22 =	sadd.s32 s20, s12;
	[dreg:$0x6] =	wrdreg s19  }
0x18: {  	s23 =	sadd.s32 s20, s13;
	s24 =	sadd.s32 s1, s12;
	[dreg:$0x7] =	wrdreg s22  }
0x19: {  	s25 =	sadd.s32 s1, s13;
	s13 =	smax.u32 s14, $0x1;
	[dreg:$0x8] =	wrdreg s23  }
0x1a: {  	s14 =	simm.s32 $0x9;
	s17 =	simm.s32 $0xA00;
	[dreg:$0x9] =	wrdreg s24  }
0x1b: {  	s20 =	simm.s32 $0x1000;
	[dreg:$0xa] =	wrdreg s25;
	s16 =	simm.s32 $0x200  }
0x1c: {  	s18 =	simm.s32 $0xC00;
	s19 =	simm.s32 $0x5;
	s22 =	simm.s32 $0xE00  }
0x1d: {  	s23 =	simm.s32 $0x6;
	s24 =	simm.s32 $0x3000;
	s25 =	simm.s32 $0x1  }
.LBB2_1:
0x1e: {  	s0 =	rddreg [dreg:$0xc]  }
0x1f: {  	s1 =	rddreg [dreg:$0xd];
	s0 =	sshrl.u32 s0, $0x3  }
0x20: {  	[spmem:s0], [sflag:s7] =	dma.local [hbm:s1], $0x3100  }
0x21: {  	_ =	swait.ge [sflag:s14], $0x3100  }
0x22: {  	[sflag:s14] =	ssyncset.done $0x0  }
0x23: {  	[sflag:s14] =	ssyncadd.s32 $0xFFFFCF00  }
0x24: {  	[bflag:$0x0] =	sbarrier.arrive $0xFFFF  }
0x25: {  	s9 =	rddreg [dreg:$0xe]  }
0x26: {  	[tilespmem:s3], [sflag:$0x5] =	stream.linear.gather [hbm4b:s9+s3], $0x200, $0x38;
	[tilespmem:$0x1D800] =	vst v63  }
0x27: {  	s10 =	rddreg [dreg:$0xf]  }
0x28: {  	[tilespmem:s15], [sflag:$0x5] =	stream.linear.gather [hbm4b:s10+s3], $0x200, $0x38;
	[tilespmem:$0x1D800] =	vst v63  }
0x29: {  	p0 =	por $0x1, $0x1;
	s11 =	rddreg [dreg:$0x10]  }
0x2a: {  	[tilespmem:s16], [sflag:$0x6] =	stream.linear.gather [hbm4b:s11+s3], $0x200, $0x38;
	[tilespmem:$0x1D800] =	vst v63  }
0x2b: {  	s1 =	simm.s32 @!p0 $0x3;
	s12 =	rddreg [dreg:$0x11]  }
0x2c: {  	[tilespmem:s17], [sflag:$0x6] =	stream.linear.gather [hbm4b:s12+s3], $0x200, $0x38;
	[tilespmem:$0x1D800] =	vst v63  }
0x2d: {  	_ =	swait.ge @!p0 [sflag:s1], $0x2000  }
0x2e: {  	s5 =	rddreg [dreg:$0x9]  }
0x2f: {  	s6 =	rddreg [dreg:$0xb];
	[sflag:s1] =	ssyncset.done @!p0 $0x0  }
0x30: {  	s8 =	rddreg [dreg:$0xa];
	[sflag:s1] =	ssyncadd.s32 @!p0 $0xFFFFE000;
	s5 =	sadd.s32 $0x0, s5  }
0x31: {  	[tilespmem:s6], [sflag:$0x7] =	stream.linear.gather [hbm4b:s5+s3], $0x200, $0x38;
	[tilespmem:$0x1D800] =	vst v63  }
0x32: {  	s8 =	sadd.s32 $0x0, s8  }
0x33: {  	[tilespmem:s18], [sflag:$0x7] =	stream.linear.gather [hbm4b:s8+s3], $0x200, $0x38;
	[tilespmem:$0x1D800] =	vst v63  }
0x34: {  	_ =	swait.ge [sflag:s19], $0x200  }
0x35: {  	[sflag:s19] =	ssyncset.done $0x0  }
0x36: {  	[sflag:s19] =	ssyncadd.s32 $0xFFFFFE00  }
0x37: {  	_ =	swait.ge [sflag:s19], $0x200  }
0x38: {  	[sflag:s19] =	ssyncset.done $0x0  }
0x39: {  	s1 =	simm.s32 @!p0 $0x4;
	[sflag:s19] =	ssyncadd.s32 $0xFFFFFE00  }
0x3a: {  	[tilespmem:s20], [sflag:$0x1] =	stream.indirect.gather [hbm4b:s4+s16], $0x10, s3, s16, $0xb8;
	[tilespmem:$0x1D800] =	vst v63  }
0x3b: {  	_ =	swait.ge @!p0 [sflag:s1], $0x2000  }
0x3c: {  	s9 =	rddreg [dreg:$0x7];
	[sflag:s1] =	ssyncset.done @!p0 $0x0  }
0x3d: {  	s10 =	rddreg [dreg:$0x8];
	[sflag:s1] =	ssyncadd.s32 @!p0 $0xFFFFE000;
	s11 =	sadd.s32 $0x0, s9  }
0x3e: {  	[tilespmem:s21], [sflag:$0x8] =	stream.linear.gather [hbm4b:s11+s3], $0x200, $0x38;
	[tilespmem:$0x1D800] =	vst v63  }
0x3f: {  	s12 =	sadd.s32 $0x0, s10  }
0x40: {  	[tilespmem:s22], [sflag:$0x8] =	stream.linear.gather [hbm4b:s12+s3], $0x200, $0x38;
	[tilespmem:$0x1D800] =	vst v63  }
0x41: {  	_ =	swait.ge [sflag:s23], $0x200  }
0x42: {  	[sflag:s23] =	ssyncset.done $0x0  }
0x43: {  	[sflag:s23] =	ssyncadd.s32 $0xFFFFFE00  }
0x44: {  	_ =	swait.ge [sflag:s23], $0x200  }
0x45: {  	[sflag:s23] =	ssyncset.done $0x0  }
0x46: {  	[sflag:s23] =	ssyncadd.s32 $0xFFFFFE00  }
0x47: {  	[tilespmem:s24], [sflag:$0x2] =	stream.indirect.gather [hbm4b:s4+s16], $0x10, s16, s16, $0xb8;
	[tilespmem:$0x1D800] =	vst v63  }
0x48: {  	_ =	swait.ge [sflag:s25], $0x2000  }
0x49: {  	[sflag:s25] =	ssyncset.done $0x0  }
0x4a: {  	[sflag:s25] =	ssyncadd.s32 $0xFFFFE000  }
0x4b: {  	[spmem:s2] =	stream.indirect.scatter.add.f32 [tilespmem:s20], [sflag:$0x3], $0x10, s15, s16, $0xb8;
	[tilespmem:$0x1D800] =	vst v63  }
0x4c: {  	_ =	swait.ge [sflag:s26], $0x2000  }
0x4d: {  	[sflag:s26] =	ssyncset.done $0x0  }
0x4e: {  	[sflag:s26] =	ssyncadd.s32 $0xFFFFE000  }
0x4f: {  	[spmem:s2] =	stream.indirect.scatter.add.f32 [tilespmem:s24], [sflag:$0x4], $0x10, s17, s16, $0xb8;
	[tilespmem:$0x1D800] =	vst v63  }
0x50: {  	_ =	swait.ge [sflag:s28], $0x2000  }
0x51: {  	p0 =	por $0x0, $0x0;
	[sflag:s28] =	ssyncset.done $0x0  }
0x52: {  	s1 =	simm.s32 @p0 $0x7;
	[sflag:s28] =	ssyncadd.s32 $0xFFFFE000  }
0x53: {  	_ =	swait.ge @p0 [sflag:s1], $0x200  }
0x54: {  	[sflag:s1] =	ssyncset.done @p0 $0x0  }
0x55: {  	[sflag:s1] =	ssyncadd.s32 @p0 $0xFFFFFE00  }
0x56: {  	_ =	swait.ge @p0 [sflag:s1], $0x200  }
0x57: {  	s5 =	simm.s32 @p0 $0x1000;
	s6 =	simm.s32 @p0 $0x4;
	[sflag:s1] =	ssyncset.done @p0 $0x0  }
0x58: {  	s8 =	simm.s32 @p0 $0x400;
	[sflag:s1] =	ssyncadd.s32 @p0 $0xFFFFFE00;
	s1 =	simm.s32 @p0 $0x200  }
0x59: {  	[tilespmem:s5], [sflag:$0x1] =	stream.indirect.gather @p0 [hbm4b:s4+s1], $0x10, s8, s1, $0xb8;
	[tilespmem:$0x1D800] =	vst v63  }
0x5a: {  	_ =	swait.ge @p0 [sflag:s6], $0x2000  }
0x5b: {  	s1 =	rddreg [dreg:$0x5]  }
0x5c: {  	[sflag:s6] =	ssyncset.done @p0 $0x0;
	s5 =	rddreg [dreg:$0x6]  }
0x5d: {  	[sflag:s6] =	ssyncadd.s32 @p0 $0xFFFFE000;
	s1 =	sadd.s32 @!p0 $0x0, s1;
	s6 =	simm.s32 @!p0 $0x0  }
0x5e: {  	[tilespmem:s6], [sflag:$0x5] =	stream.linear.gather @!p0 [hbm4b:s1+s6], $0x200, $0x38;
	[tilespmem:$0x1D800] =	vst v63  }
0x5f: {  	s8 =	simm.s32 @!p0 $0x7;
	s1 =	sadd.s32 @!p0 $0x0, s5;
	s5 =	simm.s32 @!p0 $0x800  }
0x60: {  	[tilespmem:s5], [sflag:$0x5] =	stream.linear.gather @!p0 [hbm4b:s1+s6], $0x200, $0x38;
	[tilespmem:$0x1D800] =	vst v63  }
0x61: {  	_ =	swait.ge @!p0 [sflag:s8], $0x200  }
0x62: {  	[sflag:s8] =	ssyncset.done @!p0 $0x0  }
0x63: {  	[sflag:s8] =	ssyncadd.s32 @!p0 $0xFFFFFE00  }
0x64: {  	_ =	swait.ge @!p0 [sflag:s8], $0x200  }
0x65: {  	s9 =	simm.s32 @!p0 $0x400;
	s1 =	simm.s32 @!p0 $0x1000;
	[sflag:s8] =	ssyncset.done @!p0 $0x0  }
0x66: {  	s5 =	simm.s32 @!p0 $0x4;
	[sflag:s8] =	ssyncadd.s32 @!p0 $0xFFFFFE00;
	s8 =	simm.s32 @!p0 $0x200  }
0x67: {  	[tilespmem:s1], [sflag:$0x1] =	stream.indirect.gather @!p0 [hbm4b:s4+s8], $0x10, s9, s8, $0xb8;
	[tilespmem:$0x1D800] =	vst v63  }
0x68: {  	_ =	swait.ge @!p0 [sflag:s5], $0x2000  }
0x69: {  	s1 =	rddreg [dreg:$0x3];
	[sflag:s5] =	ssyncset.done @!p0 $0x0  }
0x6a: {  	s9 =	rddreg [dreg:$0x4];
	[sflag:s5] =	ssyncadd.s32 @!p0 $0xFFFFE000;
	s1 =	sadd.s32 @!p0 $0x0, s1  }
0x6b: {  	[tilespmem:s8], [sflag:$0x6] =	stream.linear.gather @!p0 [hbm4b:s1+s6], $0x200, $0x38;
	[tilespmem:$0x1D800] =	vst v63  }
0x6c: {  	s5 =	simm.s32 @!p0 $0xA00;
	s1 =	sadd.s32 @!p0 $0x0, s9  }
0x6d: {  	[tilespmem:s5], [sflag:$0x6] =	stream.linear.gather @!p0 [hbm4b:s1+s6], $0x200, $0x38;
	[tilespmem:$0x1D800] =	vst v63  }
0x6e: {  	_ =	swait.ge [sflag:s29], $0x200  }
0x6f: {  	[sflag:s29] =	ssyncset.done $0x0  }
0x70: {  	[sflag:s29] =	ssyncadd.s32 $0xFFFFFE00  }
0x71: {  	_ =	swait.ge [sflag:s29], $0x200  }
0x72: {  	[sflag:s29] =	ssyncset.done $0x0  }
0x73: {  	[sflag:s29] =	ssyncadd.s32 $0xFFFFFE00  }
0x74: {  	[tilespmem:s24], [sflag:$0x2] =	stream.indirect.gather [hbm4b:s4+s16], $0x10, s21, s16, $0xb8;
	[tilespmem:$0x1D800] =	vst v63  }
0x75: {  	_ =	swait.ge [sflag:s25], $0x2000  }
0x76: {  	[sflag:s25] =	ssyncset.done $0x0  }
0x77: {  	[sflag:s25] =	ssyncadd.s32 $0xFFFFE000  }
0x78: {  	[spmem:s2] =	stream.indirect.scatter.add.f32 [tilespmem:s20], [sflag:$0x3], $0x10, s18, s16, $0xb8;
	[tilespmem:$0x1D800] =	vst v63  }
0x79: {  	p1 =	por $0x0, $0x0;
	_ =	swait.ge [sflag:s26], $0x2000  }
0x7a: {  	s1 =	simm.s32 $0x100;
	s5 =	simm.s32 $0x200;
	[sflag:s26] =	ssyncset.done $0x0  }
.LBB2_2:
0x7b: {  	s8 =	simm.s32 @!p1 $0x3;
	[sflag:s26] =	ssyncadd.s32 $0xFFFFE000  }
0x7c: {  	[spmem:s2] =	stream.indirect.scatter.add.f32 [tilespmem:s24], [sflag:$0x4], $0x10, s22, s16, $0xb8;
	[tilespmem:$0x1D800] =	vst v63  }
0x7d: {  	_ =	swait.ge @!p1 [sflag:s8], $0x2000  }
0x7e: {  	s9 =	rddreg [dreg:$0x9]  }
0x7f: {  	[sflag:s8] =	ssyncset.done @!p1 $0x0;
	s12 =	rddreg [dreg:$0xb]  }
0x80: {  	s10 =	rddreg [dreg:$0xa];
	[sflag:s8] =	ssyncadd.s32 @!p1 $0xFFFFE000;
	s9 =	sadd.s32 s1, s9  }
0x81: {  	[tilespmem:s12], [sflag:$0x7] =	stream.linear.gather [hbm4b:s9+s3], $0x200, $0x38;
	[tilespmem:$0x1D800] =	vst v63  }
0x82: {  	s10 =	sadd.s32 s1, s10  }
0x83: {  	[tilespmem:s18], [sflag:$0x7] =	stream.linear.gather [hbm4b:s10+s3], $0x200, $0x38;
	[tilespmem:$0x1D800] =	vst v63  }
0x84: {  	_ =	swait.ge [sflag:s19], $0x200  }
0x85: {  	[sflag:s19] =	ssyncset.done $0x0  }
0x86: {  	[sflag:s19] =	ssyncadd.s32 $0xFFFFFE00  }
0x87: {  	_ =	swait.ge [sflag:s19], $0x200  }
0x88: {  	[sflag:s19] =	ssyncset.done $0x0  }
0x89: {  	s8 =	simm.s32 @!p1 $0x4;
	[sflag:s19] =	ssyncadd.s32 $0xFFFFFE00  }
0x8a: {  	[tilespmem:s20], [sflag:$0x1] =	stream.indirect.gather [hbm4b:s4+s16], $0x10, s3, s16, $0xb8;
	[tilespmem:$0x1D800] =	vst v63  }
0x8b: {  	_ =	swait.ge @!p1 [sflag:s8], $0x2000  }
0x8c: {  	s11 =	rddreg [dreg:$0x7];
	[sflag:s8] =	ssyncset.done @!p1 $0x0  }
0x8d: {  	s12 =	rddreg [dreg:$0x8];
	[sflag:s8] =	ssyncadd.s32 @!p1 $0xFFFFE000;
	s11 =	sadd.s32 s1, s11  }
0x8e: {  	[tilespmem:s21], [sflag:$0x8] =	stream.linear.gather [hbm4b:s11+s3], $0x200, $0x38;
	[tilespmem:$0x1D800] =	vst v63  }
0x8f: {  	s12 =	sadd.s32 s1, s12  }
0x90: {  	[tilespmem:s22], [sflag:$0x8] =	stream.linear.gather [hbm4b:s12+s3], $0x200, $0x38;
	[tilespmem:$0x1D800] =	vst v63  }
0x91: {  	_ =	swait.ge [sflag:s23], $0x200  }
0x92: {  	[sflag:s23] =	ssyncset.done $0x0  }
0x93: {  	[sflag:s23] =	ssyncadd.s32 $0xFFFFFE00  }
0x94: {  	_ =	swait.ge [sflag:s23], $0x200  }
0x95: {  	[sflag:s23] =	ssyncset.done $0x0  }
0x96: {  	[sflag:s23] =	ssyncadd.s32 $0xFFFFFE00  }
0x97: {  	[tilespmem:s24], [sflag:$0x2] =	stream.indirect.gather [hbm4b:s4+s16], $0x10, s16, s16, $0xb8;
	[tilespmem:$0x1D800] =	vst v63  }
0x98: {  	_ =	swait.ge [sflag:s25], $0x2000  }
0x99: {  	[sflag:s25] =	ssyncset.done $0x0  }
0x9a: {  	[sflag:s25] =	ssyncadd.s32 $0xFFFFE000  }
0x9b: {  	[spmem:s2] =	stream.indirect.scatter.add.f32 [tilespmem:s20], [sflag:$0x3], $0x10, s15, s16, $0xb8;
	[tilespmem:$0x1D800] =	vst v63  }
0x9c: {  	_ =	swait.ge [sflag:s26], $0x2000  }
0x9d: {  	[sflag:s26] =	ssyncset.done $0x0  }
0x9e: {  	[sflag:s26] =	ssyncadd.s32 $0xFFFFE000  }
0x9f: {  	[spmem:s2] =	stream.indirect.scatter.add.f32 [tilespmem:s24], [sflag:$0x4], $0x10, s17, s16, $0xb8;
	[tilespmem:$0x1D800] =	vst v63  }
0xa0: {  	_ =	swait.ge [sflag:s28], $0x2000  }
0xa1: {  	p1 =	seq.s32 s1, $0x6200;
	[sflag:s28] =	ssyncset.done $0x0  }
0xa2: {  	s8 =	simm.s32 @p1 $0x7;
	[sflag:s28] =	ssyncadd.s32 $0xFFFFE000  }
0xa3: {  	_ =	swait.ge @p1 [sflag:s8], $0x200  }
0xa4: {  	[sflag:s8] =	ssyncset.done @p1 $0x0  }
0xa5: {  	[sflag:s8] =	ssyncadd.s32 @p1 $0xFFFFFE00  }
0xa6: {  	_ =	swait.ge @p1 [sflag:s8], $0x200  }
0xa7: {  	s9 =	simm.s32 @p1 $0x1000;
	s10 =	simm.s32 @p1 $0x4;
	[sflag:s8] =	ssyncset.done @p1 $0x0  }
0xa8: {  	s11 =	simm.s32 @p1 $0x400;
	[sflag:s8] =	ssyncadd.s32 @p1 $0xFFFFFE00;
	s8 =	simm.s32 @p1 $0x200  }
0xa9: {  	[tilespmem:s9], [sflag:$0x1] =	stream.indirect.gather @p1 [hbm4b:s4+s8], $0x10, s11, s8, $0xb8;
	[tilespmem:$0x1D800] =	vst v63  }
0xaa: {  	_ =	swait.ge @p1 [sflag:s10], $0x2000  }
0xab: {  	s8 =	rddreg [dreg:$0x5]  }
0xac: {  	[sflag:s10] =	ssyncset.done @p1 $0x0;
	s9 =	rddreg [dreg:$0x6]  }
0xad: {  	[sflag:s10] =	ssyncadd.s32 @p1 $0xFFFFE000;
	s8 =	sadd.s32 @!p1 s1, s8;
	s10 =	simm.s32 @!p1 $0x0  }
0xae: {  	[tilespmem:s10], [sflag:$0x5] =	stream.linear.gather @!p1 [hbm4b:s8+s10], $0x200, $0x38;
	[tilespmem:$0x1D800] =	vst v63  }
0xaf: {  	s11 =	simm.s32 @!p1 $0x7;
	s8 =	sadd.s32 @!p1 s1, s9;
	s9 =	simm.s32 @!p1 $0x800  }
0xb0: {  	[tilespmem:s9], [sflag:$0x5] =	stream.linear.gather @!p1 [hbm4b:s8+s10], $0x200, $0x38;
	[tilespmem:$0x1D800] =	vst v63  }
0xb1: {  	_ =	swait.ge @!p1 [sflag:s11], $0x200  }
0xb2: {  	[sflag:s11] =	ssyncset.done @!p1 $0x0  }
0xb3: {  	[sflag:s11] =	ssyncadd.s32 @!p1 $0xFFFFFE00  }
0xb4: {  	_ =	swait.ge @!p1 [sflag:s11], $0x200  }
0xb5: {  	s12 =	simm.s32 @!p1 $0x400;
	s8 =	simm.s32 @!p1 $0x1000;
	[sflag:s11] =	ssyncset.done @!p1 $0x0  }
0xb6: {  	s9 =	simm.s32 @!p1 $0x4;
	[sflag:s11] =	ssyncadd.s32 @!p1 $0xFFFFFE00;
	s11 =	simm.s32 @!p1 $0x200  }
0xb7: {  	[tilespmem:s8], [sflag:$0x1] =	stream.indirect.gather @!p1 [hbm4b:s4+s11], $0x10, s12, s11, $0xb8;
	[tilespmem:$0x1D800] =	vst v63  }
0xb8: {  	_ =	swait.ge @!p1 [sflag:s9], $0x2000  }
0xb9: {  	s8 =	rddreg [dreg:$0x3];
	[sflag:s9] =	ssyncset.done @!p1 $0x0  }
0xba: {  	s12 =	rddreg [dreg:$0x4];
	[sflag:s9] =	ssyncadd.s32 @!p1 $0xFFFFE000;
	s8 =	sadd.s32 @!p1 s1, s8  }
0xbb: {  	[tilespmem:s11], [sflag:$0x6] =	stream.linear.gather @!p1 [hbm4b:s8+s10], $0x200, $0x38;
	[tilespmem:$0x1D800] =	vst v63  }
0xbc: {  	s9 =	simm.s32 @!p1 $0xA00;
	s8 =	sadd.s32 @!p1 s1, s12  }
0xbd: {  	[tilespmem:s9], [sflag:$0x6] =	stream.linear.gather @!p1 [hbm4b:s8+s10], $0x200, $0x38;
	[tilespmem:$0x1D800] =	vst v63  }
0xbe: {  	_ =	swait.ge [sflag:s29], $0x200  }
0xbf: {  	[sflag:s29] =	ssyncset.done $0x0  }
0xc0: {  	[sflag:s29] =	ssyncadd.s32 $0xFFFFFE00  }
0xc1: {  	_ =	swait.ge [sflag:s29], $0x200  }
0xc2: {  	[sflag:s29] =	ssyncset.done $0x0  }
0xc3: {  	s6 =	smov.u32 s5;
	s5 =	sadd.s32 $0x100, s5;
	[sflag:s29] =	ssyncadd.s32 $0xFFFFFE00  }
0xc4: {  	[tilespmem:s24], [sflag:$0x2] =	stream.indirect.gather [hbm4b:s4+s16], $0x10, s21, s16, $0xb8;
	[tilespmem:$0x1D800] =	vst v63  }
0xc5: {  	p0 =	sne.s32 s5, $0x6300;
	_ =	swait.ge [sflag:s25], $0x2000  }
.Ltmp0:
0xc6: {  	[sflag:s25] =	ssyncset.done $0x0;
	(pc) =	sbr.rel @p0 .LBB2_2-.Ltmp0, $4  }
0xc7: {  	[sflag:s25] =	ssyncadd.s32 $0xFFFFE000  }
0xc8: {  	[spmem:s2] =	stream.indirect.scatter.add.f32 [tilespmem:s20], [sflag:$0x3], $0x10, s18, s16, $0xb8;
	[tilespmem:$0x1D800] =	vst v63  }
0xc9: {  	s1 =	smov.u32 s6;
	_ =	swait.ge [sflag:s26], $0x2000  }
0xca: {  	p1 =	seq.s32 s1, $0x0;
	[sflag:s26] =	ssyncset.done $0x0  }
0xcb: {  	s5 =	simm.s32 @!p1 $0x3;
	[sflag:s26] =	ssyncadd.s32 $0xFFFFE000  }
0xcc: {  	[spmem:s2] =	stream.indirect.scatter.add.f32 [tilespmem:s24], [sflag:$0x4], $0x10, s22, s16, $0xb8;
	[tilespmem:$0x1D800] =	vst v63  }
0xcd: {  	_ =	swait.ge @!p1 [sflag:s5], $0x2000  }
0xce: {  	s6 =	rddreg [dreg:$0x9]  }
0xcf: {  	s8 =	rddreg [dreg:$0xb];
	[sflag:s5] =	ssyncset.done @!p1 $0x0  }
0xd0: {  	s9 =	rddreg [dreg:$0xa];
	[sflag:s5] =	ssyncadd.s32 @!p1 $0xFFFFE000;
	s12 =	sadd.s32 s1, s6  }
0xd1: {  	[tilespmem:s8], [sflag:$0x7] =	stream.linear.gather [hbm4b:s12+s3], $0x200, $0x38;
	[tilespmem:$0x1D800] =	vst v63  }
0xd2: {  	s6 =	sadd.s32 s1, s9  }
0xd3: {  	[tilespmem:s18], [sflag:$0x7] =	stream.linear.gather [hbm4b:s6+s3], $0x200, $0x38;
	[tilespmem:$0x1D800] =	vst v63  }
0xd4: {  	_ =	swait.ge [sflag:s19], $0x200  }
0xd5: {  	[sflag:s19] =	ssyncset.done $0x0  }
0xd6: {  	[sflag:s19] =	ssyncadd.s32 $0xFFFFFE00  }
0xd7: {  	_ =	swait.ge [sflag:s19], $0x200  }
0xd8: {  	[sflag:s19] =	ssyncset.done $0x0  }
0xd9: {  	s5 =	simm.s32 @!p1 $0x4;
	[sflag:s19] =	ssyncadd.s32 $0xFFFFFE00  }
0xda: {  	[tilespmem:s20], [sflag:$0x1] =	stream.indirect.gather [hbm4b:s4+s16], $0x10, s3, s16, $0xb8;
	[tilespmem:$0x1D800] =	vst v63  }
0xdb: {  	_ =	swait.ge @!p1 [sflag:s5], $0x2000  }
0xdc: {  	s8 =	rddreg [dreg:$0x7];
	[sflag:s5] =	ssyncset.done @!p1 $0x0  }
0xdd: {  	s9 =	rddreg [dreg:$0x8];
	[sflag:s5] =	ssyncadd.s32 @!p1 $0xFFFFE000;
	s10 =	sadd.s32 s1, s8  }
0xde: {  	[tilespmem:s21], [sflag:$0x8] =	stream.linear.gather [hbm4b:s10+s3], $0x200, $0x38;
	[tilespmem:$0x1D800] =	vst v63  }
0xdf: {  	s11 =	sadd.s32 s1, s9  }
0xe0: {  	[tilespmem:s22], [sflag:$0x8] =	stream.linear.gather [hbm4b:s11+s3], $0x200, $0x38;
	[tilespmem:$0x1D800] =	vst v63  }
0xe1: {  	_ =	swait.ge [sflag:s23], $0x200  }
0xe2: {  	[sflag:s23] =	ssyncset.done $0x0  }
0xe3: {  	[sflag:s23] =	ssyncadd.s32 $0xFFFFFE00  }
0xe4: {  	_ =	swait.ge [sflag:s23], $0x200  }
0xe5: {  	[sflag:s23] =	ssyncset.done $0x0  }
0xe6: {  	[sflag:s23] =	ssyncadd.s32 $0xFFFFFE00  }
0xe7: {  	[tilespmem:s24], [sflag:$0x2] =	stream.indirect.gather [hbm4b:s4+s16], $0x10, s16, s16, $0xb8;
	[tilespmem:$0x1D800] =	vst v63  }
0xe8: {  	_ =	swait.ge [sflag:s25], $0x2000  }
0xe9: {  	[sflag:s25] =	ssyncset.done $0x0  }
0xea: {  	[sflag:s25] =	ssyncadd.s32 $0xFFFFE000  }
0xeb: {  	[spmem:s2] =	stream.indirect.scatter.add.f32 [tilespmem:s20], [sflag:$0x3], $0x10, s15, s16, $0xb8;
	[tilespmem:$0x1D800] =	vst v63  }
0xec: {  	_ =	swait.ge [sflag:s26], $0x2000  }
0xed: {  	[sflag:s26] =	ssyncset.done $0x0  }
0xee: {  	[sflag:s26] =	ssyncadd.s32 $0xFFFFE000  }
0xef: {  	[spmem:s2] =	stream.indirect.scatter.add.f32 [tilespmem:s24], [sflag:$0x4], $0x10, s17, s16, $0xb8;
	[tilespmem:$0x1D800] =	vst v63  }
0xf0: {  	_ =	swait.ge [sflag:s28], $0x2000  }
0xf1: {  	p0 =	seq.s32 s1, $0x6200;
	[sflag:s28] =	ssyncset.done $0x0  }
0xf2: {  	s5 =	simm.s32 @p0 $0x7;
	[sflag:s28] =	ssyncadd.s32 $0xFFFFE000  }
0xf3: {  	_ =	swait.ge @p0 [sflag:s5], $0x200  }
0xf4: {  	[sflag:s5] =	ssyncset.done @p0 $0x0  }
0xf5: {  	[sflag:s5] =	ssyncadd.s32 @p0 $0xFFFFFE00  }
0xf6: {  	_ =	swait.ge @p0 [sflag:s5], $0x200  }
0xf7: {  	s6 =	simm.s32 @p0 $0x1000;
	s8 =	simm.s32 @p0 $0x4;
	[sflag:s5] =	ssyncset.done @p0 $0x0  }
0xf8: {  	s9 =	simm.s32 @p0 $0x400;
	[sflag:s5] =	ssyncadd.s32 @p0 $0xFFFFFE00;
	s5 =	simm.s32 @p0 $0x200  }
0xf9: {  	[tilespmem:s6], [sflag:$0x1] =	stream.indirect.gather @p0 [hbm4b:s4+s5], $0x10, s9, s5, $0xb8;
	[tilespmem:$0x1D800] =	vst v63  }
0xfa: {  	_ =	swait.ge @p0 [sflag:s8], $0x2000  }
0xfb: {  	s5 =	rddreg [dreg:$0x5]  }
0xfc: {  	[sflag:s8] =	ssyncset.done @p0 $0x0;
	s6 =	rddreg [dreg:$0x6]  }
0xfd: {  	[sflag:s8] =	ssyncadd.s32 @p0 $0xFFFFE000;
	s5 =	sadd.s32 @!p0 s1, s5;
	s8 =	simm.s32 @!p0 $0x0  }
0xfe: {  	[tilespmem:s8], [sflag:$0x5] =	stream.linear.gather @!p0 [hbm4b:s5+s8], $0x200, $0x38;
	[tilespmem:$0x1D800] =	vst v63  }
0xff: {  	s9 =	simm.s32 @!p0 $0x7;
	s5 =	sadd.s32 @!p0 s1, s6;
	s6 =	simm.s32 @!p0 $0x800  }
0x100: {  	[tilespmem:s6], [sflag:$0x5] =	stream.linear.gather @!p0 [hbm4b:s5+s8], $0x200, $0x38;
	[tilespmem:$0x1D800] =	vst v63  }
0x101: {  	_ =	swait.ge @!p0 [sflag:s9], $0x200  }
0x102: {  	[sflag:s9] =	ssyncset.done @!p0 $0x0  }
0x103: {  	[sflag:s9] =	ssyncadd.s32 @!p0 $0xFFFFFE00  }
0x104: {  	_ =	swait.ge @!p0 [sflag:s9], $0x200  }
0x105: {  	s10 =	simm.s32 @!p0 $0x400;
	s5 =	simm.s32 @!p0 $0x1000;
	[sflag:s9] =	ssyncset.done @!p0 $0x0  }
0x106: {  	s6 =	simm.s32 @!p0 $0x4;
	[sflag:s9] =	ssyncadd.s32 @!p0 $0xFFFFFE00;
	s9 =	simm.s32 @!p0 $0x200  }
0x107: {  	[tilespmem:s5], [sflag:$0x1] =	stream.indirect.gather @!p0 [hbm4b:s4+s9], $0x10, s10, s9, $0xb8;
	[tilespmem:$0x1D800] =	vst v63  }
0x108: {  	_ =	swait.ge @!p0 [sflag:s6], $0x2000  }
0x109: {  	s5 =	rddreg [dreg:$0x3];
	[sflag:s6] =	ssyncset.done @!p0 $0x0  }
0x10a: {  	s10 =	rddreg [dreg:$0x4];
	[sflag:s6] =	ssyncadd.s32 @!p0 $0xFFFFE000;
	s5 =	sadd.s32 @!p0 s1, s5  }
0x10b: {  	[tilespmem:s9], [sflag:$0x6] =	stream.linear.gather @!p0 [hbm4b:s5+s8], $0x200, $0x38;
	[tilespmem:$0x1D800] =	vst v63  }
0x10c: {  	s1 =	sadd.s32 @!p0 s1, s10;
	s5 =	simm.s32 @!p0 $0xA00  }
0x10d: {  	[tilespmem:s5], [sflag:$0x6] =	stream.linear.gather @!p0 [hbm4b:s1+s8], $0x200, $0x38;
	[tilespmem:$0x1D800] =	vst v63  }
0x10e: {  	_ =	swait.ge [sflag:s29], $0x200  }
0x10f: {  	[sflag:s29] =	ssyncset.done $0x0  }
0x110: {  	[sflag:s29] =	ssyncadd.s32 $0xFFFFFE00  }
0x111: {  	_ =	swait.ge [sflag:s29], $0x200  }
0x112: {  	[sflag:s29] =	ssyncset.done $0x0  }
0x113: {  	[sflag:s29] =	ssyncadd.s32 $0xFFFFFE00  }
0x114: {  	[tilespmem:s24], [sflag:$0x2] =	stream.indirect.gather [hbm4b:s4+s16], $0x10, s21, s16, $0xb8;
	[tilespmem:$0x1D800] =	vst v63  }
0x115: {  	_ =	swait.ge [sflag:s25], $0x2000  }
0x116: {  	[sflag:s25] =	ssyncset.done $0x0  }
0x117: {  	[sflag:s25] =	ssyncadd.s32 $0xFFFFE000  }
0x118: {  	[spmem:s2] =	stream.indirect.scatter.add.f32 [tilespmem:s20], [sflag:$0x3], $0x10, s18, s16, $0xb8;
	[tilespmem:$0x1D800] =	vst v63  }
0x119: {  	_ =	swait.ge [sflag:s26], $0x2000  }
0x11a: {  	[sflag:s26] =	ssyncset.done $0x0  }
0x11b: {  	[sflag:s26] =	ssyncadd.s32 $0xFFFFE000  }
0x11c: {  	[spmem:s2] =	stream.indirect.scatter.add.f32 [tilespmem:s24], [sflag:$0x4], $0x10, s22, s16, $0xb8;
	[tilespmem:$0x1D800] =	vst v63  }
0x11d: {  	_ =	swait.ge [sflag:s28], $0x2000  }
0x11e: {  	[sflag:s28] =	ssyncset.done $0x0  }
0x11f: {  	[sflag:s28] =	ssyncadd.s32 $0xFFFFE000  }
0x120: {  	_ =	swait.ge [sflag:s30], $0x2000  }
0x121: {  	[sflag:s30] =	ssyncset.done $0x0  }
0x122: {  	s31 =	sadd.s32 $0x1, s31;
	[sflag:s30] =	ssyncadd.s32 $0xFFFFE000  }
0x123: {  	p0 =	sne.s32 s31, s13;
	[bflag:$0x0] =	sbarrier.arrive $0xFFFF  }
.Ltmp1:
0x124: {  	s12 =	rddreg [dreg:$0x12];
	(pc) =	sbr.rel @p0 .LBB2_1-.Ltmp1, $4  }
0x125: {  	[hbm:s12], [sflag:s7] =	dma.local [spmem:s0], $0x3100  }
0x126: {  	_ =	swait.ge [sflag:s14], $0x3100  }
0x127: {  	[sflag:s14] =	ssyncset.done $0x0  }
0x128: {  	[sflag:s14] =	ssyncadd.s32 $0xFFFFCF00  }
0x129: {  	_ =	sfence.sel $0x180000  }
0x12a: {  	[bflag:$0x0] =	sbarrier.arrive $0xFFFF  }
0x12b: {  	_ =	strace $0x9000004D  }
0x12c: {  	s0 =	stileid.u32;
	[bflag:$0x2] =	sbarrier.arrive $0xFFFF  }
0x12d: {  	p0 =	sne.s32 s0, $0x0;
	s0 =	rddreg [dreg:$0x2]  }
0x12e: {  	s0 =	sadd.s32 @!p0 $0x100000, s0  }
0x12f: {  	[sflag:s0] =	ssyncadd.tile.s32 @!p0 $0x1;
	_ =	shalt  }
.Lfunc_end2:
_tile_overlayer_lowered:
.L_overlay_start_2:
0x130: {  	(tag) =	ssettag $0x2  }
0x131: {  	s0 =	rddreg [dreg:$0x0];
	s2 =	stileid.u32  }
0x132: {  	s1 =	rddreg [dreg:$0x1];
	p0 =	sne.s32 s2, $0x0  }
0x133: {  	s3 =	rddreg [dreg:$0x2];
	[bflag:$0x3] =	sbarrier.arrive $0xFFFF;
	s2 =	simm.s32 @!p0 $0x1C09  }
0x134: {  	[timem:s3], [sflag:s2] =	dma.local @!p0 [hbm:s0], s1  }
0x135: {  	s0 =	simm.s32 @!p0 $0x9  }
0x136: {  	_ =	swait.ge @!p0 [sflag:s0], s1  }
0x137: {  	s1 =	ssub.s32 @!p0 $0x0, s1;
	[sflag:s0] =	ssyncset.done @!p0 $0x0  }
0x138: {  	[sflag:s0] =	ssyncadd.s32 @!p0 s1  }
0x139: {  	[bflag:$0x3] =	sbarrier.arrive $0xFFFF  }
0x13a: {  	_ =	shalt  }

// kernel: kernel.8.cloned.1.call-start
scs
__scs_entry_jumppad:
0x0: {  	(pc) =	sbr.rel $0x88, $3  }
0x1: {  	(tag) =	ssettag $0x0;
	lr =	simm.s32 $0x1  }
0x2: {  	[smem:$0x3F99] =	sst lr;
	_ =	strace $0xD0000000  }
0x3: {  	_ = 	snop  }
0x4: {  	_ = 	snop  }
0x5: {  	_ = 	snop  }
0x6: {  	_ = 	snop  }
0x7: {  	_ = 	snop  }
__scs_overlays_trampoline_lowered:
0x8: {  	[smem:$0x3FA8] =	sst s0  }
0x9: {  	[smem:$0x3FA9] =	sst s1  }
0xa: {  	[smem:$0x3FAA] =	sst s2  }
0xb: {  	[smem:$0x3FAB] =	sst s3  }
0xc: {  	[smem:$0x3FAC] =	sst s4  }
0xd: {  	[smem:$0x3FAD] =	sst s5  }
0xe: {  	[smem:$0x3FAE] =	sst s6  }
0xf: {  	[smem:$0x3FAF] =	sst s7  }
0x10: {  	[smem:$0x3FB0] =	sst s8  }
0x11: {  	[smem:$0x3FB1] =	sst s9;
	s0 =	simm.s32 @!p0 $0x0  }
0x12: {  	s1 =	sld [smem:$0x3F97];
	s0 =	simm.s32 @p0 $0x1  }
0x13: {  	[smem:$0x3FB2] =	sst s0;
	s0 =	simm.s32 @!p1 $0x0  }
0x14: {  	s2 =	sld [smem:$0x3F96];
	s0 =	simm.s32 @p1 $0x1  }
0x15: {  	[smem:$0x3FB3] =	sst s0;
	s0 =	simm.s32 @!p2 $0x0  }
0x16: {  	s3 =	sld [smem:$0x3FDB];
	s0 =	simm.s32 @p2 $0x1  }
0x17: {  	s4 =	simm.s32 $0x1BF5;
	[smem:$0x3FB5] =	sst s0  }
0x18: {  	s0 =	sld [smem:$0x3F98];
	_ =	swait.ge [sflag:s4], $0x0  }
0x19: {  	s7 =	sld [smem:$0x3F99]  }
0x1a: {  	s8 =	sadd.s32 $0xFFFFE003, lr  }
0x1b: {  	s9 =	sadd.s32 $0xFFFFFEF7, lr;
	s5 =	simm.s32 $0xFFFFFFFF;
	p2 =	slt.u32 s8, $0xFFFFF086  }
0x1c: {  	p1 =	slt.u32 s9, $0xF7A;
	s5 =	simm.s32 @!p2 $0x0  }
0x1d: {  	s5 =	simm.s32 @p1 $0x1;
	p0 =	seq.s32 s7, s2  }
0x1e: {  	s7 =	smul.u32 @!p0 $0xF7A, s2;
	p2 =	seq.s32 @!p0 s5, $0x0  }
0x1f: {  	s9 =	smul.u32 $0xF7A, s1;
	s8 =	simm.s32 @!p0 $0x1BF5;
	p2 =	por !p2, p0  }
0x20: {  	[sflag:s8] =	ssyncset.s32 @!p0 $0xFFFFF086;
	s6 =	sadd.s32 @!p0 s3, s7;
	s7 =	simm.s32 @!p0 $0x108  }
0x21: {  	s3 =	sadd.s32 s3, s9;
	s6 =	sadd.s32 @!p0 $0x88, s6;
	s7 =	simm.s32 @p2 $0x1082  }
0x22: {  	[simem:s7], [sflag:s8] =	dma.local @!p0 [hbm:s6], $0xF7A  }
0x23: {  	s9 =	sor.u32 $0xD0000000, s2;
	s6 =	simm.s32 $0x108;
	_ =	swait.ge @!p0 [sflag:s8], $0x0  }
0x24: {  	s3 =	sadd.s32 $0x88, s3;
	s6 =	simm.s32 @!p1 $0x1082;
	[sflag:s4] =	ssyncset.s32 $0xFFFFF086  }
0x25: {  	[simem:s6], [sflag:s4] =	dma.local [hbm:s3], $0xF7A  }
0x26: {  	[smem:$0x3F99] =	sst s1;
	(tag) =	ssettag s2;
	_ =	strace s9  }
0x27: {  	s1 =	sld [smem:$0x3FA9]  }
0x28: {  	s2 =	sld [smem:$0x3FAA]  }
0x29: {  	s4 =	sld [smem:$0x3FAC]  }
0x2a: {  	p0 =	seq.s32 s5, $0x0;
	s5 =	sld [smem:$0x3FAD]  }
0x2b: {  	s6 =	sld [smem:$0x3FAE]  }
0x2c: {  	s7 =	sld [smem:$0x3FAF]  }
0x2d: {  	s3 =	simm.s32 $0x108;
	s8 =	sld [smem:$0x3FB0]  }
0x2e: {  	s3 =	simm.s32 @!p0 $0x1082;
	s9 =	sld [smem:$0x3FB1]  }
0x2f: {  	lr =	sadd.s32 s0, s3;
	s0 =	sld [smem:$0x3FA8]  }
0x30: {  	s3 =	sld [smem:$0x3FAB]  }
0x31: {  	[smem:$0x3FB4] =	sst s10  }
0x32: {  	s10 =	sld [smem:$0x3FB2];
	_ =	sdelay $0x3  }
0x33: {  	p0 =	seq.s32 s10, $0x1;
	s10 =	sld [smem:$0x3FB4];
	_ =	sdelay $0x3  }
0x34: {  	[smem:$0x3FB4] =	sst s10  }
0x35: {  	s10 =	sld [smem:$0x3FB3];
	_ =	sdelay $0x3  }
0x36: {  	p1 =	seq.s32 s10, $0x1;
	s10 =	sld [smem:$0x3FB4];
	_ =	sdelay $0x3  }
0x37: {  	[smem:$0x3FB4] =	sst s10  }
0x38: {  	s10 =	sld [smem:$0x3FB5]  }
0x39: {  	_ = 	snop;
	(pc) =	sbr.ind lr, $3  }
0x3a: {  	_ = 	snop  }
0x3b: {  	_ = 	snop  }
0x3c: {  	p2 =	seq.s32 s10, $0x1;
	s10 =	sld [smem:$0x3FB4]  }
0x3d: {  	_ =	shalt  }
0x3e: {  	_ =	shalt  }
0x3f: {  	_ =	shalt  }
0x40: {  	_ =	shalt  }
0x41: {  	_ =	shalt  }
0x42: {  	_ =	shalt  }
0x43: {  	_ =	shalt  }
0x44: {  	_ =	shalt  }
0x45: {  	_ =	shalt  }
0x46: {  	_ =	shalt  }
0x47: {  	_ =	shalt  }
0x48: {  	_ =	shalt  }
0x49: {  	_ =	shalt  }
0x4a: {  	_ =	shalt  }
0x4b: {  	_ =	shalt  }
0x4c: {  	_ =	shalt  }
0x4d: {  	_ =	shalt  }
0x4e: {  	_ =	shalt  }
0x4f: {  	_ =	shalt  }
0x50: {  	_ =	shalt  }
0x51: {  	_ =	shalt  }
0x52: {  	_ =	shalt  }
0x53: {  	_ =	shalt  }
0x54: {  	_ =	shalt  }
0x55: {  	_ =	shalt  }
0x56: {  	_ =	shalt  }
0x57: {  	_ =	shalt  }
0x58: {  	_ =	shalt  }
0x59: {  	_ =	shalt  }
0x5a: {  	_ =	shalt  }
0x5b: {  	_ =	shalt  }
0x5c: {  	_ =	shalt  }
0x5d: {  	_ =	shalt  }
0x5e: {  	_ =	shalt  }
0x5f: {  	_ =	shalt  }
0x60: {  	_ =	shalt  }
0x61: {  	_ =	shalt  }
0x62: {  	_ =	shalt  }
0x63: {  	_ =	shalt  }
0x64: {  	_ =	shalt  }
0x65: {  	_ =	shalt  }
0x66: {  	_ =	shalt  }
0x67: {  	_ =	shalt  }
0x68: {  	_ =	shalt  }
0x69: {  	_ =	shalt  }
0x6a: {  	_ =	shalt  }
0x6b: {  	_ =	shalt  }
0x6c: {  	_ =	shalt  }
0x6d: {  	_ =	shalt  }
0x6e: {  	_ =	shalt  }
0x6f: {  	_ =	shalt  }
0x70: {  	_ =	shalt  }
0x71: {  	_ =	shalt  }
0x72: {  	_ =	shalt  }
0x73: {  	_ =	shalt  }
0x74: {  	_ =	shalt  }
0x75: {  	_ =	shalt  }
0x76: {  	_ =	shalt  }
0x77: {  	_ =	shalt  }
0x78: {  	_ =	shalt  }
0x79: {  	_ =	shalt  }
0x7a: {  	_ =	shalt  }
0x7b: {  	_ =	shalt  }
0x7c: {  	_ =	shalt  }
0x7d: {  	_ =	shalt  }
0x7e: {  	_ =	shalt  }
0x7f: {  	_ =	shalt  }
0x80: {  	_ =	shalt  }
0x81: {  	_ =	shalt  }
0x82: {  	_ =	shalt  }
0x83: {  	_ =	shalt  }
0x84: {  	_ =	shalt  }
0x85: {  	_ =	shalt  }
0x86: {  	_ =	shalt  }
0x87: {  	_ =	shalt  }
.Lfunc_end0:
.L_simem_size_0:
called_computation_lowered:
.L_overlay_start_0:
0x88: {  	s2 =	sld [smem:$0x3FD9]  }
0x89: {  	s3 =	sld [smem:$0x3FFE];
	_ =	sdelay $0x1  }
0x8a: {  	s1 =	srdreg.scid  }
0x8b: {  	s0 =	sand.u32 $0x1, s1  }
0x8c: {  	s17 =	sshll.u32 s0, $0xA;
	s2 =	sadd.s32 s3, s2  }
0x8d: {  	s2 =	sadd.s32 s2, s17  }
0x8e: {  	[smem:$0x3FC0] =	sst s2  }
0x8f: {  	_ = 	snop  }
0x90: {  	s2 =	sld [smem:$0x3FD0];
	(tm) =	ssettm $0x1  }
0x91: {  	s18 =	sld [smem:$0x3FFB];
	_ =	sdelay $0x3  }
0x92: {  	_ =	strace s18  }
0x93: {  	s3 =	sld [smem:$0x3FFC];
	_ =	sdelay $0x3  }
0x94: {  	_ =	strace s3  }
0x95: {  	s3 =	sld [smem:$0x3FFD];
	_ =	sdelay $0x3  }
0x96: {  	_ =	strace s3  }
0x97: {  	_ =	strace $0x8FFFFFFF  }
0x98: {  	s19 =	sld [smem:$0x3FDB];
	_ =	sdelay $0x1  }
0x99: {  	s4 =	simm.s32 $_scs_section_size  }
0x9a: {  	s5 =	simm.s32 $_size__tile_overlayer_lowered;
	s6 =	simm.s32 $_tile_overlayer_lowered  }
0x9b: {  	s22 =	simm.s32 $0x1BFF;
	s21 =	sshll.u32 s6, $0x1;
	s3 =	sadd.s32 s4, s19  }
0x9c: {  	s7 =	simm.s32 $0x0;
	s20 =	sshll.u32 s5, $0x1;
	s5 =	sadd.s32 s21, s3  }
0x9d: {  	[timem:s7], [sflag:s22] =	dma.local [hbm:s5], s20  }
0x9e: {  	_ =	swait.ge [sflag:s22], s20  }
0x9f: {  	s4 =	ssub.s32 $0x0, s20;
	[sflag:s22] =	ssyncset.done $0x0  }
0xa0: {  	[sflag:s22] =	ssyncadd.s32 s4;
	_ =	sdelay $0x1  }
0xa1: {  	s23 =	simm.s32 $0x1B8B  }
0xa2: {  	_ =	swait.ge [sflag:s23], $0x1  }
0xa3: {  	[sflag:s23] =	ssyncset.done $0x0  }
0xa4: {  	s25 =	simm.s32 $0x1B8E;
	s24 =	sld [smem:$0x3FFE];
	[sflag:s23] =	ssyncadd.s32 $0xFFFFFFFF  }
0xa5: {  	s26 =	simm.s32 $execute0_lowered;
	[smem:$0x3FD2] =	sst s25  }
0xa6: {  	s5 =	sshll.u32 s26, $0x1;
	_ =	strace $0x80000046;
	[dreg:$0x1] =	wrdreg $0xFFFFFFFF  }
0xa7: {  	s28 =	simm.s32 $_size_execute0_lowered;
	s3 =	sadd.s32 s3, s5;
	[dreg:$0x0] =	wrdreg $0x0  }
0xa8: {  	s5 =	sshll.u32 s28, $0x1;
	[dreg:$0x2] =	wrdreg s3  }
0xa9: {  	[dreg:$0x3] =	wrdreg s5  }
0xaa: {  	[dreg:$0x4] =	wrdreg $0xC0  }
0xab: {  	_ =	task [dreg:s7], $0x5FFFF  }
0xac: {  	[dreg:$0x1] =	wrdreg $0xFFFFFFFF  }
0xad: {  	[dreg:$0x0] =	wrdreg $0x60  }
0xae: {  	[dreg:$0x2] =	wrdreg s24  }
0xaf: {  	[dreg:$0x3] =	wrdreg s2  }
0xb0: {  	[dreg:$0x4] =	wrdreg $0x50000  }
0xb1: {  	[dreg:$0x5] =	wrdreg $0x9  }
0xb2: {  	_ =	task.clear_ibuf [dreg:s7], $0x6FFFF;
	_ =	strace $0x90000046  }
0xb3: {  	s29 =	simm.s32 $0x9;
	_ =	strace $0x80000048  }
0xb4: {  	_ =	swait.ge [sflag:s29], $0x1  }
0xb5: {  	[sflag:s29] =	ssyncadd.s32 $0xFFFFFFFF  }
0xb6: {  	_ =	strace $0x90000048  }
0xb7: {  	_ =	sfence  }
0xb8: {  	s30 =	sld [smem:$0x0];
	_ =	sdelay $0x2  }
0xb9: {  	s31 =	sshll.u32 s1, $0xD;
	s1 =	sshrl.u32 s1, $0x2  }
0xba: {  	s3 =	sand.u32 $0x4000, s31;
	s1 =	sadd.s32 s1, s30  }
0xbb: {  	s0 =	sor.u32 s3, s0;
	s1 =	sshll.u32 s1, $0x11  }
0xbc: {  	s0 =	sor.u32 s1, s0  }
0xbd: {  	s0 =	sadd.s32 $0x8F2B, s0  }
0xbe: {  	[sflag:s0] =	ssyncadd.remote.s32 $0x1  }
0xbf: {  	_ =	sfence.sel $0xFFFF  }
0xc0: {  	[dreg:$0x0] =	wrdreg $0xFFFFFFFF;
	(pc) =	sbr.abs _section_cstart, $3  }
0xc1: {  	[dreg:$0x1] =	wrdreg $0xFFFFFFFF  }
0xc2: {  	_ =	task.clear_ibuf [dreg:s7], $0x2FFFF;
	_ =	strace $0x9FFFFFFF  }
0xc3: {  	(tm) =	ssettm $0x7FFFFFFF  }
tec
execute0_lowered:
.L_overlay_start_1:
0x0: {  	(tag) =	ssettag $0x1  }
0x1: {  	s7 =	rddreg [dreg:$0x0]  }
0x2: {  	s2 =	rddreg [dreg:$0x1]  }
0x3: {  	s3 =	rddreg [dreg:$0x2];
	s4 =	simm.s32 $0x0;
	s0 =	stileid.u32  }
0x4: {  	s5 =	srdreg.scid;
	s22 =	simm.s32 $0x400;
	s23 =	simm.s32 $0x3000  }
0x5: {  	s24 =	simm.s32 $0xC00;
	s28 =	simm.s32 $0x0;
	s8 =	smul.u32 $0xC400, s0  }
0x6: {  	[smem:$0x7FF] =	sst s4;
	s14 =	sand.u32 $0x1, s5;
	s16 =	smul.u32 $0xC600, s0  }
0x7: {  	s5 =	sadd.s32 $0x18B200, s7;
	s6 =	sadd.s32 $0xC5200, s7;
	s19 =	smul.u32 $0x63000, s0  }
0x8: {  	s13 =	sshll.u32 s0, $0x1;
	s26 =	sshll.u32 s0, $0x6;
	s9 =	smul.u32 $0xC4000, s14  }
0x9: {  	_ =	strace $0x80000047;
	s11 =	ssub.s32 $0x2, s14;
	s17 =	smul.u32 $0x6300, s14  }
0xa: {  	s25 =	sor.u32 s14, s13;
	s21 =	smul.u32 $0x31800, s14;
	s10 =	sshrl.u32 s8, $0x3  }
0xb: {  	s12 =	sshrl.u32 s11, $0x1;
	s18 =	sadd.s32 s8, s3;
	s13 =	smul.u32 $0x31800, s25  }
0xc: {  	s15 =	smul.u32 $0x6300, s25;
	s20 =	sadd.s32 s16, s6;
	s16 =	sadd.s32 s16, s5  }
0xd: {  	s25 =	simm.s32 $0x1;
	s10 =	sadd.s32 s10, s7;
	s9 =	sadd.s32 s8, s9  }
0xe: {  	s11 =	ssub.s32 s11, s12;
	s8 =	sor.u32 $0x1C03, s26;
	s30 =	sadd.s32 s17, s20  }
0xf: {  	s16 =	sadd.s32 s17, s16;
	s31 =	sadd.s32 s21, s19;
	s18 =	sshrl.u32 s18, $0x3  }
0x10: {  	s19 =	simm.s32 $0x3;
	s20 =	simm.s32 $0x1000;
	s21 =	simm.s32 $0x800  }
0x11: {  	s26 =	simm.s32 $0x2;
	s9 =	sshrl.u32 s9, $0x3;
	s29 =	sshrl.u32 s13, $0x3  }
0x12: {  	s15 =	sor.u32 $0x80, s15;
	s16 =	sadd.s32 $0x180, s16;
	s17 =	sadd.s32 $0x800, s31  }
0x13: {  	s9 =	sadd.s32 s9, s7;
	s7 =	sadd.s32 $0x1C00, s10;
	s10 =	smax.u32 s11, $0x1  }
0x14: {  	s11 =	sadd.s32 s5, s29;
	s12 =	sadd.s32 s6, s29;
	s13 =	sadd.s32 s5, s15  }
0x15: {  	s14 =	sadd.s32 s6, s15;
	s15 =	sadd.s32 $0x180, s30;
	s9 =	sadd.s32 $0x1A400, s9  }
.LBB2_1:
0x16: {  	[spmem:s18], [sflag:s8] =	dma.local [hbm:s7], $0x1880  }
0x17: {  	_ =	swait.ge [sflag:s19], $0x1880  }
0x18: {  	[sflag:s19] =	ssyncset.done $0x0  }
0x19: {  	[sflag:s19] =	ssyncadd.s32 $0xFFFFE780  }
0x1a: {  	[tilespmem:s20], [sflag:$0x3] =	stream.linear.gather [hbm4b:s2+s4], $0x4000, $0x38;
	[tilespmem:$0x11400] =	vst v63  }
0x1b: {  	_ =	swait.ge [sflag:s19], $0x4000  }
0x1c: {  	[sflag:s19] =	ssyncset.done $0x0  }
0x1d: {  	[sflag:s19] =	ssyncadd.s32 $0xFFFFC000  }
0x1e: {  	[bflag:$0x0] =	sbarrier.arrive $0xFFFF  }
0x1f: {  	[tilespmem:s4], [sflag:$0x3] =	stream.linear.gather [hbm4b:s11+s4], $0x400, $0x38;
	[tilespmem:$0x11400] =	vst v63  }
0x20: {  	_ =	swait.ge [sflag:s19], $0x400  }
0x21: {  	[sflag:s19] =	ssyncset.done $0x0  }
0x22: {  	[sflag:s19] =	ssyncadd.s32 $0xFFFFFC00  }
0x23: {  	[tilespmem:s21], [sflag:$0x3] =	stream.linear.gather [hbm4b:s12+s4], $0x400, $0x38;
	[tilespmem:$0x11400] =	vst v63  }
0x24: {  	_ =	swait.ge [sflag:s19], $0x400  }
0x25: {  	[sflag:s19] =	ssyncset.done $0x0  }
0x26: {  	[sflag:s19] =	ssyncadd.s32 $0xFFFFFC00  }
0x27: {  	[spmem:s3] =	stream.indirect.scatter.add.f32 [tilespmem:s20], [sflag:$0x1], $0x8, s4, s22, $0xb8;
	[tilespmem:$0x11400] =	vst v63  }
0x28: {  	_ = 	snop  }
0x29: {  	[spmem:s3] =	stream.indirect.scatter.add.f32 [tilespmem:s23], [sflag:$0x1], $0x8, s21, s22, $0xb8;
	[tilespmem:$0x11400] =	vst v63  }
0x2a: {  	_ = 	snop  }
0x2b: {  	[tilespmem:s22], [sflag:$0x3] =	stream.linear.gather [hbm4b:s13+s4], $0x400, $0x38;
	[tilespmem:$0x11400] =	vst v63  }
0x2c: {  	_ =	swait.ge [sflag:s19], $0x400  }
0x2d: {  	[sflag:s19] =	ssyncset.done $0x0  }
0x2e: {  	[sflag:s19] =	ssyncadd.s32 $0xFFFFFC00  }
0x2f: {  	[tilespmem:s24], [sflag:$0x3] =	stream.linear.gather [hbm4b:s14+s4], $0x400, $0x38;
	[tilespmem:$0x11400] =	vst v63  }
0x30: {  	_ =	swait.ge [sflag:s19], $0x400  }
0x31: {  	[sflag:s19] =	ssyncset.done $0x0  }
0x32: {  	[sflag:s19] =	ssyncadd.s32 $0xFFFFFC00  }
0x33: {  	[spmem:s3] =	stream.indirect.scatter.add.f32 [tilespmem:s20], [sflag:$0x2], $0x8, s22, s22, $0xb8;
	[tilespmem:$0x11400] =	vst v63  }
0x34: {  	_ = 	snop  }
0x35: {  	[spmem:s3] =	stream.indirect.scatter.add.f32 [tilespmem:s23], [sflag:$0x2], $0x8, s24, s22, $0xb8;
	[tilespmem:$0x11400] =	vst v63  }
0x36: {  	_ =	swait.ge [sflag:s25], $0x2000  }
0x37: {  	[sflag:s25] =	ssyncset.done $0x0  }
0x38: {  	[sflag:s25] =	ssyncadd.s32 $0xFFFFE000  }
0x39: {  	_ =	swait.ge [sflag:s25], $0x2000  }
0x3a: {  	s29 =	sshrl.u32 s17, $0x3;
	[sflag:s25] =	ssyncset.done $0x0  }
0x3b: {  	s30 =	sadd.s32 s5, s29;
	[sflag:s25] =	ssyncadd.s32 $0xFFFFE000  }
0x3c: {  	[tilespmem:s4], [sflag:$0x3] =	stream.linear.gather [hbm4b:s30+s4], $0x400, $0x38;
	[tilespmem:$0x11400] =	vst v63  }
0x3d: {  	_ =	swait.ge [sflag:s19], $0x400  }
0x3e: {  	[sflag:s19] =	ssyncset.done $0x0  }
0x3f: {  	s29 =	sadd.s32 s6, s29;
	[sflag:s19] =	ssyncadd.s32 $0xFFFFFC00  }
0x40: {  	[tilespmem:s21], [sflag:$0x3] =	stream.linear.gather [hbm4b:s29+s4], $0x400, $0x38;
	[tilespmem:$0x11400] =	vst v63  }
0x41: {  	_ =	swait.ge [sflag:s19], $0x400  }
0x42: {  	[sflag:s19] =	ssyncset.done $0x0  }
0x43: {  	[sflag:s19] =	ssyncadd.s32 $0xFFFFFC00  }
0x44: {  	[spmem:s3] =	stream.indirect.scatter.add.f32 [tilespmem:s20], [sflag:$0x1], $0x8, s4, s22, $0xb8;
	[tilespmem:$0x11400] =	vst v63  }
0x45: {  	_ = 	snop  }
0x46: {  	[spmem:s3] =	stream.indirect.scatter.add.f32 [tilespmem:s23], [sflag:$0x1], $0x8, s21, s22, $0xb8;
	[tilespmem:$0x11400] =	vst v63  }
0x47: {  	_ =	swait.ge [sflag:s26], $0x2000  }
0x48: {  	[sflag:s26] =	ssyncset.done $0x0  }
0x49: {  	[sflag:s26] =	ssyncadd.s32 $0xFFFFE000  }
0x4a: {  	_ =	swait.ge [sflag:s26], $0x2000  }
0x4b: {  	[sflag:s26] =	ssyncset.done $0x0  }
0x4c: {  	s29 =	sadd.s32 $0x0, s16;
	[sflag:s26] =	ssyncadd.s32 $0xFFFFE000  }
0x4d: {  	[tilespmem:s22], [sflag:$0x3] =	stream.linear.gather [hbm4b:s29+s4], $0x400, $0x38;
	[tilespmem:$0x11400] =	vst v63  }
0x4e: {  	_ =	swait.ge [sflag:s19], $0x400  }
0x4f: {  	[sflag:s19] =	ssyncset.done $0x0  }
0x50: {  	s29 =	sadd.s32 $0x0, s15;
	[sflag:s19] =	ssyncadd.s32 $0xFFFFFC00  }
0x51: {  	[tilespmem:s24], [sflag:$0x3] =	stream.linear.gather [hbm4b:s29+s4], $0x400, $0x38;
	[tilespmem:$0x11400] =	vst v63  }
0x52: {  	_ =	swait.ge [sflag:s19], $0x400  }
0x53: {  	[sflag:s19] =	ssyncset.done $0x0  }
0x54: {  	s30 =	sadd.s32 $0x800, s17;
	s29 =	simm.s32 $0x100;
	[sflag:s19] =	ssyncadd.s32 $0xFFFFFC00  }
0x55: {  	[spmem:s3] =	stream.indirect.scatter.add.f32 [tilespmem:s20], [sflag:$0x2], $0x8, s22, s22, $0xb8;
	[tilespmem:$0x11400] =	vst v63  }
.LBB2_2:
0x56: {  	[spmem:s3] =	stream.indirect.scatter.add.f32 [tilespmem:s23], [sflag:$0x2], $0x8, s24, s22, $0xb8;
	[tilespmem:$0x11400] =	vst v63  }
0x57: {  	s31 =	smov.u32 s29  }
0x58: {  	p0 =	sne.s32 s29, $0x6100;
	s29 =	sadd.s32 $0x100, s29;
	_ =	swait.ge [sflag:s25], $0x2000  }
0x59: {  	[sflag:s25] =	ssyncset.done $0x0  }
0x5a: {  	[sflag:s25] =	ssyncadd.s32 $0xFFFFE000  }
0x5b: {  	_ =	swait.ge [sflag:s25], $0x2000  }
0x5c: {  	s0 =	sshrl.u32 s30, $0x3;
	[sflag:s25] =	ssyncset.done $0x0  }
0x5d: {  	s1 =	sadd.s32 s5, s0;
	[sflag:s25] =	ssyncadd.s32 $0xFFFFE000  }
0x5e: {  	[tilespmem:s4], [sflag:$0x3] =	stream.linear.gather [hbm4b:s1+s4], $0x400, $0x38;
	[tilespmem:$0x11400] =	vst v63  }
0x5f: {  	_ =	swait.ge [sflag:s19], $0x400  }
0x60: {  	[sflag:s19] =	ssyncset.done $0x0  }
0x61: {  	s0 =	sadd.s32 s6, s0;
	[sflag:s19] =	ssyncadd.s32 $0xFFFFFC00  }
0x62: {  	[tilespmem:s21], [sflag:$0x3] =	stream.linear.gather [hbm4b:s0+s4], $0x400, $0x38;
	[tilespmem:$0x11400] =	vst v63  }
0x63: {  	_ =	swait.ge [sflag:s19], $0x400  }
0x64: {  	[sflag:s19] =	ssyncset.done $0x0  }
0x65: {  	[sflag:s19] =	ssyncadd.s32 $0xFFFFFC00  }
0x66: {  	[spmem:s3] =	stream.indirect.scatter.add.f32 [tilespmem:s20], [sflag:$0x1], $0x8, s4, s22, $0xb8;
	[tilespmem:$0x11400] =	vst v63  }
0x67: {  	_ = 	snop  }
0x68: {  	[spmem:s3] =	stream.indirect.scatter.add.f32 [tilespmem:s23], [sflag:$0x1], $0x8, s21, s22, $0xb8;
	[tilespmem:$0x11400] =	vst v63  }
0x69: {  	_ =	swait.ge [sflag:s26], $0x2000  }
0x6a: {  	[sflag:s26] =	ssyncset.done $0x0  }
0x6b: {  	[sflag:s26] =	ssyncadd.s32 $0xFFFFE000  }
0x6c: {  	_ =	swait.ge [sflag:s26], $0x2000  }
0x6d: {  	[sflag:s26] =	ssyncset.done $0x0  }
0x6e: {  	s0 =	sadd.s32 s31, s16;
	[sflag:s26] =	ssyncadd.s32 $0xFFFFE000  }
0x6f: {  	[tilespmem:s22], [sflag:$0x3] =	stream.linear.gather [hbm4b:s0+s4], $0x400, $0x38;
	[tilespmem:$0x11400] =	vst v63  }
0x70: {  	_ =	swait.ge [sflag:s19], $0x400  }
0x71: {  	[sflag:s19] =	ssyncset.done $0x0  }
0x72: {  	s0 =	sadd.s32 s31, s15;
	[sflag:s19] =	ssyncadd.s32 $0xFFFFFC00  }
0x73: {  	[tilespmem:s24], [sflag:$0x3] =	stream.linear.gather [hbm4b:s0+s4], $0x400, $0x38;
	[tilespmem:$0x11400] =	vst v63  }
.Ltmp0:
0x74: {  	_ =	swait.ge [sflag:s19], $0x400;
	(pc) =	sbr.rel @p0 .LBB2_2-.Ltmp0, $4  }
0x75: {  	[sflag:s19] =	ssyncset.done $0x0  }
0x76: {  	[sflag:s19] =	ssyncadd.s32 $0xFFFFFC00  }
0x77: {  	[spmem:s3] =	stream.indirect.scatter.add.f32 [tilespmem:s20], [sflag:$0x2], $0x8, s22, s22, $0xb8;
	[tilespmem:$0x11400] =	vst v63  }
0x78: {  	s30 =	sadd.s32 $0x800, s30  }
0x79: {  	[spmem:s3] =	stream.indirect.scatter.add.f32 [tilespmem:s23], [sflag:$0x2], $0x8, s24, s22, $0xb8;
	[tilespmem:$0x11400] =	vst v63  }
0x7a: {  	_ =	swait.ge [sflag:s25], $0x2000  }
0x7b: {  	[sflag:s25] =	ssyncset.done $0x0  }
0x7c: {  	[sflag:s25] =	ssyncadd.s32 $0xFFFFE000  }
0x7d: {  	_ =	swait.ge [sflag:s25], $0x2000  }
0x7e: {  	[sflag:s25] =	ssyncset.done $0x0  }
0x7f: {  	[sflag:s25] =	ssyncadd.s32 $0xFFFFE000  }
0x80: {  	_ =	swait.ge [sflag:s26], $0x2000  }
0x81: {  	[sflag:s26] =	ssyncset.done $0x0  }
0x82: {  	[sflag:s26] =	ssyncadd.s32 $0xFFFFE000  }
0x83: {  	_ =	swait.ge [sflag:s26], $0x2000  }
0x84: {  	s28 =	sadd.s32 $0x1, s28;
	[sflag:s26] =	ssyncset.done $0x0  }
0x85: {  	p0 =	sne.s32 s28, s10;
	[sflag:s26] =	ssyncadd.s32 $0xFFFFE000  }
.Ltmp1:
0x86: {  	[bflag:$0x0] =	sbarrier.arrive $0xFFFF;
	(pc) =	sbr.rel @p0 .LBB2_1-.Ltmp1, $4  }
0x87: {  	[hbm:s9], [sflag:s8] =	dma.local [spmem:s18], $0x1880  }
0x88: {  	_ =	swait.ge [sflag:s19], $0x1880  }
0x89: {  	[sflag:s19] =	ssyncset.done $0x0  }
0x8a: {  	[sflag:s19] =	ssyncadd.s32 $0xFFFFE780  }
0x8b: {  	_ =	sfence.sel $0x180000  }
0x8c: {  	[bflag:$0x0] =	sbarrier.arrive $0xFFFF  }
0x8d: {  	_ =	strace $0x90000047  }
0x8e: {  	s0 =	stileid.u32;
	[bflag:$0x2] =	sbarrier.arrive $0xFFFF  }
0x8f: {  	p0 =	sne.s32 s0, $0x0;
	s0 =	rddreg [dreg:$0x3]  }
0x90: {  	s0 =	sadd.s32 @!p0 $0x100000, s0  }
0x91: {  	[sflag:s0] =	ssyncadd.tile.s32 @!p0 $0x1;
	_ =	shalt  }
.Lfunc_end2:
_tile_overlayer_lowered:
.L_overlay_start_2:
0x92: {  	(tag) =	ssettag $0x2  }
0x93: {  	s0 =	rddreg [dreg:$0x0];
	s2 =	stileid.u32  }
0x94: {  	s1 =	rddreg [dreg:$0x1];
	p0 =	sne.s32 s2, $0x0  }
0x95: {  	s3 =	rddreg [dreg:$0x2];
	[bflag:$0x3] =	sbarrier.arrive $0xFFFF;
	s2 =	simm.s32 @!p0 $0x1C03  }
0x96: {  	[timem:s3], [sflag:s2] =	dma.local @!p0 [hbm:s0], s1  }
0x97: {  	s0 =	simm.s32 @!p0 $0x3  }
0x98: {  	_ =	swait.ge @!p0 [sflag:s0], s1  }
0x99: {  	s1 =	ssub.s32 @!p0 $0x0, s1;
	[sflag:s0] =	ssyncset.done @!p0 $0x0  }
0x9a: {  	[sflag:s0] =	ssyncadd.s32 @!p0 s1  }
0x9b: {  	[bflag:$0x3] =	sbarrier.arrive $0xFFFF  }
0x9c: {  	_ =	shalt  }

</sc_bundles>
